<compile_context>
chip_gen: v7x
topology: tpu7x:2x2x1
jax: 0.10.2.dev20260603
libtpu: 0.0.44.dev20260713+nightly
codegen_flags: <defaults>
</compile_context>

<pallas_src>
import functools

import numpy as np
import jax
import jax.numpy as jnp
from jax import lax
from jax.experimental import pallas as pl
from jax.experimental.pallas import tpu as pltpu
from jax.experimental.pallas import tpu_sc as plsc

D_MODEL = 128
SEQ_LEN = 200
PAD_IDX = 1
SCALE = float(np.sqrt(np.float32(D_MODEL)))

NUM_CORES = 2
NUM_SUBCORES = 16
NW = NUM_CORES * NUM_SUBCORES
CHUNK = 100
LANES = 16
NSLC = D_MODEL // LANES


def _pos_encoding(length, d_model):
    pos = np.arange(length, dtype=np.float32)[:, None]
    div = np.exp(
        np.arange(0, d_model, 2, dtype=np.float32) * (-np.log(10000.0) / d_model)
    )
    pe = np.zeros((length, d_model), dtype=np.float32)
    pe[:, 0::2] = np.sin(pos * div)
    pe[:, 1::2] = np.cos(pos * div)
    return pe


_PE = _pos_encoding(SEQ_LEN, D_MODEL)


def _build(total_tokens):
    per_w = total_tokens // NW
    n_chunks = per_w // CHUNK
    n_groups = n_chunks // 2
    mesh = plsc.VectorSubcoreMesh(core_axis_name="c", subcore_axis_name="s")

    def body(table_h, idx3_h, idxf_h, pe_h, out_h, mask_h,
             idx_v, idxf_v, pe_v, gbuf0, gbuf1, obuf0, obuf1, mask_v,
             gsem0, gsem1, ssem0, ssem1):
        gbuf = (gbuf0, gbuf1)
        obuf = (obuf0, obuf1)
        gsem = (gsem0, gsem1)
        ssem = (ssem0, ssem1)
        wid = lax.axis_index("s") * NUM_CORES + lax.axis_index("c")
        pltpu.sync_copy(idx3_h.at[wid], idx_v)
        pltpu.sync_copy(idxf_h.at[wid, 0], idxf_v)
        pltpu.sync_copy(pe_h, pe_v)
        base = wid * n_chunks

        def gstart(b, j):
            pltpu.make_async_copy(
                table_h.at[idx_v.at[j]], gbuf[b], gsem[b]).start()

        def gwait(b, j):
            pltpu.make_async_copy(
                table_h.at[idx_v.at[j]], gbuf[b], gsem[b]).wait()

        def sstart(b, j):
            pltpu.make_async_copy(obuf[b], out_h.at[base + j], ssem[b]).start()

        def swait(b, j):
            pltpu.make_async_copy(obuf[b], out_h.at[base + j], ssem[b]).wait()

        def compute(b):
            src, dst = gbuf[b], obuf[b]
            poff = b * CHUNK

            def tok_body(t, carry):
                for d in range(NSLC):
                    sl = pl.ds(d * LANES, LANES)
                    dst[t, sl] = src[t, sl] * SCALE + pe_v[poff + t, sl]
                return carry

            lax.fori_loop(0, CHUNK, tok_body, 0, unroll=2)

        def mask_body(k, carry):
            sl = pl.ds(k * LANES, LANES)
            tok = idxf_v[sl]
            mask_v[sl] = jnp.where(tok == PAD_IDX, 1, 0).astype(jnp.int32)
            return carry

        gstart(0, 0)
        gstart(1, 1)

        lax.fori_loop(0, per_w // LANES, mask_body, 0, unroll=4)
        pltpu.sync_copy(mask_v, mask_h.at[wid, 0])

        for b in range(2):
            gwait(b, b)
            compute(b)
            gstart(b, b + 2)
            sstart(b, b)

        def group(g, carry):
            for b in range(2):
                j = 2 * g + b
                gwait(b, j)
                swait(b, j - 2)
                compute(b)

                @pl.when(j + 2 < n_chunks)
                def _():
                    gstart(b, j + 2)

                sstart(b, j)
            return carry

        lax.fori_loop(1, n_groups, group, 0)

        swait(0, n_chunks - 2)
        swait(1, n_chunks - 1)

    kfn = pl.kernel(
        body,
        out_type=(
            jax.ShapeDtypeStruct(
                (total_tokens // CHUNK, CHUNK, D_MODEL), jnp.float32),
            jax.ShapeDtypeStruct((NW, 1, per_w), jnp.int32),
        ),
        mesh=mesh,
        scratch_types=[
            pltpu.VMEM((n_chunks, CHUNK), jnp.int32),
            pltpu.VMEM((per_w,), jnp.int32),
            pltpu.VMEM((SEQ_LEN, D_MODEL), jnp.float32),
            pltpu.VMEM((CHUNK, D_MODEL), jnp.float32),
            pltpu.VMEM((CHUNK, D_MODEL), jnp.float32),
            pltpu.VMEM((CHUNK, D_MODEL), jnp.float32),
            pltpu.VMEM((CHUNK, D_MODEL), jnp.float32),
            pltpu.VMEM((per_w,), jnp.int32),
            pltpu.SemaphoreType.DMA,
            pltpu.SemaphoreType.DMA,
            pltpu.SemaphoreType.DMA,
            pltpu.SemaphoreType.DMA,
        ],
    )
    return kfn


def kernel(src_tokens, embed_table):
    B, L = src_tokens.shape
    total = B * L
    tok = src_tokens.astype(jnp.int32)
    idxf = tok.reshape(NW, 1, total // NW)
    idx3 = idxf.reshape(NW, total // NW // CHUNK, CHUNK)
    pe = jnp.asarray(_PE)
    out_chunks, mask_i = _build(total)(embed_table, idx3, idxf, pe)
    out = out_chunks.reshape(B, L, D_MODEL)
    mask = mask_i.reshape(B, L) != 0
    return (out, mask)

# --- scband reference (transcript-rebuilt; emitter-appended) ---
"""Pipeline reference for scband-text-encoder-prenet-35407710388276 (READ-ONLY COPY).

The authoritative reference and input builder live on the scoring server;
editing this copy changes nothing except your own understanding.
"""

import jax, jax.numpy as jnp
import numpy as np

VOCAB = 100000
D_MODEL = 128
BATCH = 1024
SEQ_LEN = 200
PAD_IDX = 1


def make_positional_encoding(length, d_model):
    pos = np.arange(length, dtype=np.float32)[:, None]
    div = np.exp(np.arange(0, d_model, 2, dtype=np.float32) * (-np.log(10000.0) / d_model))
    pe = np.zeros((length, d_model), dtype=np.float32)
    pe[:, 0::2] = np.sin(pos * div)
    pe[:, 1::2] = np.cos(pos * div)
    return jnp.asarray(pe)


def setup_inputs(seed: int = 0) -> dict:
    key = jax.random.key(seed)
    k1, k2 = jax.random.split(key)
    src_tokens = jax.random.randint(k1, (BATCH, SEQ_LEN), 0, VOCAB, dtype=jnp.int64)
    embed_table = jax.random.normal(k2, (VOCAB, D_MODEL), dtype=jnp.float32) * 0.02
    embed_table = embed_table.at[PAD_IDX].set(0.0)  # nn.Embedding padding_idx row is zero
    return {"src_tokens": src_tokens, "embed_table": embed_table}


def reference(src_tokens, embed_table):
    # embedding lookup (nn.Embedding)
    emb = jnp.take(embed_table, src_tokens, axis=0)
    # PositionalEncoding: x * sqrt(d_model) + pe[:, :L]  (dropout=0 in eval)
    xscale = jnp.sqrt(jnp.float32(D_MODEL))
    pe = make_positional_encoding(SEQ_LEN, D_MODEL)
    out = emb * xscale + pe[None, :, :]
    padding_mask = src_tokens == PAD_IDX
    return (out, padding_mask)

if __name__ == "__main__":
    import jax
    _d = setup_inputs()
    print(jax.jit(kernel)(*tuple(_d.values())))

</pallas_src>

<mosaic_0001>
#map = affine_map<(d0, d1) -> (0, 0)>
#map1 = affine_map<(d0, d1) -> (0, 0, 0)>
module attributes {stable_mosaic.version = 14 : i64} {
  func.func @body(%arg0: i32, %arg1: i32, %arg2: memref<100000x128xf32, #tpu.memory_space<hbm>>, %arg3: memref<32x64x100xi32, #tpu.memory_space<hbm>>, %arg4: memref<32x1x6400xi32, #tpu.memory_space<hbm>>, %arg5: memref<200x128xf32, #tpu.memory_space<hbm>>, %arg6: memref<2048x100x128xf32, #tpu.memory_space<hbm>>, %arg7: memref<32x1x6400xi32, #tpu.memory_space<hbm>>, %arg8: memref<64x100xi32, #tpu.memory_space<vmem>>, %arg9: memref<6400xi32, #tpu.memory_space<vmem>>, %arg10: memref<200x128xf32, #tpu.memory_space<vmem>>, %arg11: memref<100x128xf32, #tpu.memory_space<vmem>>, %arg12: memref<100x128xf32, #tpu.memory_space<vmem>>, %arg13: memref<100x128xf32, #tpu.memory_space<vmem>>, %arg14: memref<100x128xf32, #tpu.memory_space<vmem>>, %arg15: memref<6400xi32, #tpu.memory_space<vmem>>, %arg16: memref<!tpu.dma_semaphore, #tpu.memory_space<semaphore_mem>>, %arg17: memref<!tpu.dma_semaphore, #tpu.memory_space<semaphore_mem>>, %arg18: memref<!tpu.dma_semaphore, #tpu.memory_space<semaphore_mem>>, %arg19: memref<!tpu.dma_semaphore, #tpu.memory_space<semaphore_mem>>) attributes {dimension_semantics = [#tpu.dimension_semantics<core_parallel>, #tpu.dimension_semantics<subcore_parallel>], iteration_bounds = array<i64: 2, 16>, scalar_prefetch = 0 : i64, scratch_operands = 12 : i64, tpu.core_type = #tpu.core_type<sc_vector_subcore>, window_params = [{transform_indices = #map}, {transform_indices = #map1}, {transform_indices = #map1}, {transform_indices = #map}, {transform_indices = #map1}, {transform_indices = #map1}]} {
    %mul3A = arith.constant 2 : i32
    %mul3A_0 = arith.muli %arg1, %mul3A : i32
    %add3A = arith.addi %mul3A_0, %arg0 : i32
    "tpu.region"() ({
      %run_scoped3A_107 = tpu.sem_alloc : memref<!tpu.dma_semaphore, #tpu.memory_space<semaphore_mem>>
      %dma_start3A_108 = arith.constant 0 : i32
      %dma_start3A_109 = arith.constant 0 : i32
      %dma_start3A_110 = tpu.memref_slice %arg3[%add3A, %dma_start3A_108, %dma_start3A_109] : memref<32x64x100xi32, #tpu.memory_space<hbm>> -> memref<1x64x100xi32, #tpu.memory_space<hbm>>
      %dma_start3A_111 = tpu.memref_squeeze %dma_start3A_110 : memref<1x64x100xi32, #tpu.memory_space<hbm>> -> memref<64x100xi32, #tpu.memory_space<hbm>>
      %dma_start3A_112 = arith.constant 0 : i32
      %dma_start3A_113 = arith.constant 0 : i32
      %dma_start3A_114 = tpu.memref_slice %arg3[%add3A, %dma_start3A_112, %dma_start3A_113] : memref<32x64x100xi32, #tpu.memory_space<hbm>> -> memref<1x64x100xi32, #tpu.memory_space<hbm>>
      %dma_start3A_115 = tpu.memref_squeeze %dma_start3A_114 : memref<1x64x100xi32, #tpu.memory_space<hbm>> -> memref<64x100xi32, #tpu.memory_space<hbm>>
      tpu.enqueue_dma source(%dma_start3A_115 : memref<64x100xi32, #tpu.memory_space<hbm>>) target(%arg8 : memref<64x100xi32, #tpu.memory_space<vmem>>) target_semaphore(%run_scoped3A_107 : memref<!tpu.dma_semaphore, #tpu.memory_space<semaphore_mem>>)
      %dma_wait3A_116 = arith.constant 0 : i32
      %dma_wait3A_117 = arith.constant 0 : i32
      %dma_wait3A_118 = tpu.memref_slice %arg3[%add3A, %dma_wait3A_116, %dma_wait3A_117] : memref<32x64x100xi32, #tpu.memory_space<hbm>> -> memref<1x64x100xi32, #tpu.memory_space<hbm>>
      %dma_wait3A_119 = tpu.memref_squeeze %dma_wait3A_118 : memref<1x64x100xi32, #tpu.memory_space<hbm>> -> memref<64x100xi32, #tpu.memory_space<hbm>>
      %dma_wait3A_120 = arith.constant 0 : i32
      %dma_wait3A_121 = arith.constant 0 : i32
      %dma_wait3A_122 = tpu.memref_slice %arg3[%add3A, %dma_wait3A_120, %dma_wait3A_121] : memref<32x64x100xi32, #tpu.memory_space<hbm>> -> memref<1x64x100xi32, #tpu.memory_space<hbm>>
      %dma_wait3A_123 = tpu.memref_squeeze %dma_wait3A_122 : memref<1x64x100xi32, #tpu.memory_space<hbm>> -> memref<64x100xi32, #tpu.memory_space<hbm>>
      tpu.wait_dma2 semaphore(%run_scoped3A_107 : memref<!tpu.dma_semaphore, #tpu.memory_space<semaphore_mem>>) src(%dma_wait3A_123 : memref<64x100xi32, #tpu.memory_space<hbm>>) dst(%arg8 : memref<64x100xi32, #tpu.memory_space<vmem>>)
      tpu.yield
    }) : () -> ()
    %run_scoped3A = arith.constant 0 : i32
    "tpu.region"() ({
      %run_scoped3A_107 = tpu.sem_alloc : memref<!tpu.dma_semaphore, #tpu.memory_space<semaphore_mem>>
      %dma_start3A_108 = arith.constant 0 : i32
      %dma_start3A_109 = tpu.memref_slice %arg4[%add3A, %run_scoped3A, %dma_start3A_108] : memref<32x1x6400xi32, #tpu.memory_space<hbm>> -> memref<1x1x6400xi32, #tpu.memory_space<hbm>>
      %dma_start3A_110 = tpu.memref_squeeze %dma_start3A_109 : memref<1x1x6400xi32, #tpu.memory_space<hbm>> -> memref<6400xi32, #tpu.memory_space<hbm>>
      %dma_start3A_111 = arith.constant 0 : i32
      %dma_start3A_112 = tpu.memref_slice %arg4[%add3A, %run_scoped3A, %dma_start3A_111] : memref<32x1x6400xi32, #tpu.memory_space<hbm>> -> memref<1x1x6400xi32, #tpu.memory_space<hbm>>
      %dma_start3A_113 = tpu.memref_squeeze %dma_start3A_112 : memref<1x1x6400xi32, #tpu.memory_space<hbm>> -> memref<6400xi32, #tpu.memory_space<hbm>>
      tpu.enqueue_dma source(%dma_start3A_113 : memref<6400xi32, #tpu.memory_space<hbm>>) target(%arg9 : memref<6400xi32, #tpu.memory_space<vmem>>) target_semaphore(%run_scoped3A_107 : memref<!tpu.dma_semaphore, #tpu.memory_space<semaphore_mem>>)
      %dma_wait3A_114 = arith.constant 0 : i32
      %dma_wait3A_115 = tpu.memref_slice %arg4[%add3A, %run_scoped3A, %dma_wait3A_114] : memref<32x1x6400xi32, #tpu.memory_space<hbm>> -> memref<1x1x6400xi32, #tpu.memory_space<hbm>>
      %dma_wait3A_116 = tpu.memref_squeeze %dma_wait3A_115 : memref<1x1x6400xi32, #tpu.memory_space<hbm>> -> memref<6400xi32, #tpu.memory_space<hbm>>
      %dma_wait3A_117 = arith.constant 0 : i32
      %dma_wait3A_118 = tpu.memref_slice %arg4[%add3A, %run_scoped3A, %dma_wait3A_117] : memref<32x1x6400xi32, #tpu.memory_space<hbm>> -> memref<1x1x6400xi32, #tpu.memory_space<hbm>>
      %dma_wait3A_119 = tpu.memref_squeeze %dma_wait3A_118 : memref<1x1x6400xi32, #tpu.memory_space<hbm>> -> memref<6400xi32, #tpu.memory_space<hbm>>
      tpu.wait_dma2 semaphore(%run_scoped3A_107 : memref<!tpu.dma_semaphore, #tpu.memory_space<semaphore_mem>>) src(%dma_wait3A_119 : memref<6400xi32, #tpu.memory_space<hbm>>) dst(%arg9 : memref<6400xi32, #tpu.memory_space<vmem>>)
      tpu.yield
    }) : () -> ()
    "tpu.region"() ({
      %run_scoped3A_107 = tpu.sem_alloc : memref<!tpu.dma_semaphore, #tpu.memory_space<semaphore_mem>>
      tpu.enqueue_dma source(%arg5 : memref<200x128xf32, #tpu.memory_space<hbm>>) target(%arg10 : memref<200x128xf32, #tpu.memory_space<vmem>>) target_semaphore(%run_scoped3A_107 : memref<!tpu.dma_semaphore, #tpu.memory_space<semaphore_mem>>)
      tpu.wait_dma2 semaphore(%run_scoped3A_107 : memref<!tpu.dma_semaphore, #tpu.memory_space<semaphore_mem>>) src(%arg5 : memref<200x128xf32, #tpu.memory_space<hbm>>) dst(%arg10 : memref<200x128xf32, #tpu.memory_space<vmem>>)
      tpu.yield
    }) : () -> ()
    %mul3A_1 = arith.constant 64 : i32
    %mul3A_2 = arith.muli %add3A, %mul3A_1 : i32
    %dma_start3A = arith.constant 0 : i32
    %dma_start3A_3 = arith.constant 0 : i32
    %dma_start3A_4 = tpu.memref_slice %arg8[%dma_start3A, %dma_start3A_3] : memref<64x100xi32, #tpu.memory_space<vmem>> -> memref<1x100xi32, #tpu.memory_space<vmem>>
    %dma_start3A_5 = tpu.memref_squeeze %dma_start3A_4 : memref<1x100xi32, #tpu.memory_space<vmem>> -> memref<100xi32, #tpu.memory_space<vmem>>
    %dma_start3A_6 = arith.constant 0 : i32
    %dma_start3A_7 = arith.constant 0 : i32
    %dma_start3A_8 = tpu.memref_slice %arg2[%dma_start3A_6, %dma_start3A_7] : memref<100000x128xf32, #tpu.memory_space<hbm>> -> memref<100000x128xf32, #tpu.memory_space<hbm>>
    tpu.enqueue_indirect_dma source(%dma_start3A_8 : memref<100000x128xf32, #tpu.memory_space<hbm>>) target(%arg11 : memref<100x128xf32, #tpu.memory_space<vmem>>) offsets(%dma_start3A_5 : memref<100xi32, #tpu.memory_space<vmem>>) semaphore(%arg16 : memref<!tpu.dma_semaphore, #tpu.memory_space<semaphore_mem>>)
    %dma_start3A_9 = arith.constant 1 : i32
    %dma_start3A_10 = arith.constant 0 : i32
    %dma_start3A_11 = tpu.memref_slice %arg8[%dma_start3A_9, %dma_start3A_10] : memref<64x100xi32, #tpu.memory_space<vmem>> -> memref<1x100xi32, #tpu.memory_space<vmem>>
    %dma_start3A_12 = tpu.memref_squeeze %dma_start3A_11 : memref<1x100xi32, #tpu.memory_space<vmem>> -> memref<100xi32, #tpu.memory_space<vmem>>
    %dma_start3A_13 = arith.constant 0 : i32
    %dma_start3A_14 = arith.constant 0 : i32
    %dma_start3A_15 = tpu.memref_slice %arg2[%dma_start3A_13, %dma_start3A_14] : memref<100000x128xf32, #tpu.memory_space<hbm>> -> memref<100000x128xf32, #tpu.memory_space<hbm>>
    tpu.enqueue_indirect_dma source(%dma_start3A_15 : memref<100000x128xf32, #tpu.memory_space<hbm>>) target(%arg12 : memref<100x128xf32, #tpu.memory_space<vmem>>) offsets(%dma_start3A_12 : memref<100xi32, #tpu.memory_space<vmem>>) semaphore(%arg17 : memref<!tpu.dma_semaphore, #tpu.memory_space<semaphore_mem>>)
    %scan3A = arith.constant 0 : i32
    %scan3A_16 = arith.constant 0 : i32
    %scan3A_17 = arith.constant 400 : i32
    %scan3A_18 = arith.addi %scan3A_16, %scan3A_17 : i32
    %scan3A_19 = arith.constant 4 : i32
    scf.for %scan3A_107 = %scan3A_16 to %scan3A_18 step %scan3A_19  : i32 {
      %mul3A_108 = arith.constant 16 : i32
      %mul3A_109 = arith.muli %scan3A_107, %mul3A_108 : i32
      %get3A = arith.index_cast %mul3A_109 : i32 to index
      %get3A_110 = tpu.vector_load %arg9[%get3A] {strides = array<i32>} : memref<6400xi32, #tpu.memory_space<vmem>>, vector<16xi32>,
      %get3A_111 = vector.shape_cast %get3A_110 : vector<16xi32> to vector<16xi32>
      %eq3A = arith.constant 1 : i32
      %eq3A_112 = vector.broadcast %eq3A : i32 to vector<16xi32>
      %eq3A_113 = arith.cmpi eq, %get3A_111, %eq3A_112 : vector<16xi32>
      %jit3A = arith.constant 1 : i32
      %jit3A_114 = arith.constant 0 : i32
      %broadcast_in_dim3A = vector.broadcast %jit3A : i32 to vector<16xi32>
      %broadcast_in_dim3A_115 = vector.broadcast %jit3A_114 : i32 to vector<16xi32>
      %select_n3A = arith.select %eq3A_113, %broadcast_in_dim3A, %broadcast_in_dim3A_115 : vector<16xi1>, vector<16xi32>
      %swap3A = arith.index_cast %mul3A_109 : i32 to index
      %swap3A_116 = tpu.vector_load %arg15[%swap3A] {strides = array<i32>} : memref<6400xi32, #tpu.memory_space<vmem>>, vector<16xi32>,
      %swap3A_117 = vector.shape_cast %swap3A_116 : vector<16xi32> to vector<16xi32>
      %swap3A_118 = vector.shape_cast %select_n3A : vector<16xi32> to vector<16xi32>
      tpu.vector_store %arg15[%swap3A], %swap3A_118 {strides = array<i32>} : memref<6400xi32, #tpu.memory_space<vmem>>, vector<16xi32>,
      %scan3A_119 = arith.constant 1 : i32
      %scan3A_120 = arith.addi %scan3A_107, %scan3A_119 : i32
      %mul3A_121 = arith.constant 16 : i32
      %mul3A_122 = arith.muli %scan3A_120, %mul3A_121 : i32
      %get3A_123 = arith.index_cast %mul3A_122 : i32 to index
      %get3A_124 = tpu.vector_load %arg9[%get3A_123] {strides = array<i32>} : memref<6400xi32, #tpu.memory_space<vmem>>, vector<16xi32>,
      %get3A_125 = vector.shape_cast %get3A_124 : vector<16xi32> to vector<16xi32>
      %eq3A_126 = arith.constant 1 : i32
      %eq3A_127 = vector.broadcast %eq3A_126 : i32 to vector<16xi32>
      %eq3A_128 = arith.cmpi eq, %get3A_125, %eq3A_127 : vector<16xi32>
      %jit3A_129 = arith.constant 1 : i32
      %jit3A_130 = arith.constant 0 : i32
      %broadcast_in_dim3A_131 = vector.broadcast %jit3A_129 : i32 to vector<16xi32>
      %broadcast_in_dim3A_132 = vector.broadcast %jit3A_130 : i32 to vector<16xi32>
      %select_n3A_133 = arith.select %eq3A_128, %broadcast_in_dim3A_131, %broadcast_in_dim3A_132 : vector<16xi1>, vector<16xi32>
      %swap3A_134 = arith.index_cast %mul3A_122 : i32 to index
      %swap3A_135 = tpu.vector_load %arg15[%swap3A_134] {strides = array<i32>} : memref<6400xi32, #tpu.memory_space<vmem>>, vector<16xi32>,
      %swap3A_136 = vector.shape_cast %swap3A_135 : vector<16xi32> to vector<16xi32>
      %swap3A_137 = vector.shape_cast %select_n3A_133 : vector<16xi32> to vector<16xi32>
      tpu.vector_store %arg15[%swap3A_134], %swap3A_137 {strides = array<i32>} : memref<6400xi32, #tpu.memory_space<vmem>>, vector<16xi32>,
      %scan3A_138 = arith.constant 2 : i32
      %scan3A_139 = arith.addi %scan3A_107, %scan3A_138 : i32
      %mul3A_140 = arith.constant 16 : i32
      %mul3A_141 = arith.muli %scan3A_139, %mul3A_140 : i32
      %get3A_142 = arith.index_cast %mul3A_141 : i32 to index
      %get3A_143 = tpu.vector_load %arg9[%get3A_142] {strides = array<i32>} : memref<6400xi32, #tpu.memory_space<vmem>>, vector<16xi32>,
      %get3A_144 = vector.shape_cast %get3A_143 : vector<16xi32> to vector<16xi32>
      %eq3A_145 = arith.constant 1 : i32
      %eq3A_146 = vector.broadcast %eq3A_145 : i32 to vector<16xi32>
      %eq3A_147 = arith.cmpi eq, %get3A_144, %eq3A_146 : vector<16xi32>
      %jit3A_148 = arith.constant 1 : i32
      %jit3A_149 = arith.constant 0 : i32
      %broadcast_in_dim3A_150 = vector.broadcast %jit3A_148 : i32 to vector<16xi32>
      %broadcast_in_dim3A_151 = vector.broadcast %jit3A_149 : i32 to vector<16xi32>
      %select_n3A_152 = arith.select %eq3A_147, %broadcast_in_dim3A_150, %broadcast_in_dim3A_151 : vector<16xi1>, vector<16xi32>
      %swap3A_153 = arith.index_cast %mul3A_141 : i32 to index
      %swap3A_154 = tpu.vector_load %arg15[%swap3A_153] {strides = array<i32>} : memref<6400xi32, #tpu.memory_space<vmem>>, vector<16xi32>,
      %swap3A_155 = vector.shape_cast %swap3A_154 : vector<16xi32> to vector<16xi32>
      %swap3A_156 = vector.shape_cast %select_n3A_152 : vector<16xi32> to vector<16xi32>
      tpu.vector_store %arg15[%swap3A_153], %swap3A_156 {strides = array<i32>} : memref<6400xi32, #tpu.memory_space<vmem>>, vector<16xi32>,
      %scan3A_157 = arith.constant 3 : i32
      %scan3A_158 = arith.addi %scan3A_107, %scan3A_157 : i32
      %mul3A_159 = arith.constant 16 : i32
      %mul3A_160 = arith.muli %scan3A_158, %mul3A_159 : i32
      %get3A_161 = arith.index_cast %mul3A_160 : i32 to index
      %get3A_162 = tpu.vector_load %arg9[%get3A_161] {strides = array<i32>} : memref<6400xi32, #tpu.memory_space<vmem>>, vector<16xi32>,
      %get3A_163 = vector.shape_cast %get3A_162 : vector<16xi32> to vector<16xi32>
      %eq3A_164 = arith.constant 1 : i32
      %eq3A_165 = vector.broadcast %eq3A_164 : i32 to vector<16xi32>
      %eq3A_166 = arith.cmpi eq, %get3A_163, %eq3A_165 : vector<16xi32>
      %jit3A_167 = arith.constant 1 : i32
      %jit3A_168 = arith.constant 0 : i32
      %broadcast_in_dim3A_169 = vector.broadcast %jit3A_167 : i32 to vector<16xi32>
      %broadcast_in_dim3A_170 = vector.broadcast %jit3A_168 : i32 to vector<16xi32>
      %select_n3A_171 = arith.select %eq3A_166, %broadcast_in_dim3A_169, %broadcast_in_dim3A_170 : vector<16xi1>, vector<16xi32>
      %swap3A_172 = arith.index_cast %mul3A_160 : i32 to index
      %swap3A_173 = tpu.vector_load %arg15[%swap3A_172] {strides = array<i32>} : memref<6400xi32, #tpu.memory_space<vmem>>, vector<16xi32>,
      %swap3A_174 = vector.shape_cast %swap3A_173 : vector<16xi32> to vector<16xi32>
      %swap3A_175 = vector.shape_cast %select_n3A_171 : vector<16xi32> to vector<16xi32>
      tpu.vector_store %arg15[%swap3A_172], %swap3A_175 {strides = array<i32>} : memref<6400xi32, #tpu.memory_space<vmem>>, vector<16xi32>,
    }
    %scan3A_20 = arith.constant 400 : i32
    %run_scoped3A_21 = arith.constant 0 : i32
    "tpu.region"() ({
      %run_scoped3A_107 = tpu.sem_alloc : memref<!tpu.dma_semaphore, #tpu.memory_space<semaphore_mem>>
      %dma_start3A_108 = arith.constant 0 : i32
      %dma_start3A_109 = tpu.memref_slice %arg7[%add3A, %run_scoped3A_21, %dma_start3A_108] : memref<32x1x6400xi32, #tpu.memory_space<hbm>> -> memref<1x1x6400xi32, #tpu.memory_space<hbm>>
      %dma_start3A_110 = tpu.memref_squeeze %dma_start3A_109 : memref<1x1x6400xi32, #tpu.memory_space<hbm>> -> memref<6400xi32, #tpu.memory_space<hbm>>
      %dma_start3A_111 = arith.constant 0 : i32
      %dma_start3A_112 = tpu.memref_slice %arg7[%add3A, %run_scoped3A_21, %dma_start3A_111] : memref<32x1x6400xi32, #tpu.memory_space<hbm>> -> memref<1x1x6400xi32, #tpu.memory_space<hbm>>
      %dma_start3A_113 = tpu.memref_squeeze %dma_start3A_112 : memref<1x1x6400xi32, #tpu.memory_space<hbm>> -> memref<6400xi32, #tpu.memory_space<hbm>>
      tpu.enqueue_dma source(%arg15 : memref<6400xi32, #tpu.memory_space<vmem>>) target(%dma_start3A_113 : memref<6400xi32, #tpu.memory_space<hbm>>) target_semaphore(%run_scoped3A_107 : memref<!tpu.dma_semaphore, #tpu.memory_space<semaphore_mem>>)
      %dma_wait3A_114 = arith.constant 0 : i32
      %dma_wait3A_115 = tpu.memref_slice %arg7[%add3A, %run_scoped3A_21, %dma_wait3A_114] : memref<32x1x6400xi32, #tpu.memory_space<hbm>> -> memref<1x1x6400xi32, #tpu.memory_space<hbm>>
      %dma_wait3A_116 = tpu.memref_squeeze %dma_wait3A_115 : memref<1x1x6400xi32, #tpu.memory_space<hbm>> -> memref<6400xi32, #tpu.memory_space<hbm>>
      %dma_wait3A_117 = arith.constant 0 : i32
      %dma_wait3A_118 = tpu.memref_slice %arg7[%add3A, %run_scoped3A_21, %dma_wait3A_117] : memref<32x1x6400xi32, #tpu.memory_space<hbm>> -> memref<1x1x6400xi32, #tpu.memory_space<hbm>>
      %dma_wait3A_119 = tpu.memref_squeeze %dma_wait3A_118 : memref<1x1x6400xi32, #tpu.memory_space<hbm>> -> memref<6400xi32, #tpu.memory_space<hbm>>
      tpu.wait_dma2 semaphore(%run_scoped3A_107 : memref<!tpu.dma_semaphore, #tpu.memory_space<semaphore_mem>>) src(%arg15 : memref<6400xi32, #tpu.memory_space<vmem>>) dst(%dma_wait3A_119 : memref<6400xi32, #tpu.memory_space<hbm>>)
      tpu.yield
    }) : () -> ()
    %dma_wait3A = arith.constant 0 : i32
    %dma_wait3A_22 = arith.constant 0 : i32
    %dma_wait3A_23 = tpu.memref_slice %arg8[%dma_wait3A, %dma_wait3A_22] : memref<64x100xi32, #tpu.memory_space<vmem>> -> memref<1x100xi32, #tpu.memory_space<vmem>>
    %dma_wait3A_24 = tpu.memref_squeeze %dma_wait3A_23 : memref<1x100xi32, #tpu.memory_space<vmem>> -> memref<100xi32, #tpu.memory_space<vmem>>
    %dma_wait3A_25 = arith.constant 0 : i32
    %dma_wait3A_26 = arith.constant 0 : i32
    %dma_wait3A_27 = tpu.memref_slice %arg2[%dma_wait3A_25, %dma_wait3A_26] : memref<100000x128xf32, #tpu.memory_space<hbm>> -> memref<100000x128xf32, #tpu.memory_space<hbm>>
    tpu.wait_indirect_dma semaphore(%arg16 : memref<!tpu.dma_semaphore, #tpu.memory_space<semaphore_mem>>) src(%dma_wait3A_27 : memref<100000x128xf32, #tpu.memory_space<hbm>>) dst(%arg11 : memref<100x128xf32, #tpu.memory_space<vmem>>)
    %scan3A_28 = arith.constant 0 : i32
    %scan3A_29 = arith.constant 0 : i32
    %scan3A_30 = arith.constant 100 : i32
    %scan3A_31 = arith.addi %scan3A_29, %scan3A_30 : i32
    %scan3A_32 = arith.constant 2 : i32
    scf.for %scan3A_107 = %scan3A_29 to %scan3A_31 step %scan3A_32  : i32 {
      %get3A = arith.index_cast %scan3A_107 : i32 to index
      %get3A_108 = arith.constant 0 : index
      %get3A_109 = tpu.vector_load %arg11[%get3A, %get3A_108] {strides = array<i32>} : memref<100x128xf32, #tpu.memory_space<vmem>>, vector<1x16xf32>,
      %get3A_110 = vector.shape_cast %get3A_109 : vector<1x16xf32> to vector<16xf32>
      %mul3A_111 = arith.constant 11.3137083 : f32
      %mul3A_112 = vector.broadcast %mul3A_111 : f32 to vector<16xf32>
      %mul3A_113 = arith.mulf %get3A_110, %mul3A_112 : vector<16xf32>
      %add3A_114 = arith.constant 0 : i32
      %add3A_115 = arith.addi %add3A_114, %scan3A_107 : i32
      %get3A_116 = arith.index_cast %add3A_115 : i32 to index
      %get3A_117 = arith.constant 0 : index
      %get3A_118 = tpu.vector_load %arg10[%get3A_116, %get3A_117] {strides = array<i32>} : memref<200x128xf32, #tpu.memory_space<vmem>>, vector<1x16xf32>,
      %get3A_119 = vector.shape_cast %get3A_118 : vector<1x16xf32> to vector<16xf32>
      %add3A_120 = arith.addf %mul3A_113, %get3A_119 : vector<16xf32>
      %swap3A = arith.index_cast %scan3A_107 : i32 to index
      %swap3A_121 = arith.constant 0 : index
      %swap3A_122 = tpu.vector_load %arg13[%swap3A, %swap3A_121] {strides = array<i32>} : memref<100x128xf32, #tpu.memory_space<vmem>>, vector<1x16xf32>,
      %swap3A_123 = vector.shape_cast %swap3A_122 : vector<1x16xf32> to vector<16xf32>
      %swap3A_124 = vector.shape_cast %add3A_120 : vector<16xf32> to vector<1x16xf32>
      tpu.vector_store %arg13[%swap3A, %swap3A_121], %swap3A_124 {strides = array<i32>} : memref<100x128xf32, #tpu.memory_space<vmem>>, vector<1x16xf32>,
      %get3A_125 = arith.index_cast %scan3A_107 : i32 to index
      %get3A_126 = arith.constant 16 : index
      %get3A_127 = tpu.vector_load %arg11[%get3A_125, %get3A_126] {strides = array<i32>} : memref<100x128xf32, #tpu.memory_space<vmem>>, vector<1x16xf32>,
      %get3A_128 = vector.shape_cast %get3A_127 : vector<1x16xf32> to vector<16xf32>
      %mul3A_129 = arith.constant 11.3137083 : f32
      %mul3A_130 = vector.broadcast %mul3A_129 : f32 to vector<16xf32>
      %mul3A_131 = arith.mulf %get3A_128, %mul3A_130 : vector<16xf32>
      %add3A_132 = arith.constant 0 : i32
      %add3A_133 = arith.addi %add3A_132, %scan3A_107 : i32
      %get3A_134 = arith.index_cast %add3A_133 : i32 to index
      %get3A_135 = arith.constant 16 : index
      %get3A_136 = tpu.vector_load %arg10[%get3A_134, %get3A_135] {strides = array<i32>} : memref<200x128xf32, #tpu.memory_space<vmem>>, vector<1x16xf32>,
      %get3A_137 = vector.shape_cast %get3A_136 : vector<1x16xf32> to vector<16xf32>
      %add3A_138 = arith.addf %mul3A_131, %get3A_137 : vector<16xf32>
      %swap3A_139 = arith.index_cast %scan3A_107 : i32 to index
      %swap3A_140 = arith.constant 16 : index
      %swap3A_141 = tpu.vector_load %arg13[%swap3A_139, %swap3A_140] {strides = array<i32>} : memref<100x128xf32, #tpu.memory_space<vmem>>, vector<1x16xf32>,
      %swap3A_142 = vector.shape_cast %swap3A_141 : vector<1x16xf32> to vector<16xf32>
      %swap3A_143 = vector.shape_cast %add3A_138 : vector<16xf32> to vector<1x16xf32>
      tpu.vector_store %arg13[%swap3A_139, %swap3A_140], %swap3A_143 {strides = array<i32>} : memref<100x128xf32, #tpu.memory_space<vmem>>, vector<1x16xf32>,
      %get3A_144 = arith.index_cast %scan3A_107 : i32 to index
      %get3A_145 = arith.constant 32 : index
      %get3A_146 = tpu.vector_load %arg11[%get3A_144, %get3A_145] {strides = array<i32>} : memref<100x128xf32, #tpu.memory_space<vmem>>, vector<1x16xf32>,
      %get3A_147 = vector.shape_cast %get3A_146 : vector<1x16xf32> to vector<16xf32>
      %mul3A_148 = arith.constant 11.3137083 : f32
      %mul3A_149 = vector.broadcast %mul3A_148 : f32 to vector<16xf32>
      %mul3A_150 = arith.mulf %get3A_147, %mul3A_149 : vector<16xf32>
      %add3A_151 = arith.constant 0 : i32
      %add3A_152 = arith.addi %add3A_151, %scan3A_107 : i32
      %get3A_153 = arith.index_cast %add3A_152 : i32 to index
      %get3A_154 = arith.constant 32 : index
      %get3A_155 = tpu.vector_load %arg10[%get3A_153, %get3A_154] {strides = array<i32>} : memref<200x128xf32, #tpu.memory_space<vmem>>, vector<1x16xf32>,
      %get3A_156 = vector.shape_cast %get3A_155 : vector<1x16xf32> to vector<16xf32>
      %add3A_157 = arith.addf %mul3A_150, %get3A_156 : vector<16xf32>
      %swap3A_158 = arith.index_cast %scan3A_107 : i32 to index
      %swap3A_159 = arith.constant 32 : index
      %swap3A_160 = tpu.vector_load %arg13[%swap3A_158, %swap3A_159] {strides = array<i32>} : memref<100x128xf32, #tpu.memory_space<vmem>>, vector<1x16xf32>,
      %swap3A_161 = vector.shape_cast %swap3A_160 : vector<1x16xf32> to vector<16xf32>
      %swap3A_162 = vector.shape_cast %add3A_157 : vector<16xf32> to vector<1x16xf32>
      tpu.vector_store %arg13[%swap3A_158, %swap3A_159], %swap3A_162 {strides = array<i32>} : memref<100x128xf32, #tpu.memory_space<vmem>>, vector<1x16xf32>,
      %get3A_163 = arith.index_cast %scan3A_107 : i32 to index
      %get3A_164 = arith.constant 48 : index
      %get3A_165 = tpu.vector_load %arg11[%get3A_163, %get3A_164] {strides = array<i32>} : memref<100x128xf32, #tpu.memory_space<vmem>>, vector<1x16xf32>,
      %get3A_166 = vector.shape_cast %get3A_165 : vector<1x16xf32> to vector<16xf32>
      %mul3A_167 = arith.constant 11.3137083 : f32
      %mul3A_168 = vector.broadcast %mul3A_167 : f32 to vector<16xf32>
      %mul3A_169 = arith.mulf %get3A_166, %mul3A_168 : vector<16xf32>
      %add3A_170 = arith.constant 0 : i32
      %add3A_171 = arith.addi %add3A_170, %scan3A_107 : i32
      %get3A_172 = arith.index_cast %add3A_171 : i32 to index
      %get3A_173 = arith.constant 48 : index
      %get3A_174 = tpu.vector_load %arg10[%get3A_172, %get3A_173] {strides = array<i32>} : memref<200x128xf32, #tpu.memory_space<vmem>>, vector<1x16xf32>,
      %get3A_175 = vector.shape_cast %get3A_174 : vector<1x16xf32> to vector<16xf32>
      %add3A_176 = arith.addf %mul3A_169, %get3A_175 : vector<16xf32>
      %swap3A_177 = arith.index_cast %scan3A_107 : i32 to index
      %swap3A_178 = arith.constant 48 : index
      %swap3A_179 = tpu.vector_load %arg13[%swap3A_177, %swap3A_178] {strides = array<i32>} : memref<100x128xf32, #tpu.memory_space<vmem>>, vector<1x16xf32>,
      %swap3A_180 = vector.shape_cast %swap3A_179 : vector<1x16xf32> to vector<16xf32>
      %swap3A_181 = vector.shape_cast %add3A_176 : vector<16xf32> to vector<1x16xf32>
      tpu.vector_store %arg13[%swap3A_177, %swap3A_178], %swap3A_181 {strides = array<i32>} : memref<100x128xf32, #tpu.memory_space<vmem>>, vector<1x16xf32>,
      %get3A_182 = arith.index_cast %scan3A_107 : i32 to index
      %get3A_183 = arith.constant 64 : index
      %get3A_184 = tpu.vector_load %arg11[%get3A_182, %get3A_183] {strides = array<i32>} : memref<100x128xf32, #tpu.memory_space<vmem>>, vector<1x16xf32>,
      %get3A_185 = vector.shape_cast %get3A_184 : vector<1x16xf32> to vector<16xf32>
      %mul3A_186 = arith.constant 11.3137083 : f32
      %mul3A_187 = vector.broadcast %mul3A_186 : f32 to vector<16xf32>
      %mul3A_188 = arith.mulf %get3A_185, %mul3A_187 : vector<16xf32>
      %add3A_189 = arith.constant 0 : i32
      %add3A_190 = arith.addi %add3A_189, %scan3A_107 : i32
      %get3A_191 = arith.index_cast %add3A_190 : i32 to index
      %get3A_192 = arith.constant 64 : index
      %get3A_193 = tpu.vector_load %arg10[%get3A_191, %get3A_192] {strides = array<i32>} : memref<200x128xf32, #tpu.memory_space<vmem>>, vector<1x16xf32>,
      %get3A_194 = vector.shape_cast %get3A_193 : vector<1x16xf32> to vector<16xf32>
      %add3A_195 = arith.addf %mul3A_188, %get3A_194 : vector<16xf32>
      %swap3A_196 = arith.index_cast %scan3A_107 : i32 to index
      %swap3A_197 = arith.constant 64 : index
      %swap3A_198 = tpu.vector_load %arg13[%swap3A_196, %swap3A_197] {strides = array<i32>} : memref<100x128xf32, #tpu.memory_space<vmem>>, vector<1x16xf32>,
      %swap3A_199 = vector.shape_cast %swap3A_198 : vector<1x16xf32> to vector<16xf32>
      %swap3A_200 = vector.shape_cast %add3A_195 : vector<16xf32> to vector<1x16xf32>
      tpu.vector_store %arg13[%swap3A_196, %swap3A_197], %swap3A_200 {strides = array<i32>} : memref<100x128xf32, #tpu.memory_space<vmem>>, vector<1x16xf32>,
      %get3A_201 = arith.index_cast %scan3A_107 : i32 to index
      %get3A_202 = arith.constant 80 : index
      %get3A_203 = tpu.vector_load %arg11[%get3A_201, %get3A_202] {strides = array<i32>} : memref<100x128xf32, #tpu.memory_space<vmem>>, vector<1x16xf32>,
      %get3A_204 = vector.shape_cast %get3A_203 : vector<1x16xf32> to vector<16xf32>
      %mul3A_205 = arith.constant 11.3137083 : f32
      %mul3A_206 = vector.broadcast %mul3A_205 : f32 to vector<16xf32>
      %mul3A_207 = arith.mulf %get3A_204, %mul3A_206 : vector<16xf32>
      %add3A_208 = arith.constant 0 : i32
      %add3A_209 = arith.addi %add3A_208, %scan3A_107 : i32
      %get3A_210 = arith.index_cast %add3A_209 : i32 to index
      %get3A_211 = arith.constant 80 : index
      %get3A_212 = tpu.vector_load %arg10[%get3A_210, %get3A_211] {strides = array<i32>} : memref<200x128xf32, #tpu.memory_space<vmem>>, vector<1x16xf32>,
      %get3A_213 = vector.shape_cast %get3A_212 : vector<1x16xf32> to vector<16xf32>
      %add3A_214 = arith.addf %mul3A_207, %get3A_213 : vector<16xf32>
      %swap3A_215 = arith.index_cast %scan3A_107 : i32 to index
      %swap3A_216 = arith.constant 80 : index
      %swap3A_217 = tpu.vector_load %arg13[%swap3A_215, %swap3A_216] {strides = array<i32>} : memref<100x128xf32, #tpu.memory_space<vmem>>, vector<1x16xf32>,
      %swap3A_218 = vector.shape_cast %swap3A_217 : vector<1x16xf32> to vector<16xf32>
      %swap3A_219 = vector.shape_cast %add3A_214 : vector<16xf32> to vector<1x16xf32>
      tpu.vector_store %arg13[%swap3A_215, %swap3A_216], %swap3A_219 {strides = array<i32>} : memref<100x128xf32, #tpu.memory_space<vmem>>, vector<1x16xf32>,
      %get3A_220 = arith.index_cast %scan3A_107 : i32 to index
      %get3A_221 = arith.constant 96 : index
      %get3A_222 = tpu.vector_load %arg11[%get3A_220, %get3A_221] {strides = array<i32>} : memref<100x128xf32, #tpu.memory_space<vmem>>, vector<1x16xf32>,
      %get3A_223 = vector.shape_cast %get3A_222 : vector<1x16xf32> to vector<16xf32>
      %mul3A_224 = arith.constant 11.3137083 : f32
      %mul3A_225 = vector.broadcast %mul3A_224 : f32 to vector<16xf32>
      %mul3A_226 = arith.mulf %get3A_223, %mul3A_225 : vector<16xf32>
      %add3A_227 = arith.constant 0 : i32
      %add3A_228 = arith.addi %add3A_227, %scan3A_107 : i32
      %get3A_229 = arith.index_cast %add3A_228 : i32 to index
      %get3A_230 = arith.constant 96 : index
      %get3A_231 = tpu.vector_load %arg10[%get3A_229, %get3A_230] {strides = array<i32>} : memref<200x128xf32, #tpu.memory_space<vmem>>, vector<1x16xf32>,
      %get3A_232 = vector.shape_cast %get3A_231 : vector<1x16xf32> to vector<16xf32>
      %add3A_233 = arith.addf %mul3A_226, %get3A_232 : vector<16xf32>
      %swap3A_234 = arith.index_cast %scan3A_107 : i32 to index
      %swap3A_235 = arith.constant 96 : index
      %swap3A_236 = tpu.vector_load %arg13[%swap3A_234, %swap3A_235] {strides = array<i32>} : memref<100x128xf32, #tpu.memory_space<vmem>>, vector<1x16xf32>,
      %swap3A_237 = vector.shape_cast %swap3A_236 : vector<1x16xf32> to vector<16xf32>
      %swap3A_238 = vector.shape_cast %add3A_233 : vector<16xf32> to vector<1x16xf32>
      tpu.vector_store %arg13[%swap3A_234, %swap3A_235], %swap3A_238 {strides = array<i32>} : memref<100x128xf32, #tpu.memory_space<vmem>>, vector<1x16xf32>,
      %get3A_239 = arith.index_cast %scan3A_107 : i32 to index
      %get3A_240 = arith.constant 112 : index
      %get3A_241 = tpu.vector_load %arg11[%get3A_239, %get3A_240] {strides = array<i32>} : memref<100x128xf32, #tpu.memory_space<vmem>>, vector<1x16xf32>,
      %get3A_242 = vector.shape_cast %get3A_241 : vector<1x16xf32> to vector<16xf32>
      %mul3A_243 = arith.constant 11.3137083 : f32
      %mul3A_244 = vector.broadcast %mul3A_243 : f32 to vector<16xf32>
      %mul3A_245 = arith.mulf %get3A_242, %mul3A_244 : vector<16xf32>
      %add3A_246 = arith.constant 0 : i32
      %add3A_247 = arith.addi %add3A_246, %scan3A_107 : i32
      %get3A_248 = arith.index_cast %add3A_247 : i32 to index
      %get3A_249 = arith.constant 112 : index
      %get3A_250 = tpu.vector_load %arg10[%get3A_248, %get3A_249] {strides = array<i32>} : memref<200x128xf32, #tpu.memory_space<vmem>>, vector<1x16xf32>,
      %get3A_251 = vector.shape_cast %get3A_250 : vector<1x16xf32> to vector<16xf32>
      %add3A_252 = arith.addf %mul3A_245, %get3A_251 : vector<16xf32>
      %swap3A_253 = arith.index_cast %scan3A_107 : i32 to index
      %swap3A_254 = arith.constant 112 : index
      %swap3A_255 = tpu.vector_load %arg13[%swap3A_253, %swap3A_254] {strides = array<i32>} : memref<100x128xf32, #tpu.memory_space<vmem>>, vector<1x16xf32>,
      %swap3A_256 = vector.shape_cast %swap3A_255 : vector<1x16xf32> to vector<16xf32>
      %swap3A_257 = vector.shape_cast %add3A_252 : vector<16xf32> to vector<1x16xf32>
      tpu.vector_store %arg13[%swap3A_253, %swap3A_254], %swap3A_257 {strides = array<i32>} : memref<100x128xf32, #tpu.memory_space<vmem>>, vector<1x16xf32>,
      %scan3A_258 = arith.constant 1 : i32
      %scan3A_259 = arith.addi %scan3A_107, %scan3A_258 : i32
      %get3A_260 = arith.index_cast %scan3A_259 : i32 to index
      %get3A_261 = arith.constant 0 : index
      %get3A_262 = tpu.vector_load %arg11[%get3A_260, %get3A_261] {strides = array<i32>} : memref<100x128xf32, #tpu.memory_space<vmem>>, vector<1x16xf32>,
      %get3A_263 = vector.shape_cast %get3A_262 : vector<1x16xf32> to vector<16xf32>
      %mul3A_264 = arith.constant 11.3137083 : f32
      %mul3A_265 = vector.broadcast %mul3A_264 : f32 to vector<16xf32>
      %mul3A_266 = arith.mulf %get3A_263, %mul3A_265 : vector<16xf32>
      %add3A_267 = arith.constant 0 : i32
      %add3A_268 = arith.addi %add3A_267, %scan3A_259 : i32
      %get3A_269 = arith.index_cast %add3A_268 : i32 to index
      %get3A_270 = arith.constant 0 : index
      %get3A_271 = tpu.vector_load %arg10[%get3A_269, %get3A_270] {strides = array<i32>} : memref<200x128xf32, #tpu.memory_space<vmem>>, vector<1x16xf32>,
      %get3A_272 = vector.shape_cast %get3A_271 : vector<1x16xf32> to vector<16xf32>
      %add3A_273 = arith.addf %mul3A_266, %get3A_272 : vector<16xf32>
      %swap3A_274 = arith.index_cast %scan3A_259 : i32 to index
      %swap3A_275 = arith.constant 0 : index
      %swap3A_276 = tpu.vector_load %arg13[%swap3A_274, %swap3A_275] {strides = array<i32>} : memref<100x128xf32, #tpu.memory_space<vmem>>, vector<1x16xf32>,
      %swap3A_277 = vector.shape_cast %swap3A_276 : vector<1x16xf32> to vector<16xf32>
      %swap3A_278 = vector.shape_cast %add3A_273 : vector<16xf32> to vector<1x16xf32>
      tpu.vector_store %arg13[%swap3A_274, %swap3A_275], %swap3A_278 {strides = array<i32>} : memref<100x128xf32, #tpu.memory_space<vmem>>, vector<1x16xf32>,
      %get3A_279 = arith.index_cast %scan3A_259 : i32 to index
      %get3A_280 = arith.constant 16 : index
      %get3A_281 = tpu.vector_load %arg11[%get3A_279, %get3A_280] {strides = array<i32>} : memref<100x128xf32, #tpu.memory_space<vmem>>, vector<1x16xf32>,
      %get3A_282 = vector.shape_cast %get3A_281 : vector<1x16xf32> to vector<16xf32>
      %mul3A_283 = arith.constant 11.3137083 : f32
      %mul3A_284 = vector.broadcast %mul3A_283 : f32 to vector<16xf32>
      %mul3A_285 = arith.mulf %get3A_282, %mul3A_284 : vector<16xf32>
      %add3A_286 = arith.constant 0 : i32
      %add3A_287 = arith.addi %add3A_286, %scan3A_259 : i32
      %get3A_288 = arith.index_cast %add3A_287 : i32 to index
      %get3A_289 = arith.constant 16 : index
      %get3A_290 = tpu.vector_load %arg10[%get3A_288, %get3A_289] {strides = array<i32>} : memref<200x128xf32, #tpu.memory_space<vmem>>, vector<1x16xf32>,
      %get3A_291 = vector.shape_cast %get3A_290 : vector<1x16xf32> to vector<16xf32>
      %add3A_292 = arith.addf %mul3A_285, %get3A_291 : vector<16xf32>
      %swap3A_293 = arith.index_cast %scan3A_259 : i32 to index
      %swap3A_294 = arith.constant 16 : index
      %swap3A_295 = tpu.vector_load %arg13[%swap3A_293, %swap3A_294] {strides = array<i32>} : memref<100x128xf32, #tpu.memory_space<vmem>>, vector<1x16xf32>,
      %swap3A_296 = vector.shape_cast %swap3A_295 : vector<1x16xf32> to vector<16xf32>
      %swap3A_297 = vector.shape_cast %add3A_292 : vector<16xf32> to vector<1x16xf32>
      tpu.vector_store %arg13[%swap3A_293, %swap3A_294], %swap3A_297 {strides = array<i32>} : memref<100x128xf32, #tpu.memory_space<vmem>>, vector<1x16xf32>,
      %get3A_298 = arith.index_cast %scan3A_259 : i32 to index
      %get3A_299 = arith.constant 32 : index
      %get3A_300 = tpu.vector_load %arg11[%get3A_298, %get3A_299] {strides = array<i32>} : memref<100x128xf32, #tpu.memory_space<vmem>>, vector<1x16xf32>,
      %get3A_301 = vector.shape_cast %get3A_300 : vector<1x16xf32> to vector<16xf32>
      %mul3A_302 = arith.constant 11.3137083 : f32
      %mul3A_303 = vector.broadcast %mul3A_302 : f32 to vector<16xf32>
      %mul3A_304 = arith.mulf %get3A_301, %mul3A_303 : vector<16xf32>
      %add3A_305 = arith.constant 0 : i32
      %add3A_306 = arith.addi %add3A_305, %scan3A_259 : i32
      %get3A_307 = arith.index_cast %add3A_306 : i32 to index
      %get3A_308 = arith.constant 32 : index
      %get3A_309 = tpu.vector_load %arg10[%get3A_307, %get3A_308] {strides = array<i32>} : memref<200x128xf32, #tpu.memory_space<vmem>>, vector<1x16xf32>,
      %get3A_310 = vector.shape_cast %get3A_309 : vector<1x16xf32> to vector<16xf32>
      %add3A_311 = arith.addf %mul3A_304, %get3A_310 : vector<16xf32>
      %swap3A_312 = arith.index_cast %scan3A_259 : i32 to index
      %swap3A_313 = arith.constant 32 : index
      %swap3A_314 = tpu.vector_load %arg13[%swap3A_312, %swap3A_313] {strides = array<i32>} : memref<100x128xf32, #tpu.memory_space<vmem>>, vector<1x16xf32>,
      %swap3A_315 = vector.shape_cast %swap3A_314 : vector<1x16xf32> to vector<16xf32>
      %swap3A_316 = vector.shape_cast %add3A_311 : vector<16xf32> to vector<1x16xf32>
      tpu.vector_store %arg13[%swap3A_312, %swap3A_313], %swap3A_316 {strides = array<i32>} : memref<100x128xf32, #tpu.memory_space<vmem>>, vector<1x16xf32>,
      %get3A_317 = arith.index_cast %scan3A_259 : i32 to index
      %get3A_318 = arith.constant 48 : index
      %get3A_319 = tpu.vector_load %arg11[%get3A_317, %get3A_318] {strides = array<i32>} : memref<100x128xf32, #tpu.memory_space<vmem>>, vector<1x16xf32>,
      %get3A_320 = vector.shape_cast %get3A_319 : vector<1x16xf32> to vector<16xf32>
      %mul3A_321 = arith.constant 11.3137083 : f32
      %mul3A_322 = vector.broadcast %mul3A_321 : f32 to vector<16xf32>
      %mul3A_323 = arith.mulf %get3A_320, %mul3A_322 : vector<16xf32>
      %add3A_324 = arith.constant 0 : i32
      %add3A_325 = arith.addi %add3A_324, %scan3A_259 : i32
      %get3A_326 = arith.index_cast %add3A_325 : i32 to index
      %get3A_327 = arith.constant 48 : index
      %get3A_328 = tpu.vector_load %arg10[%get3A_326, %get3A_327] {strides = array<i32>} : memref<200x128xf32, #tpu.memory_space<vmem>>, vector<1x16xf32>,
      %get3A_329 = vector.shape_cast %get3A_328 : vector<1x16xf32> to vector<16xf32>
      %add3A_330 = arith.addf %mul3A_323, %get3A_329 : vector<16xf32>
      %swap3A_331 = arith.index_cast %scan3A_259 : i32 to index
      %swap3A_332 = arith.constant 48 : index
      %swap3A_333 = tpu.vector_load %arg13[%swap3A_331, %swap3A_332] {strides = array<i32>} : memref<100x128xf32, #tpu.memory_space<vmem>>, vector<1x16xf32>,
      %swap3A_334 = vector.shape_cast %swap3A_333 : vector<1x16xf32> to vector<16xf32>
      %swap3A_335 = vector.shape_cast %add3A_330 : vector<16xf32> to vector<1x16xf32>
      tpu.vector_store %arg13[%swap3A_331, %swap3A_332], %swap3A_335 {strides = array<i32>} : memref<100x128xf32, #tpu.memory_space<vmem>>, vector<1x16xf32>,
      %get3A_336 = arith.index_cast %scan3A_259 : i32 to index
      %get3A_337 = arith.constant 64 : index
      %get3A_338 = tpu.vector_load %arg11[%get3A_336, %get3A_337] {strides = array<i32>} : memref<100x128xf32, #tpu.memory_space<vmem>>, vector<1x16xf32>,
      %get3A_339 = vector.shape_cast %get3A_338 : vector<1x16xf32> to vector<16xf32>
      %mul3A_340 = arith.constant 11.3137083 : f32
      %mul3A_341 = vector.broadcast %mul3A_340 : f32 to vector<16xf32>
      %mul3A_342 = arith.mulf %get3A_339, %mul3A_341 : vector<16xf32>
      %add3A_343 = arith.constant 0 : i32
      %add3A_344 = arith.addi %add3A_343, %scan3A_259 : i32
      %get3A_345 = arith.index_cast %add3A_344 : i32 to index
      %get3A_346 = arith.constant 64 : index
      %get3A_347 = tpu.vector_load %arg10[%get3A_345, %get3A_346] {strides = array<i32>} : memref<200x128xf32, #tpu.memory_space<vmem>>, vector<1x16xf32>,
      %get3A_348 = vector.shape_cast %get3A_347 : vector<1x16xf32> to vector<16xf32>
      %add3A_349 = arith.addf %mul3A_342, %get3A_348 : vector<16xf32>
      %swap3A_350 = arith.index_cast %scan3A_259 : i32 to index
      %swap3A_351 = arith.constant 64 : index
      %swap3A_352 = tpu.vector_load %arg13[%swap3A_350, %swap3A_351] {strides = array<i32>} : memref<100x128xf32, #tpu.memory_space<vmem>>, vector<1x16xf32>,
      %swap3A_353 = vector.shape_cast %swap3A_352 : vector<1x16xf32> to vector<16xf32>
      %swap3A_354 = vector.shape_cast %add3A_349 : vector<16xf32> to vector<1x16xf32>
      tpu.vector_store %arg13[%swap3A_350, %swap3A_351], %swap3A_354 {strides = array<i32>} : memref<100x128xf32, #tpu.memory_space<vmem>>, vector<1x16xf32>,
      %get3A_355 = arith.index_cast %scan3A_259 : i32 to index
      %get3A_356 = arith.constant 80 : index
      %get3A_357 = tpu.vector_load %arg11[%get3A_355, %get3A_356] {strides = array<i32>} : memref<100x128xf32, #tpu.memory_space<vmem>>, vector<1x16xf32>,
      %get3A_358 = vector.shape_cast %get3A_357 : vector<1x16xf32> to vector<16xf32>
      %mul3A_359 = arith.constant 11.3137083 : f32
      %mul3A_360 = vector.broadcast %mul3A_359 : f32 to vector<16xf32>
      %mul3A_361 = arith.mulf %get3A_358, %mul3A_360 : vector<16xf32>
      %add3A_362 = arith.constant 0 : i32
      %add3A_363 = arith.addi %add3A_362, %scan3A_259 : i32
      %get3A_364 = arith.index_cast %add3A_363 : i32 to index
      %get3A_365 = arith.constant 80 : index
      %get3A_366 = tpu.vector_load %arg10[%get3A_364, %get3A_365] {strides = array<i32>} : memref<200x128xf32, #tpu.memory_space<vmem>>, vector<1x16xf32>,
      %get3A_367 = vector.shape_cast %get3A_366 : vector<1x16xf32> to vector<16xf32>
      %add3A_368 = arith.addf %mul3A_361, %get3A_367 : vector<16xf32>
      %swap3A_369 = arith.index_cast %scan3A_259 : i32 to index
      %swap3A_370 = arith.constant 80 : index
      %swap3A_371 = tpu.vector_load %arg13[%swap3A_369, %swap3A_370] {strides = array<i32>} : memref<100x128xf32, #tpu.memory_space<vmem>>, vector<1x16xf32>,
      %swap3A_372 = vector.shape_cast %swap3A_371 : vector<1x16xf32> to vector<16xf32>
      %swap3A_373 = vector.shape_cast %add3A_368 : vector<16xf32> to vector<1x16xf32>
      tpu.vector_store %arg13[%swap3A_369, %swap3A_370], %swap3A_373 {strides = array<i32>} : memref<100x128xf32, #tpu.memory_space<vmem>>, vector<1x16xf32>,
      %get3A_374 = arith.index_cast %scan3A_259 : i32 to index
      %get3A_375 = arith.constant 96 : index
      %get3A_376 = tpu.vector_load %arg11[%get3A_374, %get3A_375] {strides = array<i32>} : memref<100x128xf32, #tpu.memory_space<vmem>>, vector<1x16xf32>,
      %get3A_377 = vector.shape_cast %get3A_376 : vector<1x16xf32> to vector<16xf32>
      %mul3A_378 = arith.constant 11.3137083 : f32
      %mul3A_379 = vector.broadcast %mul3A_378 : f32 to vector<16xf32>
      %mul3A_380 = arith.mulf %get3A_377, %mul3A_379 : vector<16xf32>
      %add3A_381 = arith.constant 0 : i32
      %add3A_382 = arith.addi %add3A_381, %scan3A_259 : i32
      %get3A_383 = arith.index_cast %add3A_382 : i32 to index
      %get3A_384 = arith.constant 96 : index
      %get3A_385 = tpu.vector_load %arg10[%get3A_383, %get3A_384] {strides = array<i32>} : memref<200x128xf32, #tpu.memory_space<vmem>>, vector<1x16xf32>,
      %get3A_386 = vector.shape_cast %get3A_385 : vector<1x16xf32> to vector<16xf32>
      %add3A_387 = arith.addf %mul3A_380, %get3A_386 : vector<16xf32>
      %swap3A_388 = arith.index_cast %scan3A_259 : i32 to index
      %swap3A_389 = arith.constant 96 : index
      %swap3A_390 = tpu.vector_load %arg13[%swap3A_388, %swap3A_389] {strides = array<i32>} : memref<100x128xf32, #tpu.memory_space<vmem>>, vector<1x16xf32>,
      %swap3A_391 = vector.shape_cast %swap3A_390 : vector<1x16xf32> to vector<16xf32>
      %swap3A_392 = vector.shape_cast %add3A_387 : vector<16xf32> to vector<1x16xf32>
      tpu.vector_store %arg13[%swap3A_388, %swap3A_389], %swap3A_392 {strides = array<i32>} : memref<100x128xf32, #tpu.memory_space<vmem>>, vector<1x16xf32>,
      %get3A_393 = arith.index_cast %scan3A_259 : i32 to index
      %get3A_394 = arith.constant 112 : index
      %get3A_395 = tpu.vector_load %arg11[%get3A_393, %get3A_394] {strides = array<i32>} : memref<100x128xf32, #tpu.memory_space<vmem>>, vector<1x16xf32>,
      %get3A_396 = vector.shape_cast %get3A_395 : vector<1x16xf32> to vector<16xf32>
      %mul3A_397 = arith.constant 11.3137083 : f32
      %mul3A_398 = vector.broadcast %mul3A_397 : f32 to vector<16xf32>
      %mul3A_399 = arith.mulf %get3A_396, %mul3A_398 : vector<16xf32>
      %add3A_400 = arith.constant 0 : i32
      %add3A_401 = arith.addi %add3A_400, %scan3A_259 : i32
      %get3A_402 = arith.index_cast %add3A_401 : i32 to index
      %get3A_403 = arith.constant 112 : index
      %get3A_404 = tpu.vector_load %arg10[%get3A_402, %get3A_403] {strides = array<i32>} : memref<200x128xf32, #tpu.memory_space<vmem>>, vector<1x16xf32>,
      %get3A_405 = vector.shape_cast %get3A_404 : vector<1x16xf32> to vector<16xf32>
      %add3A_406 = arith.addf %mul3A_399, %get3A_405 : vector<16xf32>
      %swap3A_407 = arith.index_cast %scan3A_259 : i32 to index
      %swap3A_408 = arith.constant 112 : index
      %swap3A_409 = tpu.vector_load %arg13[%swap3A_407, %swap3A_408] {strides = array<i32>} : memref<100x128xf32, #tpu.memory_space<vmem>>, vector<1x16xf32>,
      %swap3A_410 = vector.shape_cast %swap3A_409 : vector<1x16xf32> to vector<16xf32>
      %swap3A_411 = vector.shape_cast %add3A_406 : vector<16xf32> to vector<1x16xf32>
      tpu.vector_store %arg13[%swap3A_407, %swap3A_408], %swap3A_411 {strides = array<i32>} : memref<100x128xf32, #tpu.memory_space<vmem>>, vector<1x16xf32>,
    }
    %scan3A_33 = arith.constant 100 : i32
    %dma_start3A_34 = arith.constant 2 : i32
    %dma_start3A_35 = arith.constant 0 : i32
    %dma_start3A_36 = tpu.memref_slice %arg8[%dma_start3A_34, %dma_start3A_35] : memref<64x100xi32, #tpu.memory_space<vmem>> -> memref<1x100xi32, #tpu.memory_space<vmem>>
    %dma_start3A_37 = tpu.memref_squeeze %dma_start3A_36 : memref<1x100xi32, #tpu.memory_space<vmem>> -> memref<100xi32, #tpu.memory_space<vmem>>
    %dma_start3A_38 = arith.constant 0 : i32
    %dma_start3A_39 = arith.constant 0 : i32
    %dma_start3A_40 = tpu.memref_slice %arg2[%dma_start3A_38, %dma_start3A_39] : memref<100000x128xf32, #tpu.memory_space<hbm>> -> memref<100000x128xf32, #tpu.memory_space<hbm>>
    tpu.enqueue_indirect_dma source(%dma_start3A_40 : memref<100000x128xf32, #tpu.memory_space<hbm>>) target(%arg11 : memref<100x128xf32, #tpu.memory_space<vmem>>) offsets(%dma_start3A_37 : memref<100xi32, #tpu.memory_space<vmem>>) semaphore(%arg16 : memref<!tpu.dma_semaphore, #tpu.memory_space<semaphore_mem>>)
    %add3A_41 = arith.constant 0 : i32
    %add3A_42 = arith.addi %mul3A_2, %add3A_41 : i32
    %dma_start3A_43 = arith.constant 0 : i32
    %dma_start3A_44 = arith.constant 0 : i32
    %dma_start3A_45 = tpu.memref_slice %arg6[%add3A_42, %dma_start3A_43, %dma_start3A_44] : memref<2048x100x128xf32, #tpu.memory_space<hbm>> -> memref<1x100x128xf32, #tpu.memory_space<hbm>>
    %dma_start3A_46 = tpu.memref_squeeze %dma_start3A_45 : memref<1x100x128xf32, #tpu.memory_space<hbm>> -> memref<100x128xf32, #tpu.memory_space<hbm>>
    %dma_start3A_47 = arith.constant 0 : i32
    %dma_start3A_48 = arith.constant 0 : i32
    %dma_start3A_49 = tpu.memref_slice %arg6[%add3A_42, %dma_start3A_47, %dma_start3A_48] : memref<2048x100x128xf32, #tpu.memory_space<hbm>> -> memref<1x100x128xf32, #tpu.memory_space<hbm>>
    %dma_start3A_50 = tpu.memref_squeeze %dma_start3A_49 : memref<1x100x128xf32, #tpu.memory_space<hbm>> -> memref<100x128xf32, #tpu.memory_space<hbm>>
    tpu.enqueue_dma source(%arg13 : memref<100x128xf32, #tpu.memory_space<vmem>>) target(%dma_start3A_50 : memref<100x128xf32, #tpu.memory_space<hbm>>) target_semaphore(%arg18 : memref<!tpu.dma_semaphore, #tpu.memory_space<semaphore_mem>>)
    %dma_wait3A_51 = arith.constant 1 : i32
    %dma_wait3A_52 = arith.constant 0 : i32
    %dma_wait3A_53 = tpu.memref_slice %arg8[%dma_wait3A_51, %dma_wait3A_52] : memref<64x100xi32, #tpu.memory_space<vmem>> -> memref<1x100xi32, #tpu.memory_space<vmem>>
    %dma_wait3A_54 = tpu.memref_squeeze %dma_wait3A_53 : memref<1x100xi32, #tpu.memory_space<vmem>> -> memref<100xi32, #tpu.memory_space<vmem>>
    %dma_wait3A_55 = arith.constant 0 : i32
    %dma_wait3A_56 = arith.constant 0 : i32
    %dma_wait3A_57 = tpu.memref_slice %arg2[%dma_wait3A_55, %dma_wait3A_56] : memref<100000x128xf32, #tpu.memory_space<hbm>> -> memref<100000x128xf32, #tpu.memory_space<hbm>>
    tpu.wait_indirect_dma semaphore(%arg17 : memref<!tpu.dma_semaphore, #tpu.memory_space<semaphore_mem>>) src(%dma_wait3A_57 : memref<100000x128xf32, #tpu.memory_space<hbm>>) dst(%arg12 : memref<100x128xf32, #tpu.memory_space<vmem>>)
    %scan3A_58 = arith.constant 0 : i32
    %scan3A_59 = arith.constant 0 : i32
    %scan3A_60 = arith.constant 100 : i32
    %scan3A_61 = arith.addi %scan3A_59, %scan3A_60 : i32
    %scan3A_62 = arith.constant 2 : i32
    scf.for %scan3A_107 = %scan3A_59 to %scan3A_61 step %scan3A_62  : i32 {
      %get3A = arith.index_cast %scan3A_107 : i32 to index
      %get3A_108 = arith.constant 0 : index
      %get3A_109 = tpu.vector_load %arg12[%get3A, %get3A_108] {strides = array<i32>} : memref<100x128xf32, #tpu.memory_space<vmem>>, vector<1x16xf32>,
      %get3A_110 = vector.shape_cast %get3A_109 : vector<1x16xf32> to vector<16xf32>
      %mul3A_111 = arith.constant 11.3137083 : f32
      %mul3A_112 = vector.broadcast %mul3A_111 : f32 to vector<16xf32>
      %mul3A_113 = arith.mulf %get3A_110, %mul3A_112 : vector<16xf32>
      %add3A_114 = arith.constant 100 : i32
      %add3A_115 = arith.addi %add3A_114, %scan3A_107 : i32
      %get3A_116 = arith.index_cast %add3A_115 : i32 to index
      %get3A_117 = arith.constant 0 : index
      %get3A_118 = tpu.vector_load %arg10[%get3A_116, %get3A_117] {strides = array<i32>} : memref<200x128xf32, #tpu.memory_space<vmem>>, vector<1x16xf32>,
      %get3A_119 = vector.shape_cast %get3A_118 : vector<1x16xf32> to vector<16xf32>
      %add3A_120 = arith.addf %mul3A_113, %get3A_119 : vector<16xf32>
      %swap3A = arith.index_cast %scan3A_107 : i32 to index
      %swap3A_121 = arith.constant 0 : index
      %swap3A_122 = tpu.vector_load %arg14[%swap3A, %swap3A_121] {strides = array<i32>} : memref<100x128xf32, #tpu.memory_space<vmem>>, vector<1x16xf32>,
      %swap3A_123 = vector.shape_cast %swap3A_122 : vector<1x16xf32> to vector<16xf32>
      %swap3A_124 = vector.shape_cast %add3A_120 : vector<16xf32> to vector<1x16xf32>
      tpu.vector_store %arg14[%swap3A, %swap3A_121], %swap3A_124 {strides = array<i32>} : memref<100x128xf32, #tpu.memory_space<vmem>>, vector<1x16xf32>,
      %get3A_125 = arith.index_cast %scan3A_107 : i32 to index
      %get3A_126 = arith.constant 16 : index
      %get3A_127 = tpu.vector_load %arg12[%get3A_125, %get3A_126] {strides = array<i32>} : memref<100x128xf32, #tpu.memory_space<vmem>>, vector<1x16xf32>,
      %get3A_128 = vector.shape_cast %get3A_127 : vector<1x16xf32> to vector<16xf32>
      %mul3A_129 = arith.constant 11.3137083 : f32
      %mul3A_130 = vector.broadcast %mul3A_129 : f32 to vector<16xf32>
      %mul3A_131 = arith.mulf %get3A_128, %mul3A_130 : vector<16xf32>
      %add3A_132 = arith.constant 100 : i32
      %add3A_133 = arith.addi %add3A_132, %scan3A_107 : i32
      %get3A_134 = arith.index_cast %add3A_133 : i32 to index
      %get3A_135 = arith.constant 16 : index
      %get3A_136 = tpu.vector_load %arg10[%get3A_134, %get3A_135] {strides = array<i32>} : memref<200x128xf32, #tpu.memory_space<vmem>>, vector<1x16xf32>,
      %get3A_137 = vector.shape_cast %get3A_136 : vector<1x16xf32> to vector<16xf32>
      %add3A_138 = arith.addf %mul3A_131, %get3A_137 : vector<16xf32>
      %swap3A_139 = arith.index_cast %scan3A_107 : i32 to index
      %swap3A_140 = arith.constant 16 : index
      %swap3A_141 = tpu.vector_load %arg14[%swap3A_139, %swap3A_140] {strides = array<i32>} : memref<100x128xf32, #tpu.memory_space<vmem>>, vector<1x16xf32>,
      %swap3A_142 = vector.shape_cast %swap3A_141 : vector<1x16xf32> to vector<16xf32>
      %swap3A_143 = vector.shape_cast %add3A_138 : vector<16xf32> to vector<1x16xf32>
      tpu.vector_store %arg14[%swap3A_139, %swap3A_140], %swap3A_143 {strides = array<i32>} : memref<100x128xf32, #tpu.memory_space<vmem>>, vector<1x16xf32>,
      %get3A_144 = arith.index_cast %scan3A_107 : i32 to index
      %get3A_145 = arith.constant 32 : index
      %get3A_146 = tpu.vector_load %arg12[%get3A_144, %get3A_145] {strides = array<i32>} : memref<100x128xf32, #tpu.memory_space<vmem>>, vector<1x16xf32>,
      %get3A_147 = vector.shape_cast %get3A_146 : vector<1x16xf32> to vector<16xf32>
      %mul3A_148 = arith.constant 11.3137083 : f32
      %mul3A_149 = vector.broadcast %mul3A_148 : f32 to vector<16xf32>
      %mul3A_150 = arith.mulf %get3A_147, %mul3A_149 : vector<16xf32>
      %add3A_151 = arith.constant 100 : i32
      %add3A_152 = arith.addi %add3A_151, %scan3A_107 : i32
      %get3A_153 = arith.index_cast %add3A_152 : i32 to index
      %get3A_154 = arith.constant 32 : index
      %get3A_155 = tpu.vector_load %arg10[%get3A_153, %get3A_154] {strides = array<i32>} : memref<200x128xf32, #tpu.memory_space<vmem>>, vector<1x16xf32>,
      %get3A_156 = vector.shape_cast %get3A_155 : vector<1x16xf32> to vector<16xf32>
      %add3A_157 = arith.addf %mul3A_150, %get3A_156 : vector<16xf32>
      %swap3A_158 = arith.index_cast %scan3A_107 : i32 to index
      %swap3A_159 = arith.constant 32 : index
      %swap3A_160 = tpu.vector_load %arg14[%swap3A_158, %swap3A_159] {strides = array<i32>} : memref<100x128xf32, #tpu.memory_space<vmem>>, vector<1x16xf32>,
      %swap3A_161 = vector.shape_cast %swap3A_160 : vector<1x16xf32> to vector<16xf32>
      %swap3A_162 = vector.shape_cast %add3A_157 : vector<16xf32> to vector<1x16xf32>
      tpu.vector_store %arg14[%swap3A_158, %swap3A_159], %swap3A_162 {strides = array<i32>} : memref<100x128xf32, #tpu.memory_space<vmem>>, vector<1x16xf32>,
      %get3A_163 = arith.index_cast %scan3A_107 : i32 to index
      %get3A_164 = arith.constant 48 : index
      %get3A_165 = tpu.vector_load %arg12[%get3A_163, %get3A_164] {strides = array<i32>} : memref<100x128xf32, #tpu.memory_space<vmem>>, vector<1x16xf32>,
      %get3A_166 = vector.shape_cast %get3A_165 : vector<1x16xf32> to vector<16xf32>
      %mul3A_167 = arith.constant 11.3137083 : f32
      %mul3A_168 = vector.broadcast %mul3A_167 : f32 to vector<16xf32>
      %mul3A_169 = arith.mulf %get3A_166, %mul3A_168 : vector<16xf32>
      %add3A_170 = arith.constant 100 : i32
      %add3A_171 = arith.addi %add3A_170, %scan3A_107 : i32
      %get3A_172 = arith.index_cast %add3A_171 : i32 to index
      %get3A_173 = arith.constant 48 : index
      %get3A_174 = tpu.vector_load %arg10[%get3A_172, %get3A_173] {strides = array<i32>} : memref<200x128xf32, #tpu.memory_space<vmem>>, vector<1x16xf32>,
      %get3A_175 = vector.shape_cast %get3A_174 : vector<1x16xf32> to vector<16xf32>
      %add3A_176 = arith.addf %mul3A_169, %get3A_175 : vector<16xf32>
      %swap3A_177 = arith.index_cast %scan3A_107 : i32 to index
      %swap3A_178 = arith.constant 48 : index
      %swap3A_179 = tpu.vector_load %arg14[%swap3A_177, %swap3A_178] {strides = array<i32>} : memref<100x128xf32, #tpu.memory_space<vmem>>, vector<1x16xf32>,
      %swap3A_180 = vector.shape_cast %swap3A_179 : vector<1x16xf32> to vector<16xf32>
      %swap3A_181 = vector.shape_cast %add3A_176 : vector<16xf32> to vector<1x16xf32>
      tpu.vector_store %arg14[%swap3A_177, %swap3A_178], %swap3A_181 {strides = array<i32>} : memref<100x128xf32, #tpu.memory_space<vmem>>, vector<1x16xf32>,
      %get3A_182 = arith.index_cast %scan3A_107 : i32 to index
      %get3A_183 = arith.constant 64 : index
      %get3A_184 = tpu.vector_load %arg12[%get3A_182, %get3A_183] {strides = array<i32>} : memref<100x128xf32, #tpu.memory_space<vmem>>, vector<1x16xf32>,
      %get3A_185 = vector.shape_cast %get3A_184 : vector<1x16xf32> to vector<16xf32>
      %mul3A_186 = arith.constant 11.3137083 : f32
      %mul3A_187 = vector.broadcast %mul3A_186 : f32 to vector<16xf32>
      %mul3A_188 = arith.mulf %get3A_185, %mul3A_187 : vector<16xf32>
      %add3A_189 = arith.constant 100 : i32
      %add3A_190 = arith.addi %add3A_189, %scan3A_107 : i32
      %get3A_191 = arith.index_cast %add3A_190 : i32 to index
      %get3A_192 = arith.constant 64 : index
      %get3A_193 = tpu.vector_load %arg10[%get3A_191, %get3A_192] {strides = array<i32>} : memref<200x128xf32, #tpu.memory_space<vmem>>, vector<1x16xf32>,
      %get3A_194 = vector.shape_cast %get3A_193 : vector<1x16xf32> to vector<16xf32>
      %add3A_195 = arith.addf %mul3A_188, %get3A_194 : vector<16xf32>
      %swap3A_196 = arith.index_cast %scan3A_107 : i32 to index
      %swap3A_197 = arith.constant 64 : index
      %swap3A_198 = tpu.vector_load %arg14[%swap3A_196, %swap3A_197] {strides = array<i32>} : memref<100x128xf32, #tpu.memory_space<vmem>>, vector<1x16xf32>,
      %swap3A_199 = vector.shape_cast %swap3A_198 : vector<1x16xf32> to vector<16xf32>
      %swap3A_200 = vector.shape_cast %add3A_195 : vector<16xf32> to vector<1x16xf32>
      tpu.vector_store %arg14[%swap3A_196, %swap3A_197], %swap3A_200 {strides = array<i32>} : memref<100x128xf32, #tpu.memory_space<vmem>>, vector<1x16xf32>,
      %get3A_201 = arith.index_cast %scan3A_107 : i32 to index
      %get3A_202 = arith.constant 80 : index
      %get3A_203 = tpu.vector_load %arg12[%get3A_201, %get3A_202] {strides = array<i32>} : memref<100x128xf32, #tpu.memory_space<vmem>>, vector<1x16xf32>,
      %get3A_204 = vector.shape_cast %get3A_203 : vector<1x16xf32> to vector<16xf32>
      %mul3A_205 = arith.constant 11.3137083 : f32
      %mul3A_206 = vector.broadcast %mul3A_205 : f32 to vector<16xf32>
      %mul3A_207 = arith.mulf %get3A_204, %mul3A_206 : vector<16xf32>
      %add3A_208 = arith.constant 100 : i32
      %add3A_209 = arith.addi %add3A_208, %scan3A_107 : i32
      %get3A_210 = arith.index_cast %add3A_209 : i32 to index
      %get3A_211 = arith.constant 80 : index
      %get3A_212 = tpu.vector_load %arg10[%get3A_210, %get3A_211] {strides = array<i32>} : memref<200x128xf32, #tpu.memory_space<vmem>>, vector<1x16xf32>,
      %get3A_213 = vector.shape_cast %get3A_212 : vector<1x16xf32> to vector<16xf32>
      %add3A_214 = arith.addf %mul3A_207, %get3A_213 : vector<16xf32>
      %swap3A_215 = arith.index_cast %scan3A_107 : i32 to index
      %swap3A_216 = arith.constant 80 : index
      %swap3A_217 = tpu.vector_load %arg14[%swap3A_215, %swap3A_216] {strides = array<i32>} : memref<100x128xf32, #tpu.memory_space<vmem>>, vector<1x16xf32>,
      %swap3A_218 = vector.shape_cast %swap3A_217 : vector<1x16xf32> to vector<16xf32>
      %swap3A_219 = vector.shape_cast %add3A_214 : vector<16xf32> to vector<1x16xf32>
      tpu.vector_store %arg14[%swap3A_215, %swap3A_216], %swap3A_219 {strides = array<i32>} : memref<100x128xf32, #tpu.memory_space<vmem>>, vector<1x16xf32>,
      %get3A_220 = arith.index_cast %scan3A_107 : i32 to index
      %get3A_221 = arith.constant 96 : index
      %get3A_222 = tpu.vector_load %arg12[%get3A_220, %get3A_221] {strides = array<i32>} : memref<100x128xf32, #tpu.memory_space<vmem>>, vector<1x16xf32>,
      %get3A_223 = vector.shape_cast %get3A_222 : vector<1x16xf32> to vector<16xf32>
      %mul3A_224 = arith.constant 11.3137083 : f32
      %mul3A_225 = vector.broadcast %mul3A_224 : f32 to vector<16xf32>
      %mul3A_226 = arith.mulf %get3A_223, %mul3A_225 : vector<16xf32>
      %add3A_227 = arith.constant 100 : i32
      %add3A_228 = arith.addi %add3A_227, %scan3A_107 : i32
      %get3A_229 = arith.index_cast %add3A_228 : i32 to index
      %get3A_230 = arith.constant 96 : index
      %get3A_231 = tpu.vector_load %arg10[%get3A_229, %get3A_230] {strides = array<i32>} : memref<200x128xf32, #tpu.memory_space<vmem>>, vector<1x16xf32>,
      %get3A_232 = vector.shape_cast %get3A_231 : vector<1x16xf32> to vector<16xf32>
      %add3A_233 = arith.addf %mul3A_226, %get3A_232 : vector<16xf32>
      %swap3A_234 = arith.index_cast %scan3A_107 : i32 to index
      %swap3A_235 = arith.constant 96 : index
      %swap3A_236 = tpu.vector_load %arg14[%swap3A_234, %swap3A_235] {strides = array<i32>} : memref<100x128xf32, #tpu.memory_space<vmem>>, vector<1x16xf32>,
      %swap3A_237 = vector.shape_cast %swap3A_236 : vector<1x16xf32> to vector<16xf32>
      %swap3A_238 = vector.shape_cast %add3A_233 : vector<16xf32> to vector<1x16xf32>
      tpu.vector_store %arg14[%swap3A_234, %swap3A_235], %swap3A_238 {strides = array<i32>} : memref<100x128xf32, #tpu.memory_space<vmem>>, vector<1x16xf32>,
      %get3A_239 = arith.index_cast %scan3A_107 : i32 to index
      %get3A_240 = arith.constant 112 : index
      %get3A_241 = tpu.vector_load %arg12[%get3A_239, %get3A_240] {strides = array<i32>} : memref<100x128xf32, #tpu.memory_space<vmem>>, vector<1x16xf32>,
      %get3A_242 = vector.shape_cast %get3A_241 : vector<1x16xf32> to vector<16xf32>
      %mul3A_243 = arith.constant 11.3137083 : f32
      %mul3A_244 = vector.broadcast %mul3A_243 : f32 to vector<16xf32>
      %mul3A_245 = arith.mulf %get3A_242, %mul3A_244 : vector<16xf32>
      %add3A_246 = arith.constant 100 : i32
      %add3A_247 = arith.addi %add3A_246, %scan3A_107 : i32
      %get3A_248 = arith.index_cast %add3A_247 : i32 to index
      %get3A_249 = arith.constant 112 : index
      %get3A_250 = tpu.vector_load %arg10[%get3A_248, %get3A_249] {strides = array<i32>} : memref<200x128xf32, #tpu.memory_space<vmem>>, vector<1x16xf32>,
      %get3A_251 = vector.shape_cast %get3A_250 : vector<1x16xf32> to vector<16xf32>
      %add3A_252 = arith.addf %mul3A_245, %get3A_251 : vector<16xf32>
      %swap3A_253 = arith.index_cast %scan3A_107 : i32 to index
      %swap3A_254 = arith.constant 112 : index
      %swap3A_255 = tpu.vector_load %arg14[%swap3A_253, %swap3A_254] {strides = array<i32>} : memref<100x128xf32, #tpu.memory_space<vmem>>, vector<1x16xf32>,
      %swap3A_256 = vector.shape_cast %swap3A_255 : vector<1x16xf32> to vector<16xf32>
      %swap3A_257 = vector.shape_cast %add3A_252 : vector<16xf32> to vector<1x16xf32>
      tpu.vector_store %arg14[%swap3A_253, %swap3A_254], %swap3A_257 {strides = array<i32>} : memref<100x128xf32, #tpu.memory_space<vmem>>, vector<1x16xf32>,
      %scan3A_258 = arith.constant 1 : i32
      %scan3A_259 = arith.addi %scan3A_107, %scan3A_258 : i32
      %get3A_260 = arith.index_cast %scan3A_259 : i32 to index
      %get3A_261 = arith.constant 0 : index
      %get3A_262 = tpu.vector_load %arg12[%get3A_260, %get3A_261] {strides = array<i32>} : memref<100x128xf32, #tpu.memory_space<vmem>>, vector<1x16xf32>,
      %get3A_263 = vector.shape_cast %get3A_262 : vector<1x16xf32> to vector<16xf32>
      %mul3A_264 = arith.constant 11.3137083 : f32
      %mul3A_265 = vector.broadcast %mul3A_264 : f32 to vector<16xf32>
      %mul3A_266 = arith.mulf %get3A_263, %mul3A_265 : vector<16xf32>
      %add3A_267 = arith.constant 100 : i32
      %add3A_268 = arith.addi %add3A_267, %scan3A_259 : i32
      %get3A_269 = arith.index_cast %add3A_268 : i32 to index
      %get3A_270 = arith.constant 0 : index
      %get3A_271 = tpu.vector_load %arg10[%get3A_269, %get3A_270] {strides = array<i32>} : memref<200x128xf32, #tpu.memory_space<vmem>>, vector<1x16xf32>,
      %get3A_272 = vector.shape_cast %get3A_271 : vector<1x16xf32> to vector<16xf32>
      %add3A_273 = arith.addf %mul3A_266, %get3A_272 : vector<16xf32>
      %swap3A_274 = arith.index_cast %scan3A_259 : i32 to index
      %swap3A_275 = arith.constant 0 : index
      %swap3A_276 = tpu.vector_load %arg14[%swap3A_274, %swap3A_275] {strides = array<i32>} : memref<100x128xf32, #tpu.memory_space<vmem>>, vector<1x16xf32>,
      %swap3A_277 = vector.shape_cast %swap3A_276 : vector<1x16xf32> to vector<16xf32>
      %swap3A_278 = vector.shape_cast %add3A_273 : vector<16xf32> to vector<1x16xf32>
      tpu.vector_store %arg14[%swap3A_274, %swap3A_275], %swap3A_278 {strides = array<i32>} : memref<100x128xf32, #tpu.memory_space<vmem>>, vector<1x16xf32>,
      %get3A_279 = arith.index_cast %scan3A_259 : i32 to index
      %get3A_280 = arith.constant 16 : index
      %get3A_281 = tpu.vector_load %arg12[%get3A_279, %get3A_280] {strides = array<i32>} : memref<100x128xf32, #tpu.memory_space<vmem>>, vector<1x16xf32>,
      %get3A_282 = vector.shape_cast %get3A_281 : vector<1x16xf32> to vector<16xf32>
      %mul3A_283 = arith.constant 11.3137083 : f32
      %mul3A_284 = vector.broadcast %mul3A_283 : f32 to vector<16xf32>
      %mul3A_285 = arith.mulf %get3A_282, %mul3A_284 : vector<16xf32>
      %add3A_286 = arith.constant 100 : i32
      %add3A_287 = arith.addi %add3A_286, %scan3A_259 : i32
      %get3A_288 = arith.index_cast %add3A_287 : i32 to index
      %get3A_289 = arith.constant 16 : index
      %get3A_290 = tpu.vector_load %arg10[%get3A_288, %get3A_289] {strides = array<i32>} : memref<200x128xf32, #tpu.memory_space<vmem>>, vector<1x16xf32>,
      %get3A_291 = vector.shape_cast %get3A_290 : vector<1x16xf32> to vector<16xf32>
      %add3A_292 = arith.addf %mul3A_285, %get3A_291 : vector<16xf32>
      %swap3A_293 = arith.index_cast %scan3A_259 : i32 to index
      %swap3A_294 = arith.constant 16 : index
      %swap3A_295 = tpu.vector_load %arg14[%swap3A_293, %swap3A_294] {strides = array<i32>} : memref<100x128xf32, #tpu.memory_space<vmem>>, vector<1x16xf32>,
      %swap3A_296 = vector.shape_cast %swap3A_295 : vector<1x16xf32> to vector<16xf32>
      %swap3A_297 = vector.shape_cast %add3A_292 : vector<16xf32> to vector<1x16xf32>
      tpu.vector_store %arg14[%swap3A_293, %swap3A_294], %swap3A_297 {strides = array<i32>} : memref<100x128xf32, #tpu.memory_space<vmem>>, vector<1x16xf32>,
      %get3A_298 = arith.index_cast %scan3A_259 : i32 to index
      %get3A_299 = arith.constant 32 : index
      %get3A_300 = tpu.vector_load %arg12[%get3A_298, %get3A_299] {strides = array<i32>} : memref<100x128xf32, #tpu.memory_space<vmem>>, vector<1x16xf32>,
      %get3A_301 = vector.shape_cast %get3A_300 : vector<1x16xf32> to vector<16xf32>
      %mul3A_302 = arith.constant 11.3137083 : f32
      %mul3A_303 = vector.broadcast %mul3A_302 : f32 to vector<16xf32>
      %mul3A_304 = arith.mulf %get3A_301, %mul3A_303 : vector<16xf32>
      %add3A_305 = arith.constant 100 : i32
      %add3A_306 = arith.addi %add3A_305, %scan3A_259 : i32
      %get3A_307 = arith.index_cast %add3A_306 : i32 to index
      %get3A_308 = arith.constant 32 : index
      %get3A_309 = tpu.vector_load %arg10[%get3A_307, %get3A_308] {strides = array<i32>} : memref<200x128xf32, #tpu.memory_space<vmem>>, vector<1x16xf32>,
      %get3A_310 = vector.shape_cast %get3A_309 : vector<1x16xf32> to vector<16xf32>
      %add3A_311 = arith.addf %mul3A_304, %get3A_310 : vector<16xf32>
      %swap3A_312 = arith.index_cast %scan3A_259 : i32 to index
      %swap3A_313 = arith.constant 32 : index
      %swap3A_314 = tpu.vector_load %arg14[%swap3A_312, %swap3A_313] {strides = array<i32>} : memref<100x128xf32, #tpu.memory_space<vmem>>, vector<1x16xf32>,
      %swap3A_315 = vector.shape_cast %swap3A_314 : vector<1x16xf32> to vector<16xf32>
      %swap3A_316 = vector.shape_cast %add3A_311 : vector<16xf32> to vector<1x16xf32>
      tpu.vector_store %arg14[%swap3A_312, %swap3A_313], %swap3A_316 {strides = array<i32>} : memref<100x128xf32, #tpu.memory_space<vmem>>, vector<1x16xf32>,
      %get3A_317 = arith.index_cast %scan3A_259 : i32 to index
      %get3A_318 = arith.constant 48 : index
      %get3A_319 = tpu.vector_load %arg12[%get3A_317, %get3A_318] {strides = array<i32>} : memref<100x128xf32, #tpu.memory_space<vmem>>, vector<1x16xf32>,
      %get3A_320 = vector.shape_cast %get3A_319 : vector<1x16xf32> to vector<16xf32>
      %mul3A_321 = arith.constant 11.3137083 : f32
      %mul3A_322 = vector.broadcast %mul3A_321 : f32 to vector<16xf32>
      %mul3A_323 = arith.mulf %get3A_320, %mul3A_322 : vector<16xf32>
      %add3A_324 = arith.constant 100 : i32
      %add3A_325 = arith.addi %add3A_324, %scan3A_259 : i32
      %get3A_326 = arith.index_cast %add3A_325 : i32 to index
      %get3A_327 = arith.constant 48 : index
      %get3A_328 = tpu.vector_load %arg10[%get3A_326, %get3A_327] {strides = array<i32>} : memref<200x128xf32, #tpu.memory_space<vmem>>, vector<1x16xf32>,
      %get3A_329 = vector.shape_cast %get3A_328 : vector<1x16xf32> to vector<16xf32>
      %add3A_330 = arith.addf %mul3A_323, %get3A_329 : vector<16xf32>
      %swap3A_331 = arith.index_cast %scan3A_259 : i32 to index
      %swap3A_332 = arith.constant 48 : index
      %swap3A_333 = tpu.vector_load %arg14[%swap3A_331, %swap3A_332] {strides = array<i32>} : memref<100x128xf32, #tpu.memory_space<vmem>>, vector<1x16xf32>,
      %swap3A_334 = vector.shape_cast %swap3A_333 : vector<1x16xf32> to vector<16xf32>
      %swap3A_335 = vector.shape_cast %add3A_330 : vector<16xf32> to vector<1x16xf32>
      tpu.vector_store %arg14[%swap3A_331, %swap3A_332], %swap3A_335 {strides = array<i32>} : memref<100x128xf32, #tpu.memory_space<vmem>>, vector<1x16xf32>,
      %get3A_336 = arith.index_cast %scan3A_259 : i32 to index
      %get3A_337 = arith.constant 64 : index
      %get3A_338 = tpu.vector_load %arg12[%get3A_336, %get3A_337] {strides = array<i32>} : memref<100x128xf32, #tpu.memory_space<vmem>>, vector<1x16xf32>,
      %get3A_339 = vector.shape_cast %get3A_338 : vector<1x16xf32> to vector<16xf32>
      %mul3A_340 = arith.constant 11.3137083 : f32
      %mul3A_341 = vector.broadcast %mul3A_340 : f32 to vector<16xf32>
      %mul3A_342 = arith.mulf %get3A_339, %mul3A_341 : vector<16xf32>
      %add3A_343 = arith.constant 100 : i32
      %add3A_344 = arith.addi %add3A_343, %scan3A_259 : i32
      %get3A_345 = arith.index_cast %add3A_344 : i32 to index
      %get3A_346 = arith.constant 64 : index
      %get3A_347 = tpu.vector_load %arg10[%get3A_345, %get3A_346] {strides = array<i32>} : memref<200x128xf32, #tpu.memory_space<vmem>>, vector<1x16xf32>,
      %get3A_348 = vector.shape_cast %get3A_347 : vector<1x16xf32> to vector<16xf32>
      %add3A_349 = arith.addf %mul3A_342, %get3A_348 : vector<16xf32>
      %swap3A_350 = arith.index_cast %scan3A_259 : i32 to index
      %swap3A_351 = arith.constant 64 : index
      %swap3A_352 = tpu.vector_load %arg14[%swap3A_350, %swap3A_351] {strides = array<i32>} : memref<100x128xf32, #tpu.memory_space<vmem>>, vector<1x16xf32>,
      %swap3A_353 = vector.shape_cast %swap3A_352 : vector<1x16xf32> to vector<16xf32>
      %swap3A_354 = vector.shape_cast %add3A_349 : vector<16xf32> to vector<1x16xf32>
      tpu.vector_store %arg14[%swap3A_350, %swap3A_351], %swap3A_354 {strides = array<i32>} : memref<100x128xf32, #tpu.memory_space<vmem>>, vector<1x16xf32>,
      %get3A_355 = arith.index_cast %scan3A_259 : i32 to index
      %get3A_356 = arith.constant 80 : index
      %get3A_357 = tpu.vector_load %arg12[%get3A_355, %get3A_356] {strides = array<i32>} : memref<100x128xf32, #tpu.memory_space<vmem>>, vector<1x16xf32>,
      %get3A_358 = vector.shape_cast %get3A_357 : vector<1x16xf32> to vector<16xf32>
      %mul3A_359 = arith.constant 11.3137083 : f32
      %mul3A_360 = vector.broadcast %mul3A_359 : f32 to vector<16xf32>
      %mul3A_361 = arith.mulf %get3A_358, %mul3A_360 : vector<16xf32>
      %add3A_362 = arith.constant 100 : i32
      %add3A_363 = arith.addi %add3A_362, %scan3A_259 : i32
      %get3A_364 = arith.index_cast %add3A_363 : i32 to index
      %get3A_365 = arith.constant 80 : index
      %get3A_366 = tpu.vector_load %arg10[%get3A_364, %get3A_365] {strides = array<i32>} : memref<200x128xf32, #tpu.memory_space<vmem>>, vector<1x16xf32>,
      %get3A_367 = vector.shape_cast %get3A_366 : vector<1x16xf32> to vector<16xf32>
      %add3A_368 = arith.addf %mul3A_361, %get3A_367 : vector<16xf32>
      %swap3A_369 = arith.index_cast %scan3A_259 : i32 to index
      %swap3A_370 = arith.constant 80 : index
      %swap3A_371 = tpu.vector_load %arg14[%swap3A_369, %swap3A_370] {strides = array<i32>} : memref<100x128xf32, #tpu.memory_space<vmem>>, vector<1x16xf32>,
      %swap3A_372 = vector.shape_cast %swap3A_371 : vector<1x16xf32> to vector<16xf32>
      %swap3A_373 = vector.shape_cast %add3A_368 : vector<16xf32> to vector<1x16xf32>
      tpu.vector_store %arg14[%swap3A_369, %swap3A_370], %swap3A_373 {strides = array<i32>} : memref<100x128xf32, #tpu.memory_space<vmem>>, vector<1x16xf32>,
      %get3A_374 = arith.index_cast %scan3A_259 : i32 to index
      %get3A_375 = arith.constant 96 : index
      %get3A_376 = tpu.vector_load %arg12[%get3A_374, %get3A_375] {strides = array<i32>} : memref<100x128xf32, #tpu.memory_space<vmem>>, vector<1x16xf32>,
      %get3A_377 = vector.shape_cast %get3A_376 : vector<1x16xf32> to vector<16xf32>
      %mul3A_378 = arith.constant 11.3137083 : f32
      %mul3A_379 = vector.broadcast %mul3A_378 : f32 to vector<16xf32>
      %mul3A_380 = arith.mulf %get3A_377, %mul3A_379 : vector<16xf32>
      %add3A_381 = arith.constant 100 : i32
      %add3A_382 = arith.addi %add3A_381, %scan3A_259 : i32
      %get3A_383 = arith.index_cast %add3A_382 : i32 to index
      %get3A_384 = arith.constant 96 : index
      %get3A_385 = tpu.vector_load %arg10[%get3A_383, %get3A_384] {strides = array<i32>} : memref<200x128xf32, #tpu.memory_space<vmem>>, vector<1x16xf32>,
      %get3A_386 = vector.shape_cast %get3A_385 : vector<1x16xf32> to vector<16xf32>
      %add3A_387 = arith.addf %mul3A_380, %get3A_386 : vector<16xf32>
      %swap3A_388 = arith.index_cast %scan3A_259 : i32 to index
      %swap3A_389 = arith.constant 96 : index
      %swap3A_390 = tpu.vector_load %arg14[%swap3A_388, %swap3A_389] {strides = array<i32>} : memref<100x128xf32, #tpu.memory_space<vmem>>, vector<1x16xf32>,
      %swap3A_391 = vector.shape_cast %swap3A_390 : vector<1x16xf32> to vector<16xf32>
      %swap3A_392 = vector.shape_cast %add3A_387 : vector<16xf32> to vector<1x16xf32>
      tpu.vector_store %arg14[%swap3A_388, %swap3A_389], %swap3A_392 {strides = array<i32>} : memref<100x128xf32, #tpu.memory_space<vmem>>, vector<1x16xf32>,
      %get3A_393 = arith.index_cast %scan3A_259 : i32 to index
      %get3A_394 = arith.constant 112 : index
      %get3A_395 = tpu.vector_load %arg12[%get3A_393, %get3A_394] {strides = array<i32>} : memref<100x128xf32, #tpu.memory_space<vmem>>, vector<1x16xf32>,
      %get3A_396 = vector.shape_cast %get3A_395 : vector<1x16xf32> to vector<16xf32>
      %mul3A_397 = arith.constant 11.3137083 : f32
      %mul3A_398 = vector.broadcast %mul3A_397 : f32 to vector<16xf32>
      %mul3A_399 = arith.mulf %get3A_396, %mul3A_398 : vector<16xf32>
      %add3A_400 = arith.constant 100 : i32
      %add3A_401 = arith.addi %add3A_400, %scan3A_259 : i32
      %get3A_402 = arith.index_cast %add3A_401 : i32 to index
      %get3A_403 = arith.constant 112 : index
      %get3A_404 = tpu.vector_load %arg10[%get3A_402, %get3A_403] {strides = array<i32>} : memref<200x128xf32, #tpu.memory_space<vmem>>, vector<1x16xf32>,
      %get3A_405 = vector.shape_cast %get3A_404 : vector<1x16xf32> to vector<16xf32>
      %add3A_406 = arith.addf %mul3A_399, %get3A_405 : vector<16xf32>
      %swap3A_407 = arith.index_cast %scan3A_259 : i32 to index
      %swap3A_408 = arith.constant 112 : index
      %swap3A_409 = tpu.vector_load %arg14[%swap3A_407, %swap3A_408] {strides = array<i32>} : memref<100x128xf32, #tpu.memory_space<vmem>>, vector<1x16xf32>,
      %swap3A_410 = vector.shape_cast %swap3A_409 : vector<1x16xf32> to vector<16xf32>
      %swap3A_411 = vector.shape_cast %add3A_406 : vector<16xf32> to vector<1x16xf32>
      tpu.vector_store %arg14[%swap3A_407, %swap3A_408], %swap3A_411 {strides = array<i32>} : memref<100x128xf32, #tpu.memory_space<vmem>>, vector<1x16xf32>,
    }
    %scan3A_63 = arith.constant 100 : i32
    %dma_start3A_64 = arith.constant 3 : i32
    %dma_start3A_65 = arith.constant 0 : i32
    %dma_start3A_66 = tpu.memref_slice %arg8[%dma_start3A_64, %dma_start3A_65] : memref<64x100xi32, #tpu.memory_space<vmem>> -> memref<1x100xi32, #tpu.memory_space<vmem>>
    %dma_start3A_67 = tpu.memref_squeeze %dma_start3A_66 : memref<1x100xi32, #tpu.memory_space<vmem>> -> memref<100xi32, #tpu.memory_space<vmem>>
    %dma_start3A_68 = arith.constant 0 : i32
    %dma_start3A_69 = arith.constant 0 : i32
    %dma_start3A_70 = tpu.memref_slice %arg2[%dma_start3A_68, %dma_start3A_69] : memref<100000x128xf32, #tpu.memory_space<hbm>> -> memref<100000x128xf32, #tpu.memory_space<hbm>>
    tpu.enqueue_indirect_dma source(%dma_start3A_70 : memref<100000x128xf32, #tpu.memory_space<hbm>>) target(%arg12 : memref<100x128xf32, #tpu.memory_space<vmem>>) offsets(%dma_start3A_67 : memref<100xi32, #tpu.memory_space<vmem>>) semaphore(%arg17 : memref<!tpu.dma_semaphore, #tpu.memory_space<semaphore_mem>>)
    %add3A_71 = arith.constant 1 : i32
    %add3A_72 = arith.addi %mul3A_2, %add3A_71 : i32
    %dma_start3A_73 = arith.constant 0 : i32
    %dma_start3A_74 = arith.constant 0 : i32
    %dma_start3A_75 = tpu.memref_slice %arg6[%add3A_72, %dma_start3A_73, %dma_start3A_74] : memref<2048x100x128xf32, #tpu.memory_space<hbm>> -> memref<1x100x128xf32, #tpu.memory_space<hbm>>
    %dma_start3A_76 = tpu.memref_squeeze %dma_start3A_75 : memref<1x100x128xf32, #tpu.memory_space<hbm>> -> memref<100x128xf32, #tpu.memory_space<hbm>>
    %dma_start3A_77 = arith.constant 0 : i32
    %dma_start3A_78 = arith.constant 0 : i32
    %dma_start3A_79 = tpu.memref_slice %arg6[%add3A_72, %dma_start3A_77, %dma_start3A_78] : memref<2048x100x128xf32, #tpu.memory_space<hbm>> -> memref<1x100x128xf32, #tpu.memory_space<hbm>>
    %dma_start3A_80 = tpu.memref_squeeze %dma_start3A_79 : memref<1x100x128xf32, #tpu.memory_space<hbm>> -> memref<100x128xf32, #tpu.memory_space<hbm>>
    tpu.enqueue_dma source(%arg14 : memref<100x128xf32, #tpu.memory_space<vmem>>) target(%dma_start3A_80 : memref<100x128xf32, #tpu.memory_space<hbm>>) target_semaphore(%arg19 : memref<!tpu.dma_semaphore, #tpu.memory_space<semaphore_mem>>)
    %scan3A_81 = arith.constant 0 : i32
    %scan3A_82 = arith.constant 1 : i32
    %scan3A_83 = arith.constant 31 : i32
    %scan3A_84 = arith.addi %scan3A_82, %scan3A_83 : i32
    %scan3A_85 = arith.constant 1 : i32
    scf.for %scan3A_107 = %scan3A_82 to %scan3A_84 step %scan3A_85  : i32 {
      %mul3A_108 = arith.constant 2 : i32
      %mul3A_109 = arith.muli %mul3A_108, %scan3A_107 : i32
      %add3A_110 = arith.constant 0 : i32
      %add3A_111 = arith.addi %mul3A_109, %add3A_110 : i32
      %dma_wait3A_112 = arith.constant 0 : i32
      %dma_wait3A_113 = tpu.memref_slice %arg8[%add3A_111, %dma_wait3A_112] : memref<64x100xi32, #tpu.memory_space<vmem>> -> memref<1x100xi32, #tpu.memory_space<vmem>>
      %dma_wait3A_114 = tpu.memref_squeeze %dma_wait3A_113 : memref<1x100xi32, #tpu.memory_space<vmem>> -> memref<100xi32, #tpu.memory_space<vmem>>
      %dma_wait3A_115 = arith.constant 0 : i32
      %dma_wait3A_116 = arith.constant 0 : i32
      %dma_wait3A_117 = tpu.memref_slice %arg2[%dma_wait3A_115, %dma_wait3A_116] : memref<100000x128xf32, #tpu.memory_space<hbm>> -> memref<100000x128xf32, #tpu.memory_space<hbm>>
      tpu.wait_indirect_dma semaphore(%arg16 : memref<!tpu.dma_semaphore, #tpu.memory_space<semaphore_mem>>) src(%dma_wait3A_117 : memref<100000x128xf32, #tpu.memory_space<hbm>>) dst(%arg11 : memref<100x128xf32, #tpu.memory_space<vmem>>)
      %sub3A = arith.constant 2 : i32
      %sub3A_118 = arith.subi %add3A_111, %sub3A : i32
      %add3A_119 = arith.addi %mul3A_2, %sub3A_118 : i32
      %dma_wait3A_120 = arith.constant 0 : i32
      %dma_wait3A_121 = arith.constant 0 : i32
      %dma_wait3A_122 = tpu.memref_slice %arg6[%add3A_119, %dma_wait3A_120, %dma_wait3A_121] : memref<2048x100x128xf32, #tpu.memory_space<hbm>> -> memref<1x100x128xf32, #tpu.memory_space<hbm>>
      %dma_wait3A_123 = tpu.memref_squeeze %dma_wait3A_122 : memref<1x100x128xf32, #tpu.memory_space<hbm>> -> memref<100x128xf32, #tpu.memory_space<hbm>>
      %dma_wait3A_124 = arith.constant 0 : i32
      %dma_wait3A_125 = arith.constant 0 : i32
      %dma_wait3A_126 = tpu.memref_slice %arg6[%add3A_119, %dma_wait3A_124, %dma_wait3A_125] : memref<2048x100x128xf32, #tpu.memory_space<hbm>> -> memref<1x100x128xf32, #tpu.memory_space<hbm>>
      %dma_wait3A_127 = tpu.memref_squeeze %dma_wait3A_126 : memref<1x100x128xf32, #tpu.memory_space<hbm>> -> memref<100x128xf32, #tpu.memory_space<hbm>>
      tpu.wait_dma2 semaphore(%arg18 : memref<!tpu.dma_semaphore, #tpu.memory_space<semaphore_mem>>) src(%arg13 : memref<100x128xf32, #tpu.memory_space<vmem>>) dst(%dma_wait3A_127 : memref<100x128xf32, #tpu.memory_space<hbm>>)
      %scan3A_128 = arith.constant 0 : i32
      %scan3A_129 = arith.constant 0 : i32
      %scan3A_130 = arith.constant 100 : i32
      %scan3A_131 = arith.addi %scan3A_129, %scan3A_130 : i32
      %scan3A_132 = arith.constant 2 : i32
      scf.for %scan3A_190 = %scan3A_129 to %scan3A_131 step %scan3A_132  : i32 {
        %get3A = arith.index_cast %scan3A_190 : i32 to index
        %get3A_191 = arith.constant 0 : index
        %get3A_192 = tpu.vector_load %arg11[%get3A, %get3A_191] {strides = array<i32>} : memref<100x128xf32, #tpu.memory_space<vmem>>, vector<1x16xf32>,
        %get3A_193 = vector.shape_cast %get3A_192 : vector<1x16xf32> to vector<16xf32>
        %mul3A_194 = arith.constant 11.3137083 : f32
        %mul3A_195 = vector.broadcast %mul3A_194 : f32 to vector<16xf32>
        %mul3A_196 = arith.mulf %get3A_193, %mul3A_195 : vector<16xf32>
        %add3A_197 = arith.constant 0 : i32
        %add3A_198 = arith.addi %add3A_197, %scan3A_190 : i32
        %get3A_199 = arith.index_cast %add3A_198 : i32 to index
        %get3A_200 = arith.constant 0 : index
        %get3A_201 = tpu.vector_load %arg10[%get3A_199, %get3A_200] {strides = array<i32>} : memref<200x128xf32, #tpu.memory_space<vmem>>, vector<1x16xf32>,
        %get3A_202 = vector.shape_cast %get3A_201 : vector<1x16xf32> to vector<16xf32>
        %add3A_203 = arith.addf %mul3A_196, %get3A_202 : vector<16xf32>
        %swap3A = arith.index_cast %scan3A_190 : i32 to index
        %swap3A_204 = arith.constant 0 : index
        %swap3A_205 = tpu.vector_load %arg13[%swap3A, %swap3A_204] {strides = array<i32>} : memref<100x128xf32, #tpu.memory_space<vmem>>, vector<1x16xf32>,
        %swap3A_206 = vector.shape_cast %swap3A_205 : vector<1x16xf32> to vector<16xf32>
        %swap3A_207 = vector.shape_cast %add3A_203 : vector<16xf32> to vector<1x16xf32>
        tpu.vector_store %arg13[%swap3A, %swap3A_204], %swap3A_207 {strides = array<i32>} : memref<100x128xf32, #tpu.memory_space<vmem>>, vector<1x16xf32>,
        %get3A_208 = arith.index_cast %scan3A_190 : i32 to index
        %get3A_209 = arith.constant 16 : index
        %get3A_210 = tpu.vector_load %arg11[%get3A_208, %get3A_209] {strides = array<i32>} : memref<100x128xf32, #tpu.memory_space<vmem>>, vector<1x16xf32>,
        %get3A_211 = vector.shape_cast %get3A_210 : vector<1x16xf32> to vector<16xf32>
        %mul3A_212 = arith.constant 11.3137083 : f32
        %mul3A_213 = vector.broadcast %mul3A_212 : f32 to vector<16xf32>
        %mul3A_214 = arith.mulf %get3A_211, %mul3A_213 : vector<16xf32>
        %add3A_215 = arith.constant 0 : i32
        %add3A_216 = arith.addi %add3A_215, %scan3A_190 : i32
        %get3A_217 = arith.index_cast %add3A_216 : i32 to index
        %get3A_218 = arith.constant 16 : index
        %get3A_219 = tpu.vector_load %arg10[%get3A_217, %get3A_218] {strides = array<i32>} : memref<200x128xf32, #tpu.memory_space<vmem>>, vector<1x16xf32>,
        %get3A_220 = vector.shape_cast %get3A_219 : vector<1x16xf32> to vector<16xf32>
        %add3A_221 = arith.addf %mul3A_214, %get3A_220 : vector<16xf32>
        %swap3A_222 = arith.index_cast %scan3A_190 : i32 to index
        %swap3A_223 = arith.constant 16 : index
        %swap3A_224 = tpu.vector_load %arg13[%swap3A_222, %swap3A_223] {strides = array<i32>} : memref<100x128xf32, #tpu.memory_space<vmem>>, vector<1x16xf32>,
        %swap3A_225 = vector.shape_cast %swap3A_224 : vector<1x16xf32> to vector<16xf32>
        %swap3A_226 = vector.shape_cast %add3A_221 : vector<16xf32> to vector<1x16xf32>
        tpu.vector_store %arg13[%swap3A_222, %swap3A_223], %swap3A_226 {strides = array<i32>} : memref<100x128xf32, #tpu.memory_space<vmem>>, vector<1x16xf32>,
        %get3A_227 = arith.index_cast %scan3A_190 : i32 to index
        %get3A_228 = arith.constant 32 : index
        %get3A_229 = tpu.vector_load %arg11[%get3A_227, %get3A_228] {strides = array<i32>} : memref<100x128xf32, #tpu.memory_space<vmem>>, vector<1x16xf32>,
        %get3A_230 = vector.shape_cast %get3A_229 : vector<1x16xf32> to vector<16xf32>
        %mul3A_231 = arith.constant 11.3137083 : f32
        %mul3A_232 = vector.broadcast %mul3A_231 : f32 to vector<16xf32>
        %mul3A_233 = arith.mulf %get3A_230, %mul3A_232 : vector<16xf32>
        %add3A_234 = arith.constant 0 : i32
        %add3A_235 = arith.addi %add3A_234, %scan3A_190 : i32
        %get3A_236 = arith.index_cast %add3A_235 : i32 to index
        %get3A_237 = arith.constant 32 : index
        %get3A_238 = tpu.vector_load %arg10[%get3A_236, %get3A_237] {strides = array<i32>} : memref<200x128xf32, #tpu.memory_space<vmem>>, vector<1x16xf32>,
        %get3A_239 = vector.shape_cast %get3A_238 : vector<1x16xf32> to vector<16xf32>
        %add3A_240 = arith.addf %mul3A_233, %get3A_239 : vector<16xf32>
        %swap3A_241 = arith.index_cast %scan3A_190 : i32 to index
        %swap3A_242 = arith.constant 32 : index
        %swap3A_243 = tpu.vector_load %arg13[%swap3A_241, %swap3A_242] {strides = array<i32>} : memref<100x128xf32, #tpu.memory_space<vmem>>, vector<1x16xf32>,
        %swap3A_244 = vector.shape_cast %swap3A_243 : vector<1x16xf32> to vector<16xf32>
        %swap3A_245 = vector.shape_cast %add3A_240 : vector<16xf32> to vector<1x16xf32>
        tpu.vector_store %arg13[%swap3A_241, %swap3A_242], %swap3A_245 {strides = array<i32>} : memref<100x128xf32, #tpu.memory_space<vmem>>, vector<1x16xf32>,
        %get3A_246 = arith.index_cast %scan3A_190 : i32 to index
        %get3A_247 = arith.constant 48 : index
        %get3A_248 = tpu.vector_load %arg11[%get3A_246, %get3A_247] {strides = array<i32>} : memref<100x128xf32, #tpu.memory_space<vmem>>, vector<1x16xf32>,
        %get3A_249 = vector.shape_cast %get3A_248 : vector<1x16xf32> to vector<16xf32>
        %mul3A_250 = arith.constant 11.3137083 : f32
        %mul3A_251 = vector.broadcast %mul3A_250 : f32 to vector<16xf32>
        %mul3A_252 = arith.mulf %get3A_249, %mul3A_251 : vector<16xf32>
        %add3A_253 = arith.constant 0 : i32
        %add3A_254 = arith.addi %add3A_253, %scan3A_190 : i32
        %get3A_255 = arith.index_cast %add3A_254 : i32 to index
        %get3A_256 = arith.constant 48 : index
        %get3A_257 = tpu.vector_load %arg10[%get3A_255, %get3A_256] {strides = array<i32>} : memref<200x128xf32, #tpu.memory_space<vmem>>, vector<1x16xf32>,
        %get3A_258 = vector.shape_cast %get3A_257 : vector<1x16xf32> to vector<16xf32>
        %add3A_259 = arith.addf %mul3A_252, %get3A_258 : vector<16xf32>
        %swap3A_260 = arith.index_cast %scan3A_190 : i32 to index
        %swap3A_261 = arith.constant 48 : index
        %swap3A_262 = tpu.vector_load %arg13[%swap3A_260, %swap3A_261] {strides = array<i32>} : memref<100x128xf32, #tpu.memory_space<vmem>>, vector<1x16xf32>,
        %swap3A_263 = vector.shape_cast %swap3A_262 : vector<1x16xf32> to vector<16xf32>
        %swap3A_264 = vector.shape_cast %add3A_259 : vector<16xf32> to vector<1x16xf32>
        tpu.vector_store %arg13[%swap3A_260, %swap3A_261], %swap3A_264 {strides = array<i32>} : memref<100x128xf32, #tpu.memory_space<vmem>>, vector<1x16xf32>,
        %get3A_265 = arith.index_cast %scan3A_190 : i32 to index
        %get3A_266 = arith.constant 64 : index
        %get3A_267 = tpu.vector_load %arg11[%get3A_265, %get3A_266] {strides = array<i32>} : memref<100x128xf32, #tpu.memory_space<vmem>>, vector<1x16xf32>,
        %get3A_268 = vector.shape_cast %get3A_267 : vector<1x16xf32> to vector<16xf32>
        %mul3A_269 = arith.constant 11.3137083 : f32
        %mul3A_270 = vector.broadcast %mul3A_269 : f32 to vector<16xf32>
        %mul3A_271 = arith.mulf %get3A_268, %mul3A_270 : vector<16xf32>
        %add3A_272 = arith.constant 0 : i32
        %add3A_273 = arith.addi %add3A_272, %scan3A_190 : i32
        %get3A_274 = arith.index_cast %add3A_273 : i32 to index
        %get3A_275 = arith.constant 64 : index
        %get3A_276 = tpu.vector_load %arg10[%get3A_274, %get3A_275] {strides = array<i32>} : memref<200x128xf32, #tpu.memory_space<vmem>>, vector<1x16xf32>,
        %get3A_277 = vector.shape_cast %get3A_276 : vector<1x16xf32> to vector<16xf32>
        %add3A_278 = arith.addf %mul3A_271, %get3A_277 : vector<16xf32>
        %swap3A_279 = arith.index_cast %scan3A_190 : i32 to index
        %swap3A_280 = arith.constant 64 : index
        %swap3A_281 = tpu.vector_load %arg13[%swap3A_279, %swap3A_280] {strides = array<i32>} : memref<100x128xf32, #tpu.memory_space<vmem>>, vector<1x16xf32>,
        %swap3A_282 = vector.shape_cast %swap3A_281 : vector<1x16xf32> to vector<16xf32>
        %swap3A_283 = vector.shape_cast %add3A_278 : vector<16xf32> to vector<1x16xf32>
        tpu.vector_store %arg13[%swap3A_279, %swap3A_280], %swap3A_283 {strides = array<i32>} : memref<100x128xf32, #tpu.memory_space<vmem>>, vector<1x16xf32>,
        %get3A_284 = arith.index_cast %scan3A_190 : i32 to index
        %get3A_285 = arith.constant 80 : index
        %get3A_286 = tpu.vector_load %arg11[%get3A_284, %get3A_285] {strides = array<i32>} : memref<100x128xf32, #tpu.memory_space<vmem>>, vector<1x16xf32>,
        %get3A_287 = vector.shape_cast %get3A_286 : vector<1x16xf32> to vector<16xf32>
        %mul3A_288 = arith.constant 11.3137083 : f32
        %mul3A_289 = vector.broadcast %mul3A_288 : f32 to vector<16xf32>
        %mul3A_290 = arith.mulf %get3A_287, %mul3A_289 : vector<16xf32>
        %add3A_291 = arith.constant 0 : i32
        %add3A_292 = arith.addi %add3A_291, %scan3A_190 : i32
        %get3A_293 = arith.index_cast %add3A_292 : i32 to index
        %get3A_294 = arith.constant 80 : index
        %get3A_295 = tpu.vector_load %arg10[%get3A_293, %get3A_294] {strides = array<i32>} : memref<200x128xf32, #tpu.memory_space<vmem>>, vector<1x16xf32>,
        %get3A_296 = vector.shape_cast %get3A_295 : vector<1x16xf32> to vector<16xf32>
        %add3A_297 = arith.addf %mul3A_290, %get3A_296 : vector<16xf32>
        %swap3A_298 = arith.index_cast %scan3A_190 : i32 to index
        %swap3A_299 = arith.constant 80 : index
        %swap3A_300 = tpu.vector_load %arg13[%swap3A_298, %swap3A_299] {strides = array<i32>} : memref<100x128xf32, #tpu.memory_space<vmem>>, vector<1x16xf32>,
        %swap3A_301 = vector.shape_cast %swap3A_300 : vector<1x16xf32> to vector<16xf32>
        %swap3A_302 = vector.shape_cast %add3A_297 : vector<16xf32> to vector<1x16xf32>
        tpu.vector_store %arg13[%swap3A_298, %swap3A_299], %swap3A_302 {strides = array<i32>} : memref<100x128xf32, #tpu.memory_space<vmem>>, vector<1x16xf32>,
        %get3A_303 = arith.index_cast %scan3A_190 : i32 to index
        %get3A_304 = arith.constant 96 : index
        %get3A_305 = tpu.vector_load %arg11[%get3A_303, %get3A_304] {strides = array<i32>} : memref<100x128xf32, #tpu.memory_space<vmem>>, vector<1x16xf32>,
        %get3A_306 = vector.shape_cast %get3A_305 : vector<1x16xf32> to vector<16xf32>
        %mul3A_307 = arith.constant 11.3137083 : f32
        %mul3A_308 = vector.broadcast %mul3A_307 : f32 to vector<16xf32>
        %mul3A_309 = arith.mulf %get3A_306, %mul3A_308 : vector<16xf32>
        %add3A_310 = arith.constant 0 : i32
        %add3A_311 = arith.addi %add3A_310, %scan3A_190 : i32
        %get3A_312 = arith.index_cast %add3A_311 : i32 to index
        %get3A_313 = arith.constant 96 : index
        %get3A_314 = tpu.vector_load %arg10[%get3A_312, %get3A_313] {strides = array<i32>} : memref<200x128xf32, #tpu.memory_space<vmem>>, vector<1x16xf32>,
        %get3A_315 = vector.shape_cast %get3A_314 : vector<1x16xf32> to vector<16xf32>
        %add3A_316 = arith.addf %mul3A_309, %get3A_315 : vector<16xf32>
        %swap3A_317 = arith.index_cast %scan3A_190 : i32 to index
        %swap3A_318 = arith.constant 96 : index
        %swap3A_319 = tpu.vector_load %arg13[%swap3A_317, %swap3A_318] {strides = array<i32>} : memref<100x128xf32, #tpu.memory_space<vmem>>, vector<1x16xf32>,
        %swap3A_320 = vector.shape_cast %swap3A_319 : vector<1x16xf32> to vector<16xf32>
        %swap3A_321 = vector.shape_cast %add3A_316 : vector<16xf32> to vector<1x16xf32>
        tpu.vector_store %arg13[%swap3A_317, %swap3A_318], %swap3A_321 {strides = array<i32>} : memref<100x128xf32, #tpu.memory_space<vmem>>, vector<1x16xf32>,
        %get3A_322 = arith.index_cast %scan3A_190 : i32 to index
        %get3A_323 = arith.constant 112 : index
        %get3A_324 = tpu.vector_load %arg11[%get3A_322, %get3A_323] {strides = array<i32>} : memref<100x128xf32, #tpu.memory_space<vmem>>, vector<1x16xf32>,
        %get3A_325 = vector.shape_cast %get3A_324 : vector<1x16xf32> to vector<16xf32>
        %mul3A_326 = arith.constant 11.3137083 : f32
        %mul3A_327 = vector.broadcast %mul3A_326 : f32 to vector<16xf32>
        %mul3A_328 = arith.mulf %get3A_325, %mul3A_327 : vector<16xf32>
        %add3A_329 = arith.constant 0 : i32
        %add3A_330 = arith.addi %add3A_329, %scan3A_190 : i32
        %get3A_331 = arith.index_cast %add3A_330 : i32 to index
        %get3A_332 = arith.constant 112 : index
        %get3A_333 = tpu.vector_load %arg10[%get3A_331, %get3A_332] {strides = array<i32>} : memref<200x128xf32, #tpu.memory_space<vmem>>, vector<1x16xf32>,
        %get3A_334 = vector.shape_cast %get3A_333 : vector<1x16xf32> to vector<16xf32>
        %add3A_335 = arith.addf %mul3A_328, %get3A_334 : vector<16xf32>
        %swap3A_336 = arith.index_cast %scan3A_190 : i32 to index
        %swap3A_337 = arith.constant 112 : index
        %swap3A_338 = tpu.vector_load %arg13[%swap3A_336, %swap3A_337] {strides = array<i32>} : memref<100x128xf32, #tpu.memory_space<vmem>>, vector<1x16xf32>,
        %swap3A_339 = vector.shape_cast %swap3A_338 : vector<1x16xf32> to vector<16xf32>
        %swap3A_340 = vector.shape_cast %add3A_335 : vector<16xf32> to vector<1x16xf32>
        tpu.vector_store %arg13[%swap3A_336, %swap3A_337], %swap3A_340 {strides = array<i32>} : memref<100x128xf32, #tpu.memory_space<vmem>>, vector<1x16xf32>,
        %scan3A_341 = arith.constant 1 : i32
        %scan3A_342 = arith.addi %scan3A_190, %scan3A_341 : i32
        %get3A_343 = arith.index_cast %scan3A_342 : i32 to index
        %get3A_344 = arith.constant 0 : index
        %get3A_345 = tpu.vector_load %arg11[%get3A_343, %get3A_344] {strides = array<i32>} : memref<100x128xf32, #tpu.memory_space<vmem>>, vector<1x16xf32>,
        %get3A_346 = vector.shape_cast %get3A_345 : vector<1x16xf32> to vector<16xf32>
        %mul3A_347 = arith.constant 11.3137083 : f32
        %mul3A_348 = vector.broadcast %mul3A_347 : f32 to vector<16xf32>
        %mul3A_349 = arith.mulf %get3A_346, %mul3A_348 : vector<16xf32>
        %add3A_350 = arith.constant 0 : i32
        %add3A_351 = arith.addi %add3A_350, %scan3A_342 : i32
        %get3A_352 = arith.index_cast %add3A_351 : i32 to index
        %get3A_353 = arith.constant 0 : index
        %get3A_354 = tpu.vector_load %arg10[%get3A_352, %get3A_353] {strides = array<i32>} : memref<200x128xf32, #tpu.memory_space<vmem>>, vector<1x16xf32>,
        %get3A_355 = vector.shape_cast %get3A_354 : vector<1x16xf32> to vector<16xf32>
        %add3A_356 = arith.addf %mul3A_349, %get3A_355 : vector<16xf32>
        %swap3A_357 = arith.index_cast %scan3A_342 : i32 to index
        %swap3A_358 = arith.constant 0 : index
        %swap3A_359 = tpu.vector_load %arg13[%swap3A_357, %swap3A_358] {strides = array<i32>} : memref<100x128xf32, #tpu.memory_space<vmem>>, vector<1x16xf32>,
        %swap3A_360 = vector.shape_cast %swap3A_359 : vector<1x16xf32> to vector<16xf32>
        %swap3A_361 = vector.shape_cast %add3A_356 : vector<16xf32> to vector<1x16xf32>
        tpu.vector_store %arg13[%swap3A_357, %swap3A_358], %swap3A_361 {strides = array<i32>} : memref<100x128xf32, #tpu.memory_space<vmem>>, vector<1x16xf32>,
        %get3A_362 = arith.index_cast %scan3A_342 : i32 to index
        %get3A_363 = arith.constant 16 : index
        %get3A_364 = tpu.vector_load %arg11[%get3A_362, %get3A_363] {strides = array<i32>} : memref<100x128xf32, #tpu.memory_space<vmem>>, vector<1x16xf32>,
        %get3A_365 = vector.shape_cast %get3A_364 : vector<1x16xf32> to vector<16xf32>
        %mul3A_366 = arith.constant 11.3137083 : f32
        %mul3A_367 = vector.broadcast %mul3A_366 : f32 to vector<16xf32>
        %mul3A_368 = arith.mulf %get3A_365, %mul3A_367 : vector<16xf32>
        %add3A_369 = arith.constant 0 : i32
        %add3A_370 = arith.addi %add3A_369, %scan3A_342 : i32
        %get3A_371 = arith.index_cast %add3A_370 : i32 to index
        %get3A_372 = arith.constant 16 : index
        %get3A_373 = tpu.vector_load %arg10[%get3A_371, %get3A_372] {strides = array<i32>} : memref<200x128xf32, #tpu.memory_space<vmem>>, vector<1x16xf32>,
        %get3A_374 = vector.shape_cast %get3A_373 : vector<1x16xf32> to vector<16xf32>
        %add3A_375 = arith.addf %mul3A_368, %get3A_374 : vector<16xf32>
        %swap3A_376 = arith.index_cast %scan3A_342 : i32 to index
        %swap3A_377 = arith.constant 16 : index
        %swap3A_378 = tpu.vector_load %arg13[%swap3A_376, %swap3A_377] {strides = array<i32>} : memref<100x128xf32, #tpu.memory_space<vmem>>, vector<1x16xf32>,
        %swap3A_379 = vector.shape_cast %swap3A_378 : vector<1x16xf32> to vector<16xf32>
        %swap3A_380 = vector.shape_cast %add3A_375 : vector<16xf32> to vector<1x16xf32>
        tpu.vector_store %arg13[%swap3A_376, %swap3A_377], %swap3A_380 {strides = array<i32>} : memref<100x128xf32, #tpu.memory_space<vmem>>, vector<1x16xf32>,
        %get3A_381 = arith.index_cast %scan3A_342 : i32 to index
        %get3A_382 = arith.constant 32 : index
        %get3A_383 = tpu.vector_load %arg11[%get3A_381, %get3A_382] {strides = array<i32>} : memref<100x128xf32, #tpu.memory_space<vmem>>, vector<1x16xf32>,
        %get3A_384 = vector.shape_cast %get3A_383 : vector<1x16xf32> to vector<16xf32>
        %mul3A_385 = arith.constant 11.3137083 : f32
        %mul3A_386 = vector.broadcast %mul3A_385 : f32 to vector<16xf32>
        %mul3A_387 = arith.mulf %get3A_384, %mul3A_386 : vector<16xf32>
        %add3A_388 = arith.constant 0 : i32
        %add3A_389 = arith.addi %add3A_388, %scan3A_342 : i32
        %get3A_390 = arith.index_cast %add3A_389 : i32 to index
        %get3A_391 = arith.constant 32 : index
        %get3A_392 = tpu.vector_load %arg10[%get3A_390, %get3A_391] {strides = array<i32>} : memref<200x128xf32, #tpu.memory_space<vmem>>, vector<1x16xf32>,
        %get3A_393 = vector.shape_cast %get3A_392 : vector<1x16xf32> to vector<16xf32>
        %add3A_394 = arith.addf %mul3A_387, %get3A_393 : vector<16xf32>
        %swap3A_395 = arith.index_cast %scan3A_342 : i32 to index
        %swap3A_396 = arith.constant 32 : index
        %swap3A_397 = tpu.vector_load %arg13[%swap3A_395, %swap3A_396] {strides = array<i32>} : memref<100x128xf32, #tpu.memory_space<vmem>>, vector<1x16xf32>,
        %swap3A_398 = vector.shape_cast %swap3A_397 : vector<1x16xf32> to vector<16xf32>
        %swap3A_399 = vector.shape_cast %add3A_394 : vector<16xf32> to vector<1x16xf32>
        tpu.vector_store %arg13[%swap3A_395, %swap3A_396], %swap3A_399 {strides = array<i32>} : memref<100x128xf32, #tpu.memory_space<vmem>>, vector<1x16xf32>,
        %get3A_400 = arith.index_cast %scan3A_342 : i32 to index
        %get3A_401 = arith.constant 48 : index
        %get3A_402 = tpu.vector_load %arg11[%get3A_400, %get3A_401] {strides = array<i32>} : memref<100x128xf32, #tpu.memory_space<vmem>>, vector<1x16xf32>,
        %get3A_403 = vector.shape_cast %get3A_402 : vector<1x16xf32> to vector<16xf32>
        %mul3A_404 = arith.constant 11.3137083 : f32
        %mul3A_405 = vector.broadcast %mul3A_404 : f32 to vector<16xf32>
        %mul3A_406 = arith.mulf %get3A_403, %mul3A_405 : vector<16xf32>
        %add3A_407 = arith.constant 0 : i32
        %add3A_408 = arith.addi %add3A_407, %scan3A_342 : i32
        %get3A_409 = arith.index_cast %add3A_408 : i32 to index
        %get3A_410 = arith.constant 48 : index
        %get3A_411 = tpu.vector_load %arg10[%get3A_409, %get3A_410] {strides = array<i32>} : memref<200x128xf32, #tpu.memory_space<vmem>>, vector<1x16xf32>,
        %get3A_412 = vector.shape_cast %get3A_411 : vector<1x16xf32> to vector<16xf32>
        %add3A_413 = arith.addf %mul3A_406, %get3A_412 : vector<16xf32>
        %swap3A_414 = arith.index_cast %scan3A_342 : i32 to index
        %swap3A_415 = arith.constant 48 : index
        %swap3A_416 = tpu.vector_load %arg13[%swap3A_414, %swap3A_415] {strides = array<i32>} : memref<100x128xf32, #tpu.memory_space<vmem>>, vector<1x16xf32>,
        %swap3A_417 = vector.shape_cast %swap3A_416 : vector<1x16xf32> to vector<16xf32>
        %swap3A_418 = vector.shape_cast %add3A_413 : vector<16xf32> to vector<1x16xf32>
        tpu.vector_store %arg13[%swap3A_414, %swap3A_415], %swap3A_418 {strides = array<i32>} : memref<100x128xf32, #tpu.memory_space<vmem>>, vector<1x16xf32>,
        %get3A_419 = arith.index_cast %scan3A_342 : i32 to index
        %get3A_420 = arith.constant 64 : index
        %get3A_421 = tpu.vector_load %arg11[%get3A_419, %get3A_420] {strides = array<i32>} : memref<100x128xf32, #tpu.memory_space<vmem>>, vector<1x16xf32>,
        %get3A_422 = vector.shape_cast %get3A_421 : vector<1x16xf32> to vector<16xf32>
        %mul3A_423 = arith.constant 11.3137083 : f32
        %mul3A_424 = vector.broadcast %mul3A_423 : f32 to vector<16xf32>
        %mul3A_425 = arith.mulf %get3A_422, %mul3A_424 : vector<16xf32>
        %add3A_426 = arith.constant 0 : i32
        %add3A_427 = arith.addi %add3A_426, %scan3A_342 : i32
        %get3A_428 = arith.index_cast %add3A_427 : i32 to index
        %get3A_429 = arith.constant 64 : index
        %get3A_430 = tpu.vector_load %arg10[%get3A_428, %get3A_429] {strides = array<i32>} : memref<200x128xf32, #tpu.memory_space<vmem>>, vector<1x16xf32>,
        %get3A_431 = vector.shape_cast %get3A_430 : vector<1x16xf32> to vector<16xf32>
        %add3A_432 = arith.addf %mul3A_425, %get3A_431 : vector<16xf32>
        %swap3A_433 = arith.index_cast %scan3A_342 : i32 to index
        %swap3A_434 = arith.constant 64 : index
        %swap3A_435 = tpu.vector_load %arg13[%swap3A_433, %swap3A_434] {strides = array<i32>} : memref<100x128xf32, #tpu.memory_space<vmem>>, vector<1x16xf32>,
        %swap3A_436 = vector.shape_cast %swap3A_435 : vector<1x16xf32> to vector<16xf32>
        %swap3A_437 = vector.shape_cast %add3A_432 : vector<16xf32> to vector<1x16xf32>
        tpu.vector_store %arg13[%swap3A_433, %swap3A_434], %swap3A_437 {strides = array<i32>} : memref<100x128xf32, #tpu.memory_space<vmem>>, vector<1x16xf32>,
        %get3A_438 = arith.index_cast %scan3A_342 : i32 to index
        %get3A_439 = arith.constant 80 : index
        %get3A_440 = tpu.vector_load %arg11[%get3A_438, %get3A_439] {strides = array<i32>} : memref<100x128xf32, #tpu.memory_space<vmem>>, vector<1x16xf32>,
        %get3A_441 = vector.shape_cast %get3A_440 : vector<1x16xf32> to vector<16xf32>
        %mul3A_442 = arith.constant 11.3137083 : f32
        %mul3A_443 = vector.broadcast %mul3A_442 : f32 to vector<16xf32>
        %mul3A_444 = arith.mulf %get3A_441, %mul3A_443 : vector<16xf32>
        %add3A_445 = arith.constant 0 : i32
        %add3A_446 = arith.addi %add3A_445, %scan3A_342 : i32
        %get3A_447 = arith.index_cast %add3A_446 : i32 to index
        %get3A_448 = arith.constant 80 : index
        %get3A_449 = tpu.vector_load %arg10[%get3A_447, %get3A_448] {strides = array<i32>} : memref<200x128xf32, #tpu.memory_space<vmem>>, vector<1x16xf32>,
        %get3A_450 = vector.shape_cast %get3A_449 : vector<1x16xf32> to vector<16xf32>
        %add3A_451 = arith.addf %mul3A_444, %get3A_450 : vector<16xf32>
        %swap3A_452 = arith.index_cast %scan3A_342 : i32 to index
        %swap3A_453 = arith.constant 80 : index
        %swap3A_454 = tpu.vector_load %arg13[%swap3A_452, %swap3A_453] {strides = array<i32>} : memref<100x128xf32, #tpu.memory_space<vmem>>, vector<1x16xf32>,
        %swap3A_455 = vector.shape_cast %swap3A_454 : vector<1x16xf32> to vector<16xf32>
        %swap3A_456 = vector.shape_cast %add3A_451 : vector<16xf32> to vector<1x16xf32>
        tpu.vector_store %arg13[%swap3A_452, %swap3A_453], %swap3A_456 {strides = array<i32>} : memref<100x128xf32, #tpu.memory_space<vmem>>, vector<1x16xf32>,
        %get3A_457 = arith.index_cast %scan3A_342 : i32 to index
        %get3A_458 = arith.constant 96 : index
        %get3A_459 = tpu.vector_load %arg11[%get3A_457, %get3A_458] {strides = array<i32>} : memref<100x128xf32, #tpu.memory_space<vmem>>, vector<1x16xf32>,
        %get3A_460 = vector.shape_cast %get3A_459 : vector<1x16xf32> to vector<16xf32>
        %mul3A_461 = arith.constant 11.3137083 : f32
        %mul3A_462 = vector.broadcast %mul3A_461 : f32 to vector<16xf32>
        %mul3A_463 = arith.mulf %get3A_460, %mul3A_462 : vector<16xf32>
        %add3A_464 = arith.constant 0 : i32
        %add3A_465 = arith.addi %add3A_464, %scan3A_342 : i32
        %get3A_466 = arith.index_cast %add3A_465 : i32 to index
        %get3A_467 = arith.constant 96 : index
        %get3A_468 = tpu.vector_load %arg10[%get3A_466, %get3A_467] {strides = array<i32>} : memref<200x128xf32, #tpu.memory_space<vmem>>, vector<1x16xf32>,
        %get3A_469 = vector.shape_cast %get3A_468 : vector<1x16xf32> to vector<16xf32>
        %add3A_470 = arith.addf %mul3A_463, %get3A_469 : vector<16xf32>
        %swap3A_471 = arith.index_cast %scan3A_342 : i32 to index
        %swap3A_472 = arith.constant 96 : index
        %swap3A_473 = tpu.vector_load %arg13[%swap3A_471, %swap3A_472] {strides = array<i32>} : memref<100x128xf32, #tpu.memory_space<vmem>>, vector<1x16xf32>,
        %swap3A_474 = vector.shape_cast %swap3A_473 : vector<1x16xf32> to vector<16xf32>
        %swap3A_475 = vector.shape_cast %add3A_470 : vector<16xf32> to vector<1x16xf32>
        tpu.vector_store %arg13[%swap3A_471, %swap3A_472], %swap3A_475 {strides = array<i32>} : memref<100x128xf32, #tpu.memory_space<vmem>>, vector<1x16xf32>,
        %get3A_476 = arith.index_cast %scan3A_342 : i32 to index
        %get3A_477 = arith.constant 112 : index
        %get3A_478 = tpu.vector_load %arg11[%get3A_476, %get3A_477] {strides = array<i32>} : memref<100x128xf32, #tpu.memory_space<vmem>>, vector<1x16xf32>,
        %get3A_479 = vector.shape_cast %get3A_478 : vector<1x16xf32> to vector<16xf32>
        %mul3A_480 = arith.constant 11.3137083 : f32
        %mul3A_481 = vector.broadcast %mul3A_480 : f32 to vector<16xf32>
        %mul3A_482 = arith.mulf %get3A_479, %mul3A_481 : vector<16xf32>
        %add3A_483 = arith.constant 0 : i32
        %add3A_484 = arith.addi %add3A_483, %scan3A_342 : i32
        %get3A_485 = arith.index_cast %add3A_484 : i32 to index
        %get3A_486 = arith.constant 112 : index
        %get3A_487 = tpu.vector_load %arg10[%get3A_485, %get3A_486] {strides = array<i32>} : memref<200x128xf32, #tpu.memory_space<vmem>>, vector<1x16xf32>,
        %get3A_488 = vector.shape_cast %get3A_487 : vector<1x16xf32> to vector<16xf32>
        %add3A_489 = arith.addf %mul3A_482, %get3A_488 : vector<16xf32>
        %swap3A_490 = arith.index_cast %scan3A_342 : i32 to index
        %swap3A_491 = arith.constant 112 : index
        %swap3A_492 = tpu.vector_load %arg13[%swap3A_490, %swap3A_491] {strides = array<i32>} : memref<100x128xf32, #tpu.memory_space<vmem>>, vector<1x16xf32>,
        %swap3A_493 = vector.shape_cast %swap3A_492 : vector<1x16xf32> to vector<16xf32>
        %swap3A_494 = vector.shape_cast %add3A_489 : vector<16xf32> to vector<1x16xf32>
        tpu.vector_store %arg13[%swap3A_490, %swap3A_491], %swap3A_494 {strides = array<i32>} : memref<100x128xf32, #tpu.memory_space<vmem>>, vector<1x16xf32>,
      }
      %scan3A_133 = arith.constant 100 : i32
      %add3A_134 = arith.constant 2 : i32
      %add3A_135 = arith.addi %add3A_111, %add3A_134 : i32
      %lt3A = arith.constant 64 : i32
      %lt3A_136 = arith.cmpi slt, %add3A_135, %lt3A : i32
      %convert_element_type3A = arith.extui %lt3A_136 : i1 to i32
      %cond3A = arith.constant 0 : i32
      %cond3A_137 = arith.cmpi ne, %convert_element_type3A, %cond3A : i32
      scf.if %cond3A_137 {
        %add3A_190 = arith.constant 2 : i32
        %add3A_191 = arith.addi %add3A_111, %add3A_190 : i32
        %dma_start3A_192 = arith.constant 0 : i32
        %dma_start3A_193 = tpu.memref_slice %arg8[%add3A_191, %dma_start3A_192] : memref<64x100xi32, #tpu.memory_space<vmem>> -> memref<1x100xi32, #tpu.memory_space<vmem>>
        %dma_start3A_194 = tpu.memref_squeeze %dma_start3A_193 : memref<1x100xi32, #tpu.memory_space<vmem>> -> memref<100xi32, #tpu.memory_space<vmem>>
        %dma_start3A_195 = arith.constant 0 : i32
        %dma_start3A_196 = arith.constant 0 : i32
        %dma_start3A_197 = tpu.memref_slice %arg2[%dma_start3A_195, %dma_start3A_196] : memref<100000x128xf32, #tpu.memory_space<hbm>> -> memref<100000x128xf32, #tpu.memory_space<hbm>>
        tpu.enqueue_indirect_dma source(%dma_start3A_197 : memref<100000x128xf32, #tpu.memory_space<hbm>>) target(%arg11 : memref<100x128xf32, #tpu.memory_space<vmem>>) offsets(%dma_start3A_194 : memref<100xi32, #tpu.memory_space<vmem>>) semaphore(%arg16 : memref<!tpu.dma_semaphore, #tpu.memory_space<semaphore_mem>>)
      } else {
      }
      %add3A_138 = arith.addi %mul3A_2, %add3A_111 : i32
      %dma_start3A_139 = arith.constant 0 : i32
      %dma_start3A_140 = arith.constant 0 : i32
      %dma_start3A_141 = tpu.memref_slice %arg6[%add3A_138, %dma_start3A_139, %dma_start3A_140] : memref<2048x100x128xf32, #tpu.memory_space<hbm>> -> memref<1x100x128xf32, #tpu.memory_space<hbm>>
      %dma_start3A_142 = tpu.memref_squeeze %dma_start3A_141 : memref<1x100x128xf32, #tpu.memory_space<hbm>> -> memref<100x128xf32, #tpu.memory_space<hbm>>
      %dma_start3A_143 = arith.constant 0 : i32
      %dma_start3A_144 = arith.constant 0 : i32
      %dma_start3A_145 = tpu.memref_slice %arg6[%add3A_138, %dma_start3A_143, %dma_start3A_144] : memref<2048x100x128xf32, #tpu.memory_space<hbm>> -> memref<1x100x128xf32, #tpu.memory_space<hbm>>
      %dma_start3A_146 = tpu.memref_squeeze %dma_start3A_145 : memref<1x100x128xf32, #tpu.memory_space<hbm>> -> memref<100x128xf32, #tpu.memory_space<hbm>>
      tpu.enqueue_dma source(%arg13 : memref<100x128xf32, #tpu.memory_space<vmem>>) target(%dma_start3A_146 : memref<100x128xf32, #tpu.memory_space<hbm>>) target_semaphore(%arg18 : memref<!tpu.dma_semaphore, #tpu.memory_space<semaphore_mem>>)
      %mul3A_147 = arith.constant 2 : i32
      %mul3A_148 = arith.muli %mul3A_147, %scan3A_107 : i32
      %add3A_149 = arith.constant 1 : i32
      %add3A_150 = arith.addi %mul3A_148, %add3A_149 : i32
      %dma_wait3A_151 = arith.constant 0 : i32
      %dma_wait3A_152 = tpu.memref_slice %arg8[%add3A_150, %dma_wait3A_151] : memref<64x100xi32, #tpu.memory_space<vmem>> -> memref<1x100xi32, #tpu.memory_space<vmem>>
      %dma_wait3A_153 = tpu.memref_squeeze %dma_wait3A_152 : memref<1x100xi32, #tpu.memory_space<vmem>> -> memref<100xi32, #tpu.memory_space<vmem>>
      %dma_wait3A_154 = arith.constant 0 : i32
      %dma_wait3A_155 = arith.constant 0 : i32
      %dma_wait3A_156 = tpu.memref_slice %arg2[%dma_wait3A_154, %dma_wait3A_155] : memref<100000x128xf32, #tpu.memory_space<hbm>> -> memref<100000x128xf32, #tpu.memory_space<hbm>>
      tpu.wait_indirect_dma semaphore(%arg17 : memref<!tpu.dma_semaphore, #tpu.memory_space<semaphore_mem>>) src(%dma_wait3A_156 : memref<100000x128xf32, #tpu.memory_space<hbm>>) dst(%arg12 : memref<100x128xf32, #tpu.memory_space<vmem>>)
      %sub3A_157 = arith.constant 2 : i32
      %sub3A_158 = arith.subi %add3A_150, %sub3A_157 : i32
      %add3A_159 = arith.addi %mul3A_2, %sub3A_158 : i32
      %dma_wait3A_160 = arith.constant 0 : i32
      %dma_wait3A_161 = arith.constant 0 : i32
      %dma_wait3A_162 = tpu.memref_slice %arg6[%add3A_159, %dma_wait3A_160, %dma_wait3A_161] : memref<2048x100x128xf32, #tpu.memory_space<hbm>> -> memref<1x100x128xf32, #tpu.memory_space<hbm>>
      %dma_wait3A_163 = tpu.memref_squeeze %dma_wait3A_162 : memref<1x100x128xf32, #tpu.memory_space<hbm>> -> memref<100x128xf32, #tpu.memory_space<hbm>>
      %dma_wait3A_164 = arith.constant 0 : i32
      %dma_wait3A_165 = arith.constant 0 : i32
      %dma_wait3A_166 = tpu.memref_slice %arg6[%add3A_159, %dma_wait3A_164, %dma_wait3A_165] : memref<2048x100x128xf32, #tpu.memory_space<hbm>> -> memref<1x100x128xf32, #tpu.memory_space<hbm>>
      %dma_wait3A_167 = tpu.memref_squeeze %dma_wait3A_166 : memref<1x100x128xf32, #tpu.memory_space<hbm>> -> memref<100x128xf32, #tpu.memory_space<hbm>>
      tpu.wait_dma2 semaphore(%arg19 : memref<!tpu.dma_semaphore, #tpu.memory_space<semaphore_mem>>) src(%arg14 : memref<100x128xf32, #tpu.memory_space<vmem>>) dst(%dma_wait3A_167 : memref<100x128xf32, #tpu.memory_space<hbm>>)
      %scan3A_168 = arith.constant 0 : i32
      %scan3A_169 = arith.constant 0 : i32
      %scan3A_170 = arith.constant 100 : i32
      %scan3A_171 = arith.addi %scan3A_169, %scan3A_170 : i32
      %scan3A_172 = arith.constant 2 : i32
      scf.for %scan3A_190 = %scan3A_169 to %scan3A_171 step %scan3A_172  : i32 {
        %get3A = arith.index_cast %scan3A_190 : i32 to index
        %get3A_191 = arith.constant 0 : index
        %get3A_192 = tpu.vector_load %arg12[%get3A, %get3A_191] {strides = array<i32>} : memref<100x128xf32, #tpu.memory_space<vmem>>, vector<1x16xf32>,
        %get3A_193 = vector.shape_cast %get3A_192 : vector<1x16xf32> to vector<16xf32>
        %mul3A_194 = arith.constant 11.3137083 : f32
        %mul3A_195 = vector.broadcast %mul3A_194 : f32 to vector<16xf32>
        %mul3A_196 = arith.mulf %get3A_193, %mul3A_195 : vector<16xf32>
        %add3A_197 = arith.constant 100 : i32
        %add3A_198 = arith.addi %add3A_197, %scan3A_190 : i32
        %get3A_199 = arith.index_cast %add3A_198 : i32 to index
        %get3A_200 = arith.constant 0 : index
        %get3A_201 = tpu.vector_load %arg10[%get3A_199, %get3A_200] {strides = array<i32>} : memref<200x128xf32, #tpu.memory_space<vmem>>, vector<1x16xf32>,
        %get3A_202 = vector.shape_cast %get3A_201 : vector<1x16xf32> to vector<16xf32>
        %add3A_203 = arith.addf %mul3A_196, %get3A_202 : vector<16xf32>
        %swap3A = arith.index_cast %scan3A_190 : i32 to index
        %swap3A_204 = arith.constant 0 : index
        %swap3A_205 = tpu.vector_load %arg14[%swap3A, %swap3A_204] {strides = array<i32>} : memref<100x128xf32, #tpu.memory_space<vmem>>, vector<1x16xf32>,
        %swap3A_206 = vector.shape_cast %swap3A_205 : vector<1x16xf32> to vector<16xf32>
        %swap3A_207 = vector.shape_cast %add3A_203 : vector<16xf32> to vector<1x16xf32>
        tpu.vector_store %arg14[%swap3A, %swap3A_204], %swap3A_207 {strides = array<i32>} : memref<100x128xf32, #tpu.memory_space<vmem>>, vector<1x16xf32>,
        %get3A_208 = arith.index_cast %scan3A_190 : i32 to index
        %get3A_209 = arith.constant 16 : index
        %get3A_210 = tpu.vector_load %arg12[%get3A_208, %get3A_209] {strides = array<i32>} : memref<100x128xf32, #tpu.memory_space<vmem>>, vector<1x16xf32>,
        %get3A_211 = vector.shape_cast %get3A_210 : vector<1x16xf32> to vector<16xf32>
        %mul3A_212 = arith.constant 11.3137083 : f32
        %mul3A_213 = vector.broadcast %mul3A_212 : f32 to vector<16xf32>
        %mul3A_214 = arith.mulf %get3A_211, %mul3A_213 : vector<16xf32>
        %add3A_215 = arith.constant 100 : i32
        %add3A_216 = arith.addi %add3A_215, %scan3A_190 : i32
        %get3A_217 = arith.index_cast %add3A_216 : i32 to index
        %get3A_218 = arith.constant 16 : index
        %get3A_219 = tpu.vector_load %arg10[%get3A_217, %get3A_218] {strides = array<i32>} : memref<200x128xf32, #tpu.memory_space<vmem>>, vector<1x16xf32>,
        %get3A_220 = vector.shape_cast %get3A_219 : vector<1x16xf32> to vector<16xf32>
        %add3A_221 = arith.addf %mul3A_214, %get3A_220 : vector<16xf32>
        %swap3A_222 = arith.index_cast %scan3A_190 : i32 to index
        %swap3A_223 = arith.constant 16 : index
        %swap3A_224 = tpu.vector_load %arg14[%swap3A_222, %swap3A_223] {strides = array<i32>} : memref<100x128xf32, #tpu.memory_space<vmem>>, vector<1x16xf32>,
        %swap3A_225 = vector.shape_cast %swap3A_224 : vector<1x16xf32> to vector<16xf32>
        %swap3A_226 = vector.shape_cast %add3A_221 : vector<16xf32> to vector<1x16xf32>
        tpu.vector_store %arg14[%swap3A_222, %swap3A_223], %swap3A_226 {strides = array<i32>} : memref<100x128xf32, #tpu.memory_space<vmem>>, vector<1x16xf32>,
        %get3A_227 = arith.index_cast %scan3A_190 : i32 to index
        %get3A_228 = arith.constant 32 : index
        %get3A_229 = tpu.vector_load %arg12[%get3A_227, %get3A_228] {strides = array<i32>} : memref<100x128xf32, #tpu.memory_space<vmem>>, vector<1x16xf32>,
        %get3A_230 = vector.shape_cast %get3A_229 : vector<1x16xf32> to vector<16xf32>
        %mul3A_231 = arith.constant 11.3137083 : f32
        %mul3A_232 = vector.broadcast %mul3A_231 : f32 to vector<16xf32>
        %mul3A_233 = arith.mulf %get3A_230, %mul3A_232 : vector<16xf32>
        %add3A_234 = arith.constant 100 : i32
        %add3A_235 = arith.addi %add3A_234, %scan3A_190 : i32
        %get3A_236 = arith.index_cast %add3A_235 : i32 to index
        %get3A_237 = arith.constant 32 : index
        %get3A_238 = tpu.vector_load %arg10[%get3A_236, %get3A_237] {strides = array<i32>} : memref<200x128xf32, #tpu.memory_space<vmem>>, vector<1x16xf32>,
        %get3A_239 = vector.shape_cast %get3A_238 : vector<1x16xf32> to vector<16xf32>
        %add3A_240 = arith.addf %mul3A_233, %get3A_239 : vector<16xf32>
        %swap3A_241 = arith.index_cast %scan3A_190 : i32 to index
        %swap3A_242 = arith.constant 32 : index
        %swap3A_243 = tpu.vector_load %arg14[%swap3A_241, %swap3A_242] {strides = array<i32>} : memref<100x128xf32, #tpu.memory_space<vmem>>, vector<1x16xf32>,
        %swap3A_244 = vector.shape_cast %swap3A_243 : vector<1x16xf32> to vector<16xf32>
        %swap3A_245 = vector.shape_cast %add3A_240 : vector<16xf32> to vector<1x16xf32>
        tpu.vector_store %arg14[%swap3A_241, %swap3A_242], %swap3A_245 {strides = array<i32>} : memref<100x128xf32, #tpu.memory_space<vmem>>, vector<1x16xf32>,
        %get3A_246 = arith.index_cast %scan3A_190 : i32 to index
        %get3A_247 = arith.constant 48 : index
        %get3A_248 = tpu.vector_load %arg12[%get3A_246, %get3A_247] {strides = array<i32>} : memref<100x128xf32, #tpu.memory_space<vmem>>, vector<1x16xf32>,
        %get3A_249 = vector.shape_cast %get3A_248 : vector<1x16xf32> to vector<16xf32>
        %mul3A_250 = arith.constant 11.3137083 : f32
        %mul3A_251 = vector.broadcast %mul3A_250 : f32 to vector<16xf32>
        %mul3A_252 = arith.mulf %get3A_249, %mul3A_251 : vector<16xf32>
        %add3A_253 = arith.constant 100 : i32
        %add3A_254 = arith.addi %add3A_253, %scan3A_190 : i32
        %get3A_255 = arith.index_cast %add3A_254 : i32 to index
        %get3A_256 = arith.constant 48 : index
        %get3A_257 = tpu.vector_load %arg10[%get3A_255, %get3A_256] {strides = array<i32>} : memref<200x128xf32, #tpu.memory_space<vmem>>, vector<1x16xf32>,
        %get3A_258 = vector.shape_cast %get3A_257 : vector<1x16xf32> to vector<16xf32>
        %add3A_259 = arith.addf %mul3A_252, %get3A_258 : vector<16xf32>
        %swap3A_260 = arith.index_cast %scan3A_190 : i32 to index
        %swap3A_261 = arith.constant 48 : index
        %swap3A_262 = tpu.vector_load %arg14[%swap3A_260, %swap3A_261] {strides = array<i32>} : memref<100x128xf32, #tpu.memory_space<vmem>>, vector<1x16xf32>,
        %swap3A_263 = vector.shape_cast %swap3A_262 : vector<1x16xf32> to vector<16xf32>
        %swap3A_264 = vector.shape_cast %add3A_259 : vector<16xf32> to vector<1x16xf32>
        tpu.vector_store %arg14[%swap3A_260, %swap3A_261], %swap3A_264 {strides = array<i32>} : memref<100x128xf32, #tpu.memory_space<vmem>>, vector<1x16xf32>,
        %get3A_265 = arith.index_cast %scan3A_190 : i32 to index
        %get3A_266 = arith.constant 64 : index
        %get3A_267 = tpu.vector_load %arg12[%get3A_265, %get3A_266] {strides = array<i32>} : memref<100x128xf32, #tpu.memory_space<vmem>>, vector<1x16xf32>,
        %get3A_268 = vector.shape_cast %get3A_267 : vector<1x16xf32> to vector<16xf32>
        %mul3A_269 = arith.constant 11.3137083 : f32
        %mul3A_270 = vector.broadcast %mul3A_269 : f32 to vector<16xf32>
        %mul3A_271 = arith.mulf %get3A_268, %mul3A_270 : vector<16xf32>
        %add3A_272 = arith.constant 100 : i32
        %add3A_273 = arith.addi %add3A_272, %scan3A_190 : i32
        %get3A_274 = arith.index_cast %add3A_273 : i32 to index
        %get3A_275 = arith.constant 64 : index
        %get3A_276 = tpu.vector_load %arg10[%get3A_274, %get3A_275] {strides = array<i32>} : memref<200x128xf32, #tpu.memory_space<vmem>>, vector<1x16xf32>,
        %get3A_277 = vector.shape_cast %get3A_276 : vector<1x16xf32> to vector<16xf32>
        %add3A_278 = arith.addf %mul3A_271, %get3A_277 : vector<16xf32>
        %swap3A_279 = arith.index_cast %scan3A_190 : i32 to index
        %swap3A_280 = arith.constant 64 : index
        %swap3A_281 = tpu.vector_load %arg14[%swap3A_279, %swap3A_280] {strides = array<i32>} : memref<100x128xf32, #tpu.memory_space<vmem>>, vector<1x16xf32>,
        %swap3A_282 = vector.shape_cast %swap3A_281 : vector<1x16xf32> to vector<16xf32>
        %swap3A_283 = vector.shape_cast %add3A_278 : vector<16xf32> to vector<1x16xf32>
        tpu.vector_store %arg14[%swap3A_279, %swap3A_280], %swap3A_283 {strides = array<i32>} : memref<100x128xf32, #tpu.memory_space<vmem>>, vector<1x16xf32>,
        %get3A_284 = arith.index_cast %scan3A_190 : i32 to index
        %get3A_285 = arith.constant 80 : index
        %get3A_286 = tpu.vector_load %arg12[%get3A_284, %get3A_285] {strides = array<i32>} : memref<100x128xf32, #tpu.memory_space<vmem>>, vector<1x16xf32>,
        %get3A_287 = vector.shape_cast %get3A_286 : vector<1x16xf32> to vector<16xf32>
        %mul3A_288 = arith.constant 11.3137083 : f32
        %mul3A_289 = vector.broadcast %mul3A_288 : f32 to vector<16xf32>
        %mul3A_290 = arith.mulf %get3A_287, %mul3A_289 : vector<16xf32>
        %add3A_291 = arith.constant 100 : i32
        %add3A_292 = arith.addi %add3A_291, %scan3A_190 : i32
        %get3A_293 = arith.index_cast %add3A_292 : i32 to index
        %get3A_294 = arith.constant 80 : index
        %get3A_295 = tpu.vector_load %arg10[%get3A_293, %get3A_294] {strides = array<i32>} : memref<200x128xf32, #tpu.memory_space<vmem>>, vector<1x16xf32>,
        %get3A_296 = vector.shape_cast %get3A_295 : vector<1x16xf32> to vector<16xf32>
        %add3A_297 = arith.addf %mul3A_290, %get3A_296 : vector<16xf32>
        %swap3A_298 = arith.index_cast %scan3A_190 : i32 to index
        %swap3A_299 = arith.constant 80 : index
        %swap3A_300 = tpu.vector_load %arg14[%swap3A_298, %swap3A_299] {strides = array<i32>} : memref<100x128xf32, #tpu.memory_space<vmem>>, vector<1x16xf32>,
        %swap3A_301 = vector.shape_cast %swap3A_300 : vector<1x16xf32> to vector<16xf32>
        %swap3A_302 = vector.shape_cast %add3A_297 : vector<16xf32> to vector<1x16xf32>
        tpu.vector_store %arg14[%swap3A_298, %swap3A_299], %swap3A_302 {strides = array<i32>} : memref<100x128xf32, #tpu.memory_space<vmem>>, vector<1x16xf32>,
        %get3A_303 = arith.index_cast %scan3A_190 : i32 to index
        %get3A_304 = arith.constant 96 : index
        %get3A_305 = tpu.vector_load %arg12[%get3A_303, %get3A_304] {strides = array<i32>} : memref<100x128xf32, #tpu.memory_space<vmem>>, vector<1x16xf32>,
        %get3A_306 = vector.shape_cast %get3A_305 : vector<1x16xf32> to vector<16xf32>
        %mul3A_307 = arith.constant 11.3137083 : f32
        %mul3A_308 = vector.broadcast %mul3A_307 : f32 to vector<16xf32>
        %mul3A_309 = arith.mulf %get3A_306, %mul3A_308 : vector<16xf32>
        %add3A_310 = arith.constant 100 : i32
        %add3A_311 = arith.addi %add3A_310, %scan3A_190 : i32
        %get3A_312 = arith.index_cast %add3A_311 : i32 to index
        %get3A_313 = arith.constant 96 : index
        %get3A_314 = tpu.vector_load %arg10[%get3A_312, %get3A_313] {strides = array<i32>} : memref<200x128xf32, #tpu.memory_space<vmem>>, vector<1x16xf32>,
        %get3A_315 = vector.shape_cast %get3A_314 : vector<1x16xf32> to vector<16xf32>
        %add3A_316 = arith.addf %mul3A_309, %get3A_315 : vector<16xf32>
        %swap3A_317 = arith.index_cast %scan3A_190 : i32 to index
        %swap3A_318 = arith.constant 96 : index
        %swap3A_319 = tpu.vector_load %arg14[%swap3A_317, %swap3A_318] {strides = array<i32>} : memref<100x128xf32, #tpu.memory_space<vmem>>, vector<1x16xf32>,
        %swap3A_320 = vector.shape_cast %swap3A_319 : vector<1x16xf32> to vector<16xf32>
        %swap3A_321 = vector.shape_cast %add3A_316 : vector<16xf32> to vector<1x16xf32>
        tpu.vector_store %arg14[%swap3A_317, %swap3A_318], %swap3A_321 {strides = array<i32>} : memref<100x128xf32, #tpu.memory_space<vmem>>, vector<1x16xf32>,
        %get3A_322 = arith.index_cast %scan3A_190 : i32 to index
        %get3A_323 = arith.constant 112 : index
        %get3A_324 = tpu.vector_load %arg12[%get3A_322, %get3A_323] {strides = array<i32>} : memref<100x128xf32, #tpu.memory_space<vmem>>, vector<1x16xf32>,
        %get3A_325 = vector.shape_cast %get3A_324 : vector<1x16xf32> to vector<16xf32>
        %mul3A_326 = arith.constant 11.3137083 : f32
        %mul3A_327 = vector.broadcast %mul3A_326 : f32 to vector<16xf32>
        %mul3A_328 = arith.mulf %get3A_325, %mul3A_327 : vector<16xf32>
        %add3A_329 = arith.constant 100 : i32
        %add3A_330 = arith.addi %add3A_329, %scan3A_190 : i32
        %get3A_331 = arith.index_cast %add3A_330 : i32 to index
        %get3A_332 = arith.constant 112 : index
        %get3A_333 = tpu.vector_load %arg10[%get3A_331, %get3A_332] {strides = array<i32>} : memref<200x128xf32, #tpu.memory_space<vmem>>, vector<1x16xf32>,
        %get3A_334 = vector.shape_cast %get3A_333 : vector<1x16xf32> to vector<16xf32>
        %add3A_335 = arith.addf %mul3A_328, %get3A_334 : vector<16xf32>
        %swap3A_336 = arith.index_cast %scan3A_190 : i32 to index
        %swap3A_337 = arith.constant 112 : index
        %swap3A_338 = tpu.vector_load %arg14[%swap3A_336, %swap3A_337] {strides = array<i32>} : memref<100x128xf32, #tpu.memory_space<vmem>>, vector<1x16xf32>,
        %swap3A_339 = vector.shape_cast %swap3A_338 : vector<1x16xf32> to vector<16xf32>
        %swap3A_340 = vector.shape_cast %add3A_335 : vector<16xf32> to vector<1x16xf32>
        tpu.vector_store %arg14[%swap3A_336, %swap3A_337], %swap3A_340 {strides = array<i32>} : memref<100x128xf32, #tpu.memory_space<vmem>>, vector<1x16xf32>,
        %scan3A_341 = arith.constant 1 : i32
        %scan3A_342 = arith.addi %scan3A_190, %scan3A_341 : i32
        %get3A_343 = arith.index_cast %scan3A_342 : i32 to index
        %get3A_344 = arith.constant 0 : index
        %get3A_345 = tpu.vector_load %arg12[%get3A_343, %get3A_344] {strides = array<i32>} : memref<100x128xf32, #tpu.memory_space<vmem>>, vector<1x16xf32>,
        %get3A_346 = vector.shape_cast %get3A_345 : vector<1x16xf32> to vector<16xf32>
        %mul3A_347 = arith.constant 11.3137083 : f32
        %mul3A_348 = vector.broadcast %mul3A_347 : f32 to vector<16xf32>
        %mul3A_349 = arith.mulf %get3A_346, %mul3A_348 : vector<16xf32>
        %add3A_350 = arith.constant 100 : i32
        %add3A_351 = arith.addi %add3A_350, %scan3A_342 : i32
        %get3A_352 = arith.index_cast %add3A_351 : i32 to index
        %get3A_353 = arith.constant 0 : index
        %get3A_354 = tpu.vector_load %arg10[%get3A_352, %get3A_353] {strides = array<i32>} : memref<200x128xf32, #tpu.memory_space<vmem>>, vector<1x16xf32>,
        %get3A_355 = vector.shape_cast %get3A_354 : vector<1x16xf32> to vector<16xf32>
        %add3A_356 = arith.addf %mul3A_349, %get3A_355 : vector<16xf32>
        %swap3A_357 = arith.index_cast %scan3A_342 : i32 to index
        %swap3A_358 = arith.constant 0 : index
        %swap3A_359 = tpu.vector_load %arg14[%swap3A_357, %swap3A_358] {strides = array<i32>} : memref<100x128xf32, #tpu.memory_space<vmem>>, vector<1x16xf32>,
        %swap3A_360 = vector.shape_cast %swap3A_359 : vector<1x16xf32> to vector<16xf32>
        %swap3A_361 = vector.shape_cast %add3A_356 : vector<16xf32> to vector<1x16xf32>
        tpu.vector_store %arg14[%swap3A_357, %swap3A_358], %swap3A_361 {strides = array<i32>} : memref<100x128xf32, #tpu.memory_space<vmem>>, vector<1x16xf32>,
        %get3A_362 = arith.index_cast %scan3A_342 : i32 to index
        %get3A_363 = arith.constant 16 : index
        %get3A_364 = tpu.vector_load %arg12[%get3A_362, %get3A_363] {strides = array<i32>} : memref<100x128xf32, #tpu.memory_space<vmem>>, vector<1x16xf32>,
        %get3A_365 = vector.shape_cast %get3A_364 : vector<1x16xf32> to vector<16xf32>
        %mul3A_366 = arith.constant 11.3137083 : f32
        %mul3A_367 = vector.broadcast %mul3A_366 : f32 to vector<16xf32>
        %mul3A_368 = arith.mulf %get3A_365, %mul3A_367 : vector<16xf32>
        %add3A_369 = arith.constant 100 : i32
        %add3A_370 = arith.addi %add3A_369, %scan3A_342 : i32
        %get3A_371 = arith.index_cast %add3A_370 : i32 to index
        %get3A_372 = arith.constant 16 : index
        %get3A_373 = tpu.vector_load %arg10[%get3A_371, %get3A_372] {strides = array<i32>} : memref<200x128xf32, #tpu.memory_space<vmem>>, vector<1x16xf32>,
        %get3A_374 = vector.shape_cast %get3A_373 : vector<1x16xf32> to vector<16xf32>
        %add3A_375 = arith.addf %mul3A_368, %get3A_374 : vector<16xf32>
        %swap3A_376 = arith.index_cast %scan3A_342 : i32 to index
        %swap3A_377 = arith.constant 16 : index
        %swap3A_378 = tpu.vector_load %arg14[%swap3A_376, %swap3A_377] {strides = array<i32>} : memref<100x128xf32, #tpu.memory_space<vmem>>, vector<1x16xf32>,
        %swap3A_379 = vector.shape_cast %swap3A_378 : vector<1x16xf32> to vector<16xf32>
        %swap3A_380 = vector.shape_cast %add3A_375 : vector<16xf32> to vector<1x16xf32>
        tpu.vector_store %arg14[%swap3A_376, %swap3A_377], %swap3A_380 {strides = array<i32>} : memref<100x128xf32, #tpu.memory_space<vmem>>, vector<1x16xf32>,
        %get3A_381 = arith.index_cast %scan3A_342 : i32 to index
        %get3A_382 = arith.constant 32 : index
        %get3A_383 = tpu.vector_load %arg12[%get3A_381, %get3A_382] {strides = array<i32>} : memref<100x128xf32, #tpu.memory_space<vmem>>, vector<1x16xf32>,
        %get3A_384 = vector.shape_cast %get3A_383 : vector<1x16xf32> to vector<16xf32>
        %mul3A_385 = arith.constant 11.3137083 : f32
        %mul3A_386 = vector.broadcast %mul3A_385 : f32 to vector<16xf32>
        %mul3A_387 = arith.mulf %get3A_384, %mul3A_386 : vector<16xf32>
        %add3A_388 = arith.constant 100 : i32
        %add3A_389 = arith.addi %add3A_388, %scan3A_342 : i32
        %get3A_390 = arith.index_cast %add3A_389 : i32 to index
        %get3A_391 = arith.constant 32 : index
        %get3A_392 = tpu.vector_load %arg10[%get3A_390, %get3A_391] {strides = array<i32>} : memref<200x128xf32, #tpu.memory_space<vmem>>, vector<1x16xf32>,
        %get3A_393 = vector.shape_cast %get3A_392 : vector<1x16xf32> to vector<16xf32>
        %add3A_394 = arith.addf %mul3A_387, %get3A_393 : vector<16xf32>
        %swap3A_395 = arith.index_cast %scan3A_342 : i32 to index
        %swap3A_396 = arith.constant 32 : index
        %swap3A_397 = tpu.vector_load %arg14[%swap3A_395, %swap3A_396] {strides = array<i32>} : memref<100x128xf32, #tpu.memory_space<vmem>>, vector<1x16xf32>,
        %swap3A_398 = vector.shape_cast %swap3A_397 : vector<1x16xf32> to vector<16xf32>
        %swap3A_399 = vector.shape_cast %add3A_394 : vector<16xf32> to vector<1x16xf32>
        tpu.vector_store %arg14[%swap3A_395, %swap3A_396], %swap3A_399 {strides = array<i32>} : memref<100x128xf32, #tpu.memory_space<vmem>>, vector<1x16xf32>,
        %get3A_400 = arith.index_cast %scan3A_342 : i32 to index
        %get3A_401 = arith.constant 48 : index
        %get3A_402 = tpu.vector_load %arg12[%get3A_400, %get3A_401] {strides = array<i32>} : memref<100x128xf32, #tpu.memory_space<vmem>>, vector<1x16xf32>,
        %get3A_403 = vector.shape_cast %get3A_402 : vector<1x16xf32> to vector<16xf32>
        %mul3A_404 = arith.constant 11.3137083 : f32
        %mul3A_405 = vector.broadcast %mul3A_404 : f32 to vector<16xf32>
        %mul3A_406 = arith.mulf %get3A_403, %mul3A_405 : vector<16xf32>
        %add3A_407 = arith.constant 100 : i32
        %add3A_408 = arith.addi %add3A_407, %scan3A_342 : i32
        %get3A_409 = arith.index_cast %add3A_408 : i32 to index
        %get3A_410 = arith.constant 48 : index
        %get3A_411 = tpu.vector_load %arg10[%get3A_409, %get3A_410] {strides = array<i32>} : memref<200x128xf32, #tpu.memory_space<vmem>>, vector<1x16xf32>,
        %get3A_412 = vector.shape_cast %get3A_411 : vector<1x16xf32> to vector<16xf32>
        %add3A_413 = arith.addf %mul3A_406, %get3A_412 : vector<16xf32>
        %swap3A_414 = arith.index_cast %scan3A_342 : i32 to index
        %swap3A_415 = arith.constant 48 : index
        %swap3A_416 = tpu.vector_load %arg14[%swap3A_414, %swap3A_415] {strides = array<i32>} : memref<100x128xf32, #tpu.memory_space<vmem>>, vector<1x16xf32>,
        %swap3A_417 = vector.shape_cast %swap3A_416 : vector<1x16xf32> to vector<16xf32>
        %swap3A_418 = vector.shape_cast %add3A_413 : vector<16xf32> to vector<1x16xf32>
        tpu.vector_store %arg14[%swap3A_414, %swap3A_415], %swap3A_418 {strides = array<i32>} : memref<100x128xf32, #tpu.memory_space<vmem>>, vector<1x16xf32>,
        %get3A_419 = arith.index_cast %scan3A_342 : i32 to index
        %get3A_420 = arith.constant 64 : index
        %get3A_421 = tpu.vector_load %arg12[%get3A_419, %get3A_420] {strides = array<i32>} : memref<100x128xf32, #tpu.memory_space<vmem>>, vector<1x16xf32>,
        %get3A_422 = vector.shape_cast %get3A_421 : vector<1x16xf32> to vector<16xf32>
        %mul3A_423 = arith.constant 11.3137083 : f32
        %mul3A_424 = vector.broadcast %mul3A_423 : f32 to vector<16xf32>
        %mul3A_425 = arith.mulf %get3A_422, %mul3A_424 : vector<16xf32>
        %add3A_426 = arith.constant 100 : i32
        %add3A_427 = arith.addi %add3A_426, %scan3A_342 : i32
        %get3A_428 = arith.index_cast %add3A_427 : i32 to index
        %get3A_429 = arith.constant 64 : index
        %get3A_430 = tpu.vector_load %arg10[%get3A_428, %get3A_429] {strides = array<i32>} : memref<200x128xf32, #tpu.memory_space<vmem>>, vector<1x16xf32>,
        %get3A_431 = vector.shape_cast %get3A_430 : vector<1x16xf32> to vector<16xf32>
        %add3A_432 = arith.addf %mul3A_425, %get3A_431 : vector<16xf32>
        %swap3A_433 = arith.index_cast %scan3A_342 : i32 to index
        %swap3A_434 = arith.constant 64 : index
        %swap3A_435 = tpu.vector_load %arg14[%swap3A_433, %swap3A_434] {strides = array<i32>} : memref<100x128xf32, #tpu.memory_space<vmem>>, vector<1x16xf32>,
        %swap3A_436 = vector.shape_cast %swap3A_435 : vector<1x16xf32> to vector<16xf32>
        %swap3A_437 = vector.shape_cast %add3A_432 : vector<16xf32> to vector<1x16xf32>
        tpu.vector_store %arg14[%swap3A_433, %swap3A_434], %swap3A_437 {strides = array<i32>} : memref<100x128xf32, #tpu.memory_space<vmem>>, vector<1x16xf32>,
        %get3A_438 = arith.index_cast %scan3A_342 : i32 to index
        %get3A_439 = arith.constant 80 : index
        %get3A_440 = tpu.vector_load %arg12[%get3A_438, %get3A_439] {strides = array<i32>} : memref<100x128xf32, #tpu.memory_space<vmem>>, vector<1x16xf32>,
        %get3A_441 = vector.shape_cast %get3A_440 : vector<1x16xf32> to vector<16xf32>
        %mul3A_442 = arith.constant 11.3137083 : f32
        %mul3A_443 = vector.broadcast %mul3A_442 : f32 to vector<16xf32>
        %mul3A_444 = arith.mulf %get3A_441, %mul3A_443 : vector<16xf32>
        %add3A_445 = arith.constant 100 : i32
        %add3A_446 = arith.addi %add3A_445, %scan3A_342 : i32
        %get3A_447 = arith.index_cast %add3A_446 : i32 to index
        %get3A_448 = arith.constant 80 : index
        %get3A_449 = tpu.vector_load %arg10[%get3A_447, %get3A_448] {strides = array<i32>} : memref<200x128xf32, #tpu.memory_space<vmem>>, vector<1x16xf32>,
        %get3A_450 = vector.shape_cast %get3A_449 : vector<1x16xf32> to vector<16xf32>
        %add3A_451 = arith.addf %mul3A_444, %get3A_450 : vector<16xf32>
        %swap3A_452 = arith.index_cast %scan3A_342 : i32 to index
        %swap3A_453 = arith.constant 80 : index
        %swap3A_454 = tpu.vector_load %arg14[%swap3A_452, %swap3A_453] {strides = array<i32>} : memref<100x128xf32, #tpu.memory_space<vmem>>, vector<1x16xf32>,
        %swap3A_455 = vector.shape_cast %swap3A_454 : vector<1x16xf32> to vector<16xf32>
        %swap3A_456 = vector.shape_cast %add3A_451 : vector<16xf32> to vector<1x16xf32>
        tpu.vector_store %arg14[%swap3A_452, %swap3A_453], %swap3A_456 {strides = array<i32>} : memref<100x128xf32, #tpu.memory_space<vmem>>, vector<1x16xf32>,
        %get3A_457 = arith.index_cast %scan3A_342 : i32 to index
        %get3A_458 = arith.constant 96 : index
        %get3A_459 = tpu.vector_load %arg12[%get3A_457, %get3A_458] {strides = array<i32>} : memref<100x128xf32, #tpu.memory_space<vmem>>, vector<1x16xf32>,
        %get3A_460 = vector.shape_cast %get3A_459 : vector<1x16xf32> to vector<16xf32>
        %mul3A_461 = arith.constant 11.3137083 : f32
        %mul3A_462 = vector.broadcast %mul3A_461 : f32 to vector<16xf32>
        %mul3A_463 = arith.mulf %get3A_460, %mul3A_462 : vector<16xf32>
        %add3A_464 = arith.constant 100 : i32
        %add3A_465 = arith.addi %add3A_464, %scan3A_342 : i32
        %get3A_466 = arith.index_cast %add3A_465 : i32 to index
        %get3A_467 = arith.constant 96 : index
        %get3A_468 = tpu.vector_load %arg10[%get3A_466, %get3A_467] {strides = array<i32>} : memref<200x128xf32, #tpu.memory_space<vmem>>, vector<1x16xf32>,
        %get3A_469 = vector.shape_cast %get3A_468 : vector<1x16xf32> to vector<16xf32>
        %add3A_470 = arith.addf %mul3A_463, %get3A_469 : vector<16xf32>
        %swap3A_471 = arith.index_cast %scan3A_342 : i32 to index
        %swap3A_472 = arith.constant 96 : index
        %swap3A_473 = tpu.vector_load %arg14[%swap3A_471, %swap3A_472] {strides = array<i32>} : memref<100x128xf32, #tpu.memory_space<vmem>>, vector<1x16xf32>,
        %swap3A_474 = vector.shape_cast %swap3A_473 : vector<1x16xf32> to vector<16xf32>
        %swap3A_475 = vector.shape_cast %add3A_470 : vector<16xf32> to vector<1x16xf32>
        tpu.vector_store %arg14[%swap3A_471, %swap3A_472], %swap3A_475 {strides = array<i32>} : memref<100x128xf32, #tpu.memory_space<vmem>>, vector<1x16xf32>,
        %get3A_476 = arith.index_cast %scan3A_342 : i32 to index
        %get3A_477 = arith.constant 112 : index
        %get3A_478 = tpu.vector_load %arg12[%get3A_476, %get3A_477] {strides = array<i32>} : memref<100x128xf32, #tpu.memory_space<vmem>>, vector<1x16xf32>,
        %get3A_479 = vector.shape_cast %get3A_478 : vector<1x16xf32> to vector<16xf32>
        %mul3A_480 = arith.constant 11.3137083 : f32
        %mul3A_481 = vector.broadcast %mul3A_480 : f32 to vector<16xf32>
        %mul3A_482 = arith.mulf %get3A_479, %mul3A_481 : vector<16xf32>
        %add3A_483 = arith.constant 100 : i32
        %add3A_484 = arith.addi %add3A_483, %scan3A_342 : i32
        %get3A_485 = arith.index_cast %add3A_484 : i32 to index
        %get3A_486 = arith.constant 112 : index
        %get3A_487 = tpu.vector_load %arg10[%get3A_485, %get3A_486] {strides = array<i32>} : memref<200x128xf32, #tpu.memory_space<vmem>>, vector<1x16xf32>,
        %get3A_488 = vector.shape_cast %get3A_487 : vector<1x16xf32> to vector<16xf32>
        %add3A_489 = arith.addf %mul3A_482, %get3A_488 : vector<16xf32>
        %swap3A_490 = arith.index_cast %scan3A_342 : i32 to index
        %swap3A_491 = arith.constant 112 : index
        %swap3A_492 = tpu.vector_load %arg14[%swap3A_490, %swap3A_491] {strides = array<i32>} : memref<100x128xf32, #tpu.memory_space<vmem>>, vector<1x16xf32>,
        %swap3A_493 = vector.shape_cast %swap3A_492 : vector<1x16xf32> to vector<16xf32>
        %swap3A_494 = vector.shape_cast %add3A_489 : vector<16xf32> to vector<1x16xf32>
        tpu.vector_store %arg14[%swap3A_490, %swap3A_491], %swap3A_494 {strides = array<i32>} : memref<100x128xf32, #tpu.memory_space<vmem>>, vector<1x16xf32>,
      }
      %scan3A_173 = arith.constant 100 : i32
      %add3A_174 = arith.constant 2 : i32
      %add3A_175 = arith.addi %add3A_150, %add3A_174 : i32
      %lt3A_176 = arith.constant 64 : i32
      %lt3A_177 = arith.cmpi slt, %add3A_175, %lt3A_176 : i32
      %convert_element_type3A_178 = arith.extui %lt3A_177 : i1 to i32
      %cond3A_179 = arith.constant 0 : i32
      %cond3A_180 = arith.cmpi ne, %convert_element_type3A_178, %cond3A_179 : i32
      scf.if %cond3A_180 {
        %add3A_190 = arith.constant 2 : i32
        %add3A_191 = arith.addi %add3A_150, %add3A_190 : i32
        %dma_start3A_192 = arith.constant 0 : i32
        %dma_start3A_193 = tpu.memref_slice %arg8[%add3A_191, %dma_start3A_192] : memref<64x100xi32, #tpu.memory_space<vmem>> -> memref<1x100xi32, #tpu.memory_space<vmem>>
        %dma_start3A_194 = tpu.memref_squeeze %dma_start3A_193 : memref<1x100xi32, #tpu.memory_space<vmem>> -> memref<100xi32, #tpu.memory_space<vmem>>
        %dma_start3A_195 = arith.constant 0 : i32
        %dma_start3A_196 = arith.constant 0 : i32
        %dma_start3A_197 = tpu.memref_slice %arg2[%dma_start3A_195, %dma_start3A_196] : memref<100000x128xf32, #tpu.memory_space<hbm>> -> memref<100000x128xf32, #tpu.memory_space<hbm>>
        tpu.enqueue_indirect_dma source(%dma_start3A_197 : memref<100000x128xf32, #tpu.memory_space<hbm>>) target(%arg12 : memref<100x128xf32, #tpu.memory_space<vmem>>) offsets(%dma_start3A_194 : memref<100xi32, #tpu.memory_space<vmem>>) semaphore(%arg17 : memref<!tpu.dma_semaphore, #tpu.memory_space<semaphore_mem>>)
      } else {
      }
      %add3A_181 = arith.addi %mul3A_2, %add3A_150 : i32
      %dma_start3A_182 = arith.constant 0 : i32
      %dma_start3A_183 = arith.constant 0 : i32
      %dma_start3A_184 = tpu.memref_slice %arg6[%add3A_181, %dma_start3A_182, %dma_start3A_183] : memref<2048x100x128xf32, #tpu.memory_space<hbm>> -> memref<1x100x128xf32, #tpu.memory_space<hbm>>
      %dma_start3A_185 = tpu.memref_squeeze %dma_start3A_184 : memref<1x100x128xf32, #tpu.memory_space<hbm>> -> memref<100x128xf32, #tpu.memory_space<hbm>>
      %dma_start3A_186 = arith.constant 0 : i32
      %dma_start3A_187 = arith.constant 0 : i32
      %dma_start3A_188 = tpu.memref_slice %arg6[%add3A_181, %dma_start3A_186, %dma_start3A_187] : memref<2048x100x128xf32, #tpu.memory_space<hbm>> -> memref<1x100x128xf32, #tpu.memory_space<hbm>>
      %dma_start3A_189 = tpu.memref_squeeze %dma_start3A_188 : memref<1x100x128xf32, #tpu.memory_space<hbm>> -> memref<100x128xf32, #tpu.memory_space<hbm>>
      tpu.enqueue_dma source(%arg14 : memref<100x128xf32, #tpu.memory_space<vmem>>) target(%dma_start3A_189 : memref<100x128xf32, #tpu.memory_space<hbm>>) target_semaphore(%arg19 : memref<!tpu.dma_semaphore, #tpu.memory_space<semaphore_mem>>)
    }
    %scan3A_86 = arith.constant 31 : i32
    %add3A_87 = arith.constant 62 : i32
    %add3A_88 = arith.addi %mul3A_2, %add3A_87 : i32
    %dma_wait3A_89 = arith.constant 0 : i32
    %dma_wait3A_90 = arith.constant 0 : i32
    %dma_wait3A_91 = tpu.memref_slice %arg6[%add3A_88, %dma_wait3A_89, %dma_wait3A_90] : memref<2048x100x128xf32, #tpu.memory_space<hbm>> -> memref<1x100x128xf32, #tpu.memory_space<hbm>>
    %dma_wait3A_92 = tpu.memref_squeeze %dma_wait3A_91 : memref<1x100x128xf32, #tpu.memory_space<hbm>> -> memref<100x128xf32, #tpu.memory_space<hbm>>
    %dma_wait3A_93 = arith.constant 0 : i32
    %dma_wait3A_94 = arith.constant 0 : i32
    %dma_wait3A_95 = tpu.memref_slice %arg6[%add3A_88, %dma_wait3A_93, %dma_wait3A_94] : memref<2048x100x128xf32, #tpu.memory_space<hbm>> -> memref<1x100x128xf32, #tpu.memory_space<hbm>>
    %dma_wait3A_96 = tpu.memref_squeeze %dma_wait3A_95 : memref<1x100x128xf32, #tpu.memory_space<hbm>> -> memref<100x128xf32, #tpu.memory_space<hbm>>
    tpu.wait_dma2 semaphore(%arg18 : memref<!tpu.dma_semaphore, #tpu.memory_space<semaphore_mem>>) src(%arg13 : memref<100x128xf32, #tpu.memory_space<vmem>>) dst(%dma_wait3A_96 : memref<100x128xf32, #tpu.memory_space<hbm>>)
    %add3A_97 = arith.constant 63 : i32
    %add3A_98 = arith.addi %mul3A_2, %add3A_97 : i32
    %dma_wait3A_99 = arith.constant 0 : i32
    %dma_wait3A_100 = arith.constant 0 : i32
    %dma_wait3A_101 = tpu.memref_slice %arg6[%add3A_98, %dma_wait3A_99, %dma_wait3A_100] : memref<2048x100x128xf32, #tpu.memory_space<hbm>> -> memref<1x100x128xf32, #tpu.memory_space<hbm>>
    %dma_wait3A_102 = tpu.memref_squeeze %dma_wait3A_101 : memref<1x100x128xf32, #tpu.memory_space<hbm>> -> memref<100x128xf32, #tpu.memory_space<hbm>>
    %dma_wait3A_103 = arith.constant 0 : i32
    %dma_wait3A_104 = arith.constant 0 : i32
    %dma_wait3A_105 = tpu.memref_slice %arg6[%add3A_98, %dma_wait3A_103, %dma_wait3A_104] : memref<2048x100x128xf32, #tpu.memory_space<hbm>> -> memref<1x100x128xf32, #tpu.memory_space<hbm>>
    %dma_wait3A_106 = tpu.memref_squeeze %dma_wait3A_105 : memref<1x100x128xf32, #tpu.memory_space<hbm>> -> memref<100x128xf32, #tpu.memory_space<hbm>>
    tpu.wait_dma2 semaphore(%arg19 : memref<!tpu.dma_semaphore, #tpu.memory_space<semaphore_mem>>) src(%arg14 : memref<100x128xf32, #tpu.memory_space<vmem>>) dst(%dma_wait3A_106 : memref<100x128xf32, #tpu.memory_space<hbm>>)
    return
  }
}

</mosaic_0001>

<sc_bundles>
// kernel: kernel.3.cloned.1.call-start
scs
__scs_entry_jumppad:
0x0: {  	(pc) =	sbr.rel $0x88, $3  }
0x1: {  	(tag) =	ssettag $0x0;
	lr =	simm.s32 $0x1  }
0x2: {  	[smem:$0x3F9F] =	sst lr;
	_ =	strace $0xD0000000  }
0x3: {  	_ = 	snop  }
0x4: {  	_ = 	snop  }
0x5: {  	_ = 	snop  }
0x6: {  	_ = 	snop  }
0x7: {  	_ = 	snop  }
__scs_overlays_trampoline_lowered:
0x8: {  	[smem:$0x3FAE] =	sst s0  }
0x9: {  	[smem:$0x3FAF] =	sst s1  }
0xa: {  	[smem:$0x3FB0] =	sst s2  }
0xb: {  	[smem:$0x3FB1] =	sst s3  }
0xc: {  	[smem:$0x3FB2] =	sst s4  }
0xd: {  	[smem:$0x3FB3] =	sst s5  }
0xe: {  	[smem:$0x3FB4] =	sst s6  }
0xf: {  	[smem:$0x3FB5] =	sst s7  }
0x10: {  	[smem:$0x3FB6] =	sst s8  }
0x11: {  	[smem:$0x3FB7] =	sst s9;
	s0 =	simm.s32 @!p0 $0x0  }
0x12: {  	s1 =	sld [smem:$0x3F9D];
	s0 =	simm.s32 @p0 $0x1  }
0x13: {  	[smem:$0x3FB8] =	sst s0;
	s0 =	simm.s32 @!p1 $0x0  }
0x14: {  	s2 =	sld [smem:$0x3F9C];
	s0 =	simm.s32 @p1 $0x1  }
0x15: {  	[smem:$0x3FB9] =	sst s0;
	s0 =	simm.s32 @!p2 $0x0  }
0x16: {  	s3 =	sld [smem:$0x3FDB];
	s0 =	simm.s32 @p2 $0x1  }
0x17: {  	s4 =	simm.s32 $0x1BF5;
	[smem:$0x3FBB] =	sst s0  }
0x18: {  	s0 =	sld [smem:$0x3F9E];
	_ =	swait.ge [sflag:s4], $0x0  }
0x19: {  	s7 =	sld [smem:$0x3F9F]  }
0x1a: {  	s8 =	sadd.s32 $0xFFFFE003, lr  }
0x1b: {  	s9 =	sadd.s32 $0xFFFFFEF7, lr;
	s5 =	simm.s32 $0xFFFFFFFF;
	p2 =	slt.u32 s8, $0xFFFFF086  }
0x1c: {  	p1 =	slt.u32 s9, $0xF7A;
	s5 =	simm.s32 @!p2 $0x0  }
0x1d: {  	s5 =	simm.s32 @p1 $0x1;
	p0 =	seq.s32 s7, s2  }
0x1e: {  	s7 =	smul.u32 @!p0 $0xF7A, s2;
	p2 =	seq.s32 @!p0 s5, $0x0  }
0x1f: {  	s9 =	smul.u32 $0xF7A, s1;
	s8 =	simm.s32 @!p0 $0x1BF5;
	p2 =	por !p2, p0  }
0x20: {  	[sflag:s8] =	ssyncset.s32 @!p0 $0xFFFFF086;
	s6 =	sadd.s32 @!p0 s3, s7;
	s7 =	simm.s32 @!p0 $0x108  }
0x21: {  	s3 =	sadd.s32 s3, s9;
	s6 =	sadd.s32 @!p0 $0x88, s6;
	s7 =	simm.s32 @p2 $0x1082  }
0x22: {  	[simem:s7], [sflag:s8] =	dma.local @!p0 [hbm:s6], $0xF7A  }
0x23: {  	s9 =	sor.u32 $0xD0000000, s2;
	s6 =	simm.s32 $0x108;
	_ =	swait.ge @!p0 [sflag:s8], $0x0  }
0x24: {  	s3 =	sadd.s32 $0x88, s3;
	s6 =	simm.s32 @!p1 $0x1082;
	[sflag:s4] =	ssyncset.s32 $0xFFFFF086  }
0x25: {  	[simem:s6], [sflag:s4] =	dma.local [hbm:s3], $0xF7A  }
0x26: {  	[smem:$0x3F9F] =	sst s1;
	(tag) =	ssettag s2;
	_ =	strace s9  }
0x27: {  	s1 =	sld [smem:$0x3FAF]  }
0x28: {  	s2 =	sld [smem:$0x3FB0]  }
0x29: {  	s4 =	sld [smem:$0x3FB2]  }
0x2a: {  	p0 =	seq.s32 s5, $0x0;
	s5 =	sld [smem:$0x3FB3]  }
0x2b: {  	s6 =	sld [smem:$0x3FB4]  }
0x2c: {  	s7 =	sld [smem:$0x3FB5]  }
0x2d: {  	s3 =	simm.s32 $0x108;
	s8 =	sld [smem:$0x3FB6]  }
0x2e: {  	s3 =	simm.s32 @!p0 $0x1082;
	s9 =	sld [smem:$0x3FB7]  }
0x2f: {  	lr =	sadd.s32 s0, s3;
	s0 =	sld [smem:$0x3FAE]  }
0x30: {  	s3 =	sld [smem:$0x3FB1]  }
0x31: {  	[smem:$0x3FBA] =	sst s10  }
0x32: {  	s10 =	sld [smem:$0x3FB8];
	_ =	sdelay $0x3  }
0x33: {  	p0 =	seq.s32 s10, $0x1;
	s10 =	sld [smem:$0x3FBA];
	_ =	sdelay $0x3  }
0x34: {  	[smem:$0x3FBA] =	sst s10  }
0x35: {  	s10 =	sld [smem:$0x3FB9];
	_ =	sdelay $0x3  }
0x36: {  	p1 =	seq.s32 s10, $0x1;
	s10 =	sld [smem:$0x3FBA];
	_ =	sdelay $0x3  }
0x37: {  	[smem:$0x3FBA] =	sst s10  }
0x38: {  	s10 =	sld [smem:$0x3FBB]  }
0x39: {  	_ = 	snop;
	(pc) =	sbr.ind lr, $3  }
0x3a: {  	_ = 	snop  }
0x3b: {  	_ = 	snop  }
0x3c: {  	p2 =	seq.s32 s10, $0x1;
	s10 =	sld [smem:$0x3FBA]  }
0x3d: {  	_ =	shalt  }
0x3e: {  	_ =	shalt  }
0x3f: {  	_ =	shalt  }
0x40: {  	_ =	shalt  }
0x41: {  	_ =	shalt  }
0x42: {  	_ =	shalt  }
0x43: {  	_ =	shalt  }
0x44: {  	_ =	shalt  }
0x45: {  	_ =	shalt  }
0x46: {  	_ =	shalt  }
0x47: {  	_ =	shalt  }
0x48: {  	_ =	shalt  }
0x49: {  	_ =	shalt  }
0x4a: {  	_ =	shalt  }
0x4b: {  	_ =	shalt  }
0x4c: {  	_ =	shalt  }
0x4d: {  	_ =	shalt  }
0x4e: {  	_ =	shalt  }
0x4f: {  	_ =	shalt  }
0x50: {  	_ =	shalt  }
0x51: {  	_ =	shalt  }
0x52: {  	_ =	shalt  }
0x53: {  	_ =	shalt  }
0x54: {  	_ =	shalt  }
0x55: {  	_ =	shalt  }
0x56: {  	_ =	shalt  }
0x57: {  	_ =	shalt  }
0x58: {  	_ =	shalt  }
0x59: {  	_ =	shalt  }
0x5a: {  	_ =	shalt  }
0x5b: {  	_ =	shalt  }
0x5c: {  	_ =	shalt  }
0x5d: {  	_ =	shalt  }
0x5e: {  	_ =	shalt  }
0x5f: {  	_ =	shalt  }
0x60: {  	_ =	shalt  }
0x61: {  	_ =	shalt  }
0x62: {  	_ =	shalt  }
0x63: {  	_ =	shalt  }
0x64: {  	_ =	shalt  }
0x65: {  	_ =	shalt  }
0x66: {  	_ =	shalt  }
0x67: {  	_ =	shalt  }
0x68: {  	_ =	shalt  }
0x69: {  	_ =	shalt  }
0x6a: {  	_ =	shalt  }
0x6b: {  	_ =	shalt  }
0x6c: {  	_ =	shalt  }
0x6d: {  	_ =	shalt  }
0x6e: {  	_ =	shalt  }
0x6f: {  	_ =	shalt  }
0x70: {  	_ =	shalt  }
0x71: {  	_ =	shalt  }
0x72: {  	_ =	shalt  }
0x73: {  	_ =	shalt  }
0x74: {  	_ =	shalt  }
0x75: {  	_ =	shalt  }
0x76: {  	_ =	shalt  }
0x77: {  	_ =	shalt  }
0x78: {  	_ =	shalt  }
0x79: {  	_ =	shalt  }
0x7a: {  	_ =	shalt  }
0x7b: {  	_ =	shalt  }
0x7c: {  	_ =	shalt  }
0x7d: {  	_ =	shalt  }
0x7e: {  	_ =	shalt  }
0x7f: {  	_ =	shalt  }
0x80: {  	_ =	shalt  }
0x81: {  	_ =	shalt  }
0x82: {  	_ =	shalt  }
0x83: {  	_ =	shalt  }
0x84: {  	_ =	shalt  }
0x85: {  	_ =	shalt  }
0x86: {  	_ =	shalt  }
0x87: {  	_ =	shalt  }
.Lfunc_end0:
.L_simem_size_0:
called_computation_lowered:
.L_overlay_start_0:
0x88: {  	s2 =	sld [smem:$0x3FD9]  }
0x89: {  	s3 =	sld [smem:$0x3FFE];
	_ =	sdelay $0x1  }
0x8a: {  	s1 =	srdreg.scid  }
0x8b: {  	s0 =	sand.u32 $0x1, s1  }
0x8c: {  	s14 =	sshll.u32 s0, $0xA;
	s2 =	sadd.s32 s3, s2  }
0x8d: {  	s2 =	sadd.s32 s2, s14  }
0x8e: {  	[smem:$0x3FC6] =	sst s2  }
0x8f: {  	_ = 	snop  }
0x90: {  	s2 =	sld [smem:$0x3FD0];
	_ =	sdelay $0x2  }
0x91: {  	s4 =	simm.s32 $0xA;
	s5 =	simm.s32 $0x10;
	s15 =	sld [smem:$0x3FC8]  }
0x92: {  	[smem:s5], [sflag:s4] =	dma.local [hbm:s2], $0x1  }
0x93: {  	_ =	swait.eq [sflag:s4], $0x1  }
0x94: {  	[sflag:s4] =	ssyncset.done $0x0  }
0x95: {  	s16 =	sld [smem:$0x10];
	[sflag:s4] =	ssyncadd.s32 $0xFFFFFFFF  }
0x96: {  	s17 =	sld [smem:$0x11];
	(tm) =	ssettm $0x1  }
0x97: {  	s18 =	sld [smem:$0x3FFB];
	_ =	sdelay $0x3  }
0x98: {  	_ =	strace s18  }
0x99: {  	s5 =	sld [smem:$0x3FFC];
	_ =	sdelay $0x3  }
0x9a: {  	_ =	strace s5  }
0x9b: {  	s5 =	sld [smem:$0x3FFD];
	_ =	sdelay $0x3  }
0x9c: {  	_ =	strace s5  }
0x9d: {  	_ =	strace $0x8FFFFFFF  }
0x9e: {  	s19 =	sld [smem:$0x3FDB];
	_ =	sdelay $0x1  }
0x9f: {  	s6 =	simm.s32 $_scs_section_size  }
0xa0: {  	s7 =	simm.s32 $_size__tile_overlayer_lowered;
	s8 =	simm.s32 $_tile_overlayer_lowered  }
0xa1: {  	s22 =	simm.s32 $0x1BFF;
	s21 =	sshll.u32 s8, $0x1;
	s5 =	sadd.s32 s6, s19  }
0xa2: {  	s9 =	simm.s32 $0x0;
	s20 =	sshll.u32 s7, $0x1;
	s7 =	sadd.s32 s21, s5  }
0xa3: {  	[timem:s9], [sflag:s22] =	dma.local [hbm:s7], s20  }
0xa4: {  	_ =	swait.ge [sflag:s22], s20  }
0xa5: {  	s6 =	ssub.s32 $0x0, s20;
	[sflag:s22] =	ssyncset.done $0x0  }
0xa6: {  	[sflag:s22] =	ssyncadd.s32 s6;
	_ =	sdelay $0x1  }
0xa7: {  	s23 =	simm.s32 $0x1B8B  }
0xa8: {  	_ =	swait.ge [sflag:s23], $0x1  }
0xa9: {  	[sflag:s23] =	ssyncset.done $0x0  }
0xaa: {  	s25 =	simm.s32 $0x1B8E;
	s24 =	sld [smem:$0x3FFE];
	[sflag:s23] =	ssyncadd.s32 $0xFFFFFFFF  }
0xab: {  	s26 =	simm.s32 $execute0_lowered;
	[smem:$0x3FD2] =	sst s25  }
0xac: {  	s7 =	sshll.u32 s26, $0x1;
	_ =	strace $0x80000046;
	[dreg:$0x1] =	wrdreg $0xFFFFFFFF  }
0xad: {  	s28 =	simm.s32 $_size_execute0_lowered;
	s5 =	sadd.s32 s5, s7;
	[dreg:$0x0] =	wrdreg $0x0  }
0xae: {  	s7 =	sshll.u32 s28, $0x1;
	[dreg:$0x2] =	wrdreg s5  }
0xaf: {  	[dreg:$0x3] =	wrdreg s7  }
0xb0: {  	[dreg:$0x4] =	wrdreg $0xC0  }
0xb1: {  	_ =	task [dreg:s9], $0x5FFFF  }
0xb2: {  	[dreg:$0x1] =	wrdreg $0xFFFFFFFF  }
0xb3: {  	[dreg:$0x0] =	wrdreg $0x60  }
0xb4: {  	[dreg:$0x2] =	wrdreg s15  }
0xb5: {  	[dreg:$0x3] =	wrdreg s16  }
0xb6: {  	[dreg:$0x4] =	wrdreg s24  }
0xb7: {  	[dreg:$0x5] =	wrdreg s17  }
0xb8: {  	[dreg:$0x6] =	wrdreg $0x9  }
0xb9: {  	_ =	task.clear_ibuf [dreg:s9], $0x7FFFF;
	_ =	strace $0x90000046  }
0xba: {  	s29 =	simm.s32 $0x9;
	_ =	strace $0x80000048  }
0xbb: {  	_ =	swait.ge [sflag:s29], $0x1  }
0xbc: {  	[sflag:s29] =	ssyncadd.s32 $0xFFFFFFFF  }
0xbd: {  	_ =	strace $0x90000048  }
0xbe: {  	_ =	sfence  }
0xbf: {  	s30 =	sld [smem:$0x0];
	_ =	sdelay $0x2  }
0xc0: {  	s31 =	sshll.u32 s1, $0xD;
	s1 =	sshrl.u32 s1, $0x2  }
0xc1: {  	s3 =	sand.u32 $0x4000, s31;
	s1 =	sadd.s32 s1, s30  }
0xc2: {  	s0 =	sor.u32 s3, s0;
	s1 =	sshll.u32 s1, $0x11  }
0xc3: {  	s0 =	sor.u32 s1, s0  }
0xc4: {  	s0 =	sadd.s32 $0x8F2B, s0  }
0xc5: {  	[sflag:s0] =	ssyncadd.remote.s32 $0x1  }
0xc6: {  	_ =	sfence.sel $0xFFFF  }
0xc7: {  	[dreg:$0x0] =	wrdreg $0xFFFFFFFF;
	(pc) =	sbr.abs _section_cstart, $3  }
0xc8: {  	[dreg:$0x1] =	wrdreg $0xFFFFFFFF  }
0xc9: {  	_ =	task.clear_ibuf [dreg:s9], $0x2FFFF;
	_ =	strace $0x9FFFFFFF  }
0xca: {  	(tm) =	ssettm $0x7FFFFFFF  }
0xcb: {  	_ =	shalt  }
tec
execute0_lowered:
.L_overlay_start_1:
0x0: {  	(tag) =	ssettag $0x1  }
0x1: {  	s1 =	rddreg [dreg:$0x0]  }
0x2: {  	s0 =	rddreg [dreg:$0x1]  }
0x3: {  	s2 =	rddreg [dreg:$0x2]  }
0x4: {  	s3 =	srdreg.scid;
	s5 =	stileid.u32;
	s4 =	simm.s32 $0x0  }
0x5: {  	s13 =	simm.s32 $0x5;
	s16 =	simm.s32 $0x64;
	s17 =	simm.s32 $0x9D00  }
0x6: {  	s19 =	simm.s32 $0xD100;
	s21 =	simm.s32 $0x1;
	s22 =	simm.s32 $0x100  }
0x7: {  	s23 =	simm.s32 $0x10500;
	s24 =	simm.s32 $0x2;
	s25 =	simm.s32 $0x180  }
0x8: {  	s26 =	simm.s32 $0x13900;
	s28 =	simm.s32 $0x3;
	s29 =	simm.s32 $0x4  }
0x9: {  	s3 =	sand.u32 $0x1, s3;
	s5 =	sshll.u32 s5, $0x1;
	[smem:$0x7FF] =	sst s4  }
0xa: {  	s30 =	simm.s32 $0x0;
	s9 =	sor.u32 s3, s5;
	_ =	strace $0x80000047  }
0xb: {  	s3 =	ssub.s32 $0x2, s3;
	s5 =	sadd.s32 $0x6A00, s2;
	s6 =	smul.u32 $0x320, s9  }
0xc: {  	s7 =	sshrl.u32 s3, $0x1;
	s8 =	smul.u32 $0x1A000, s9;
	s31 =	sshll.u32 s9, $0xA  }
0xd: {  	s9 =	sshll.u32 s9, $0x6;
	s3 =	ssub.s32 s3, s7;
	s2 =	sadd.s32 s6, s2  }
0xe: {  	s6 =	sadd.s32 s0, s31;
	s8 =	sadd.s32 s5, s8;
	s12 =	smax.u32 s3, $0x1  }
0xf: {  	v0 =	vimm.s32 $0x0;
	s7 =	sadd.s32 $0x600, s2;
	s10 =	sadd.s32 $0x346A00, s2;
	s11 =	sadd.s32 $0x680, s8  }
.LBB2_1:
0x10: {  	[tilespmem:s4], [sflag:$0x5] =	stream.linear.gather [hbm4b:s6+s4], $0x2000, $0x38;
	[tilespmem:$0x18600] =	vst v63  }
0x11: {  	_ =	swait.ge [sflag:s13], $0x2000  }
0x12: {  	[sflag:s13] =	ssyncset.done $0x0  }
0x13: {  	s0 =	simm.s32 $0x2000;
	[sflag:s13] =	ssyncadd.s32 $0xFFFFE000  }
0x14: {  	[tilespmem:s0], [sflag:$0x5] =	stream.linear.gather [hbm4b:s7+s4], $0x1900, $0x38;
	[tilespmem:$0x18600] =	vst v63  }
0x15: {  	_ =	swait.ge [sflag:s13], $0x1900  }
0x16: {  	[sflag:s13] =	ssyncset.done $0x0  }
0x17: {  	[sflag:s13] =	ssyncadd.s32 $0xFFFFE700  }
0x18: {  	s2 =	simm.s32 $0x3900;
	s18 =	rddreg [dreg:$0x3]  }
0x19: {  	[tilespmem:s2], [sflag:$0x5] =	stream.linear.gather [hbm4b:s18+s4], $0x6400, $0x38;
	[tilespmem:$0x18600] =	vst v63  }
0x1a: {  	_ =	swait.ge [sflag:s13], $0x6400  }
0x1b: {  	[sflag:s13] =	ssyncset.done $0x0  }
0x1c: {  	[sflag:s13] =	ssyncadd.s32 $0xFFFF9C00  }
0x1d: {  	[tilespmem:s17], [sflag:$0x1] =	stream.indirect.gather [hbm4b:s1+s16], $0x80, s4, s16, $0xb8;
	[tilespmem:$0x18600] =	vst v63  }
0x1e: {  	s20 =	simm.s32 $0x80;
	s31 =	simm.s32 $0x2020  }
0x1f: {  	[tilespmem:s19], [sflag:$0x2] =	stream.indirect.gather [hbm4b:s1+s16], $0x80, s20, s16, $0xb8;
	[tilespmem:$0x18600] =	vst v63  }
0x20: {  	v1 =	vld [tilespmem:s31+$0xFFFFFFE0];
	_ =	sdelay $0x4  }
0x21: {  	vm0 =	veq.s32 v1, $0x1  }
0x22: {  	s0 =	simm.s32 $0x16D20;
	v1 =	vsel vm0, $0x1, v0  }
0x23: {  	[tilespmem:s0+$0xFFFFFFE0] =	vst v1  }
0x24: {  	v1 =	vld [tilespmem:s31+$0xFFFFFFF0];
	_ =	sdelay $0x4  }
0x25: {  	vm13 =	veq.s32 v1, $0x1  }
0x26: {  	v1 =	vsel vm13, $0x1, v0  }
0x27: {  	[tilespmem:s0+$0xFFFFFFF0] =	vst v1  }
0x28: {  	v1 =	vld [tilespmem:s31+$0x0];
	_ =	sdelay $0x4  }
0x29: {  	vm14 =	veq.s32 v1, $0x1  }
0x2a: {  	v1 =	vsel vm14, $0x1, v0  }
0x2b: {  	[tilespmem:s0+$0x0] =	vst v1  }
0x2c: {  	v1 =	vld [tilespmem:s31+$0x10];
	_ =	sdelay $0x4  }
0x2d: {  	vm15 =	veq.s32 v1, $0x1  }
0x2e: {  	v1 =	vsel vm15, $0x1, v0  }
0x2f: {  	s3 =	simm.s32 $0x2060;
	s2 =	simm.s32 $0x0;
	[tilespmem:s0+$0x10] =	vst v1  }
.LBB2_2:
0x30: {  	v1 =	vld [tilespmem:s3+$0xFFFFFFE0];
	s2 =	sadd.s32 $0x4, s2  }
0x31: {  	p0 =	slt.u32 s2, $0x18C;
	_ =	sdelay $0x3  }
0x32: {  	vm0 =	veq.s32 v1, $0x1  }
0x33: {  	s0 =	sadd.s32 $0x40, s0;
	v1 =	vsel vm0, $0x1, v0  }
0x34: {  	[tilespmem:s0+$0xFFFFFFE0] =	vst v1  }
0x35: {  	v1 =	vld [tilespmem:s3+$0xFFFFFFF0];
	_ =	sdelay $0x4  }
0x36: {  	vm0 =	veq.s32 v1, $0x1  }
0x37: {  	v1 =	vsel vm0, $0x1, v0  }
0x38: {  	[tilespmem:s0+$0xFFFFFFF0] =	vst v1  }
0x39: {  	v1 =	vld [tilespmem:s3+$0x0];
	_ =	sdelay $0x4  }
0x3a: {  	vm0 =	veq.s32 v1, $0x1  }
0x3b: {  	v1 =	vsel vm0, $0x1, v0  }
0x3c: {  	[tilespmem:s0+$0x0] =	vst v1  }
0x3d: {  	v1 =	vld [tilespmem:s3+$0x10];
	_ =	sdelay $0x2  }
.Ltmp0:
0x3e: {  	(pc) =	sbr.rel @p0 .LBB2_2-.Ltmp0, $4  }
0x3f: {  	_ = 	snop  }
0x40: {  	vm0 =	veq.s32 v1, $0x1  }
0x41: {  	v1 =	vsel vm0, $0x1, v0  }
0x42: {  	s3 =	sadd.s32 $0x40, s3;
	[tilespmem:s0+$0x10] =	vst v1  }
0x43: {  	s0 =	simm.s32 $0x16D00  }
0x44: {  	[hbm4b:s10+s4] =	stream.linear.scatter [tilespmem:s0], [sflag:$0x5], $0x1900, $0x38;
	[tilespmem:$0x18600] =	vst v63  }
0x45: {  	_ =	swait.ge [sflag:s13], $0x1900  }
0x46: {  	[sflag:s13] =	ssyncset.done $0x0  }
0x47: {  	[sflag:s13] =	ssyncadd.s32 $0xFFFFE700  }
0x48: {  	_ =	swait.ge [sflag:s21], $0x3200  }
0x49: {  	[sflag:s21] =	ssyncset.done $0x0  }
0x4a: {  	s3 =	simm.s32 $0x9D80;
	[sflag:s21] =	ssyncadd.s32 $0xFFFFCE00  }
0x4b: {  	v1 =	vld [tilespmem:s3+$0xFFFFFF80]  }
0x4c: {  	s0 =	simm.s32 $0x3980  }
0x4d: {  	v2 =	vld [tilespmem:s0+$0xFFFFFF80];
	_ =	sdelay $0x2  }
0x4e: {  	v1 =	vmul.f32 $1.131370830e+01, v1;
	_ =	sdelay $0x1  }
0x4f: {  	v1 =	vadd.f32 v2, v1  }
0x50: {  	s2 =	simm.s32 $0x10580  }
0x51: {  	[tilespmem:s2+$0xFFFFFF80] =	vst v1  }
0x52: {  	v1 =	vld [tilespmem:s3+$0xFFFFFF90];
	_ =	sdelay $0x1  }
0x53: {  	v2 =	vld [tilespmem:s0+$0xFFFFFF90];
	_ =	sdelay $0x2  }
0x54: {  	v1 =	vmul.f32 $1.131370830e+01, v1;
	_ =	sdelay $0x1  }
0x55: {  	v1 =	vadd.f32 v2, v1;
	_ =	sdelay $0x1  }
0x56: {  	[tilespmem:s2+$0xFFFFFF90] =	vst v1  }
0x57: {  	v1 =	vld [tilespmem:s3+$0xFFFFFFA0];
	_ =	sdelay $0x1  }
0x58: {  	v2 =	vld [tilespmem:s0+$0xFFFFFFA0];
	_ =	sdelay $0x2  }
0x59: {  	v1 =	vmul.f32 $1.131370830e+01, v1;
	_ =	sdelay $0x1  }
0x5a: {  	v1 =	vadd.f32 v2, v1;
	_ =	sdelay $0x1  }
0x5b: {  	[tilespmem:s2+$0xFFFFFFA0] =	vst v1  }
0x5c: {  	v1 =	vld [tilespmem:s3+$0xFFFFFFB0];
	_ =	sdelay $0x1  }
0x5d: {  	v2 =	vld [tilespmem:s0+$0xFFFFFFB0];
	_ =	sdelay $0x2  }
0x5e: {  	v1 =	vmul.f32 $1.131370830e+01, v1;
	_ =	sdelay $0x1  }
0x5f: {  	v1 =	vadd.f32 v2, v1;
	_ =	sdelay $0x1  }
0x60: {  	[tilespmem:s2+$0xFFFFFFB0] =	vst v1  }
0x61: {  	v1 =	vld [tilespmem:s3+$0xFFFFFFC0];
	_ =	sdelay $0x1  }
0x62: {  	v2 =	vld [tilespmem:s0+$0xFFFFFFC0];
	_ =	sdelay $0x2  }
0x63: {  	v1 =	vmul.f32 $1.131370830e+01, v1;
	_ =	sdelay $0x1  }
0x64: {  	v1 =	vadd.f32 v2, v1;
	_ =	sdelay $0x1  }
0x65: {  	[tilespmem:s2+$0xFFFFFFC0] =	vst v1  }
0x66: {  	v1 =	vld [tilespmem:s3+$0xFFFFFFD0];
	_ =	sdelay $0x1  }
0x67: {  	v2 =	vld [tilespmem:s0+$0xFFFFFFD0];
	_ =	sdelay $0x2  }
0x68: {  	v1 =	vmul.f32 $1.131370830e+01, v1;
	_ =	sdelay $0x1  }
0x69: {  	v1 =	vadd.f32 v2, v1;
	_ =	sdelay $0x1  }
0x6a: {  	[tilespmem:s2+$0xFFFFFFD0] =	vst v1  }
0x6b: {  	v1 =	vld [tilespmem:s3+$0xFFFFFFE0];
	_ =	sdelay $0x1  }
0x6c: {  	v2 =	vld [tilespmem:s0+$0xFFFFFFE0];
	_ =	sdelay $0x2  }
0x6d: {  	v1 =	vmul.f32 $1.131370830e+01, v1;
	_ =	sdelay $0x1  }
0x6e: {  	v1 =	vadd.f32 v2, v1;
	_ =	sdelay $0x1  }
0x6f: {  	[tilespmem:s2+$0xFFFFFFE0] =	vst v1  }
0x70: {  	v1 =	vld [tilespmem:s3+$0xFFFFFFF0];
	_ =	sdelay $0x1  }
0x71: {  	v2 =	vld [tilespmem:s0+$0xFFFFFFF0];
	_ =	sdelay $0x2  }
0x72: {  	v1 =	vmul.f32 $1.131370830e+01, v1;
	_ =	sdelay $0x1  }
0x73: {  	v1 =	vadd.f32 v2, v1;
	_ =	sdelay $0x1  }
0x74: {  	[tilespmem:s2+$0xFFFFFFF0] =	vst v1  }
0x75: {  	v1 =	vld [tilespmem:s3+$0x0];
	_ =	sdelay $0x1  }
0x76: {  	v2 =	vld [tilespmem:s0+$0x0];
	_ =	sdelay $0x2  }
0x77: {  	v1 =	vmul.f32 $1.131370830e+01, v1;
	_ =	sdelay $0x1  }
0x78: {  	v1 =	vadd.f32 v2, v1;
	_ =	sdelay $0x1  }
0x79: {  	[tilespmem:s2+$0x0] =	vst v1  }
0x7a: {  	v1 =	vld [tilespmem:s3+$0x10];
	_ =	sdelay $0x1  }
0x7b: {  	v2 =	vld [tilespmem:s0+$0x10];
	_ =	sdelay $0x2  }
0x7c: {  	v1 =	vmul.f32 $1.131370830e+01, v1;
	_ =	sdelay $0x1  }
0x7d: {  	v1 =	vadd.f32 v2, v1;
	_ =	sdelay $0x1  }
0x7e: {  	[tilespmem:s2+$0x10] =	vst v1  }
0x7f: {  	v1 =	vld [tilespmem:s3+$0x20];
	_ =	sdelay $0x1  }
0x80: {  	v2 =	vld [tilespmem:s0+$0x20];
	_ =	sdelay $0x2  }
0x81: {  	v1 =	vmul.f32 $1.131370830e+01, v1;
	_ =	sdelay $0x1  }
0x82: {  	v1 =	vadd.f32 v2, v1;
	_ =	sdelay $0x1  }
0x83: {  	[tilespmem:s2+$0x20] =	vst v1  }
0x84: {  	v1 =	vld [tilespmem:s3+$0x30];
	_ =	sdelay $0x1  }
0x85: {  	v2 =	vld [tilespmem:s0+$0x30];
	_ =	sdelay $0x2  }
0x86: {  	v1 =	vmul.f32 $1.131370830e+01, v1;
	_ =	sdelay $0x1  }
0x87: {  	v1 =	vadd.f32 v2, v1;
	_ =	sdelay $0x1  }
0x88: {  	[tilespmem:s2+$0x30] =	vst v1  }
0x89: {  	v1 =	vld [tilespmem:s3+$0x40];
	_ =	sdelay $0x1  }
0x8a: {  	v2 =	vld [tilespmem:s0+$0x40];
	_ =	sdelay $0x2  }
0x8b: {  	v1 =	vmul.f32 $1.131370830e+01, v1;
	_ =	sdelay $0x1  }
0x8c: {  	v1 =	vadd.f32 v2, v1;
	_ =	sdelay $0x1  }
0x8d: {  	[tilespmem:s2+$0x40] =	vst v1  }
0x8e: {  	v1 =	vld [tilespmem:s3+$0x50];
	_ =	sdelay $0x1  }
0x8f: {  	v2 =	vld [tilespmem:s0+$0x50];
	_ =	sdelay $0x2  }
0x90: {  	v1 =	vmul.f32 $1.131370830e+01, v1;
	_ =	sdelay $0x1  }
0x91: {  	v1 =	vadd.f32 v2, v1;
	_ =	sdelay $0x1  }
0x92: {  	[tilespmem:s2+$0x50] =	vst v1  }
0x93: {  	v1 =	vld [tilespmem:s3+$0x60];
	_ =	sdelay $0x1  }
0x94: {  	v2 =	vld [tilespmem:s0+$0x60];
	_ =	sdelay $0x2  }
0x95: {  	v1 =	vmul.f32 $1.131370830e+01, v1;
	_ =	sdelay $0x1  }
0x96: {  	v1 =	vadd.f32 v2, v1;
	_ =	sdelay $0x1  }
0x97: {  	[tilespmem:s2+$0x60] =	vst v1  }
0x98: {  	v1 =	vld [tilespmem:s3+$0x70];
	_ =	sdelay $0x1  }
0x99: {  	v2 =	vld [tilespmem:s0+$0x70];
	_ =	sdelay $0x2  }
0x9a: {  	v1 =	vmul.f32 $1.131370830e+01, v1;
	_ =	sdelay $0x1  }
0x9b: {  	v1 =	vadd.f32 v2, v1  }
0x9c: {  	s14 =	simm.s32 $0x9E80;
	s3 =	simm.s32 $0x0  }
.LBB2_4:
0x9d: {  	s3 =	sadd.s32 $0x2, s3;
	[tilespmem:s2+$0x70] =	vst v1;
	s2 =	sadd.s32 $0x100, s2;
	s0 =	sadd.s32 $0x100, s0  }
0x9e: {  	v1 =	vld [tilespmem:s14+$0xFFFFFF80];
	p0 =	slt.u32 s3, $0x62;
	_ =	sdelay $0x1  }
0x9f: {  	v2 =	vld [tilespmem:s0+$0xFFFFFF80];
	_ =	sdelay $0x2  }
0xa0: {  	v1 =	vmul.f32 $1.131370830e+01, v1;
	_ =	sdelay $0x1  }
0xa1: {  	v1 =	vadd.f32 v2, v1;
	_ =	sdelay $0x1  }
0xa2: {  	[tilespmem:s2+$0xFFFFFF80] =	vst v1  }
0xa3: {  	v1 =	vld [tilespmem:s14+$0xFFFFFF90];
	_ =	sdelay $0x1  }
0xa4: {  	v2 =	vld [tilespmem:s0+$0xFFFFFF90];
	_ =	sdelay $0x2  }
0xa5: {  	v1 =	vmul.f32 $1.131370830e+01, v1;
	_ =	sdelay $0x1  }
0xa6: {  	v1 =	vadd.f32 v2, v1;
	_ =	sdelay $0x1  }
0xa7: {  	[tilespmem:s2+$0xFFFFFF90] =	vst v1  }
0xa8: {  	v1 =	vld [tilespmem:s14+$0xFFFFFFA0];
	_ =	sdelay $0x1  }
0xa9: {  	v2 =	vld [tilespmem:s0+$0xFFFFFFA0];
	_ =	sdelay $0x2  }
0xaa: {  	v1 =	vmul.f32 $1.131370830e+01, v1;
	_ =	sdelay $0x1  }
0xab: {  	v1 =	vadd.f32 v2, v1;
	_ =	sdelay $0x1  }
0xac: {  	[tilespmem:s2+$0xFFFFFFA0] =	vst v1  }
0xad: {  	v1 =	vld [tilespmem:s14+$0xFFFFFFB0];
	_ =	sdelay $0x1  }
0xae: {  	v2 =	vld [tilespmem:s0+$0xFFFFFFB0];
	_ =	sdelay $0x2  }
0xaf: {  	v1 =	vmul.f32 $1.131370830e+01, v1;
	_ =	sdelay $0x1  }
0xb0: {  	v1 =	vadd.f32 v2, v1;
	_ =	sdelay $0x1  }
0xb1: {  	[tilespmem:s2+$0xFFFFFFB0] =	vst v1  }
0xb2: {  	v1 =	vld [tilespmem:s14+$0xFFFFFFC0];
	_ =	sdelay $0x1  }
0xb3: {  	v2 =	vld [tilespmem:s0+$0xFFFFFFC0];
	_ =	sdelay $0x2  }
0xb4: {  	v1 =	vmul.f32 $1.131370830e+01, v1;
	_ =	sdelay $0x1  }
0xb5: {  	v1 =	vadd.f32 v2, v1;
	_ =	sdelay $0x1  }
0xb6: {  	[tilespmem:s2+$0xFFFFFFC0] =	vst v1  }
0xb7: {  	v1 =	vld [tilespmem:s14+$0xFFFFFFD0];
	_ =	sdelay $0x1  }
0xb8: {  	v2 =	vld [tilespmem:s0+$0xFFFFFFD0];
	_ =	sdelay $0x2  }
0xb9: {  	v1 =	vmul.f32 $1.131370830e+01, v1;
	_ =	sdelay $0x1  }
0xba: {  	v1 =	vadd.f32 v2, v1;
	_ =	sdelay $0x1  }
0xbb: {  	[tilespmem:s2+$0xFFFFFFD0] =	vst v1  }
0xbc: {  	v1 =	vld [tilespmem:s14+$0xFFFFFFE0];
	_ =	sdelay $0x1  }
0xbd: {  	v2 =	vld [tilespmem:s0+$0xFFFFFFE0];
	_ =	sdelay $0x2  }
0xbe: {  	v1 =	vmul.f32 $1.131370830e+01, v1;
	_ =	sdelay $0x1  }
0xbf: {  	v1 =	vadd.f32 v2, v1;
	_ =	sdelay $0x1  }
0xc0: {  	[tilespmem:s2+$0xFFFFFFE0] =	vst v1  }
0xc1: {  	v1 =	vld [tilespmem:s14+$0xFFFFFFF0];
	_ =	sdelay $0x1  }
0xc2: {  	v2 =	vld [tilespmem:s0+$0xFFFFFFF0];
	_ =	sdelay $0x2  }
0xc3: {  	v1 =	vmul.f32 $1.131370830e+01, v1;
	_ =	sdelay $0x1  }
0xc4: {  	v1 =	vadd.f32 v2, v1;
	_ =	sdelay $0x1  }
0xc5: {  	[tilespmem:s2+$0xFFFFFFF0] =	vst v1  }
0xc6: {  	v1 =	vld [tilespmem:s14+$0x0];
	_ =	sdelay $0x1  }
0xc7: {  	v2 =	vld [tilespmem:s0+$0x0];
	_ =	sdelay $0x2  }
0xc8: {  	v1 =	vmul.f32 $1.131370830e+01, v1;
	_ =	sdelay $0x1  }
0xc9: {  	v1 =	vadd.f32 v2, v1;
	_ =	sdelay $0x1  }
0xca: {  	[tilespmem:s2+$0x0] =	vst v1  }
0xcb: {  	v1 =	vld [tilespmem:s14+$0x10]  }
0xcc: {  	v2 =	vld [tilespmem:s0+$0x10];
	_ =	sdelay $0x3  }
0xcd: {  	v1 =	vmul.f32 $1.131370830e+01, v1;
	_ =	sdelay $0x1  }
0xce: {  	v1 =	vadd.f32 v2, v1;
	_ =	sdelay $0x1  }
0xcf: {  	[tilespmem:s2+$0x10] =	vst v1  }
0xd0: {  	v1 =	vld [tilespmem:s14+$0x20]  }
0xd1: {  	v2 =	vld [tilespmem:s0+$0x20];
	_ =	sdelay $0x3  }
0xd2: {  	v1 =	vmul.f32 $1.131370830e+01, v1;
	_ =	sdelay $0x1  }
0xd3: {  	v1 =	vadd.f32 v2, v1;
	_ =	sdelay $0x1  }
0xd4: {  	[tilespmem:s2+$0x20] =	vst v1  }
0xd5: {  	v1 =	vld [tilespmem:s14+$0x30]  }
0xd6: {  	v2 =	vld [tilespmem:s0+$0x30];
	_ =	sdelay $0x3  }
0xd7: {  	v1 =	vmul.f32 $1.131370830e+01, v1;
	_ =	sdelay $0x1  }
0xd8: {  	v1 =	vadd.f32 v2, v1;
	_ =	sdelay $0x1  }
0xd9: {  	[tilespmem:s2+$0x30] =	vst v1  }
0xda: {  	v1 =	vld [tilespmem:s14+$0x40]  }
0xdb: {  	v2 =	vld [tilespmem:s0+$0x40];
	_ =	sdelay $0x3  }
0xdc: {  	v1 =	vmul.f32 $1.131370830e+01, v1;
	_ =	sdelay $0x1  }
0xdd: {  	v1 =	vadd.f32 v2, v1;
	_ =	sdelay $0x1  }
0xde: {  	[tilespmem:s2+$0x40] =	vst v1  }
0xdf: {  	v1 =	vld [tilespmem:s14+$0x50]  }
0xe0: {  	v2 =	vld [tilespmem:s0+$0x50];
	_ =	sdelay $0x3  }
0xe1: {  	v1 =	vmul.f32 $1.131370830e+01, v1;
	_ =	sdelay $0x1  }
0xe2: {  	v1 =	vadd.f32 v2, v1;
	_ =	sdelay $0x1  }
0xe3: {  	[tilespmem:s2+$0x50] =	vst v1  }
0xe4: {  	v1 =	vld [tilespmem:s14+$0x60]  }
0xe5: {  	v2 =	vld [tilespmem:s0+$0x60];
	_ =	sdelay $0x3  }
0xe6: {  	v1 =	vmul.f32 $1.131370830e+01, v1;
	_ =	sdelay $0x1  }
0xe7: {  	v1 =	vadd.f32 v2, v1;
	_ =	sdelay $0x1  }
0xe8: {  	[tilespmem:s2+$0x60] =	vst v1  }
0xe9: {  	v1 =	vld [tilespmem:s14+$0x70]  }
0xea: {  	v2 =	vld [tilespmem:s0+$0x70];
	_ =	sdelay $0x2  }
.Ltmp1:
0xeb: {  	(pc) =	sbr.rel @p0 .LBB2_4-.Ltmp1, $3  }
0xec: {  	v1 =	vmul.f32 $1.131370830e+01, v1;
	_ =	sdelay $0x1  }
0xed: {  	v1 =	vadd.f32 v2, v1  }
0xee: {  	s14 =	sadd.s32 $0x100, s14  }
0xef: {  	[tilespmem:s2+$0x70] =	vst v1  }
0xf0: {  	[tilespmem:s17], [sflag:$0x1] =	stream.indirect.gather [hbm4b:s1+s16], $0x80, s22, s16, $0xb8;
	[tilespmem:$0x18600] =	vst v63  }
0xf1: {  	_ = 	snop  }
0xf2: {  	[hbm4b:s8+s4] =	stream.linear.scatter [tilespmem:s23], [sflag:$0x3], $0x3200, $0x38;
	[tilespmem:$0x18600] =	vst v63  }
0xf3: {  	_ =	swait.ge [sflag:s24], $0x3200  }
0xf4: {  	[sflag:s24] =	ssyncset.done $0x0  }
0xf5: {  	s0 =	simm.s32 $0xD180;
	[sflag:s24] =	ssyncadd.s32 $0xFFFFCE00  }
0xf6: {  	v1 =	vld [tilespmem:s0+$0xFFFFFF80]  }
0xf7: {  	s2 =	simm.s32 $0x6BF0  }
0xf8: {  	v2 =	vld [tilespmem:s2+$0xFFFFFF10];
	_ =	sdelay $0x2  }
0xf9: {  	v1 =	vmul.f32 $1.131370830e+01, v1;
	_ =	sdelay $0x1  }
0xfa: {  	v1 =	vadd.f32 v2, v1  }
0xfb: {  	s3 =	simm.s32 $0x13980  }
0xfc: {  	[tilespmem:s3+$0xFFFFFF80] =	vst v1  }
0xfd: {  	v1 =	vld [tilespmem:s0+$0xFFFFFF90];
	_ =	sdelay $0x1  }
0xfe: {  	v2 =	vld [tilespmem:s2+$0xFFFFFF20];
	_ =	sdelay $0x2  }
0xff: {  	v1 =	vmul.f32 $1.131370830e+01, v1;
	_ =	sdelay $0x1  }
0x100: {  	v1 =	vadd.f32 v2, v1;
	_ =	sdelay $0x1  }
0x101: {  	[tilespmem:s3+$0xFFFFFF90] =	vst v1  }
0x102: {  	v1 =	vld [tilespmem:s0+$0xFFFFFFA0];
	_ =	sdelay $0x1  }
0x103: {  	v2 =	vld [tilespmem:s2+$0xFFFFFF30];
	_ =	sdelay $0x2  }
0x104: {  	v1 =	vmul.f32 $1.131370830e+01, v1;
	_ =	sdelay $0x1  }
0x105: {  	v1 =	vadd.f32 v2, v1;
	_ =	sdelay $0x1  }
0x106: {  	[tilespmem:s3+$0xFFFFFFA0] =	vst v1  }
0x107: {  	v1 =	vld [tilespmem:s0+$0xFFFFFFB0];
	_ =	sdelay $0x1  }
0x108: {  	v2 =	vld [tilespmem:s2+$0xFFFFFF40];
	_ =	sdelay $0x2  }
0x109: {  	v1 =	vmul.f32 $1.131370830e+01, v1;
	_ =	sdelay $0x1  }
0x10a: {  	v1 =	vadd.f32 v2, v1;
	_ =	sdelay $0x1  }
0x10b: {  	[tilespmem:s3+$0xFFFFFFB0] =	vst v1  }
0x10c: {  	v1 =	vld [tilespmem:s0+$0xFFFFFFC0];
	_ =	sdelay $0x1  }
0x10d: {  	v2 =	vld [tilespmem:s2+$0xFFFFFF50];
	_ =	sdelay $0x2  }
0x10e: {  	v1 =	vmul.f32 $1.131370830e+01, v1;
	_ =	sdelay $0x1  }
0x10f: {  	v1 =	vadd.f32 v2, v1;
	_ =	sdelay $0x1  }
0x110: {  	[tilespmem:s3+$0xFFFFFFC0] =	vst v1  }
0x111: {  	v1 =	vld [tilespmem:s0+$0xFFFFFFD0];
	_ =	sdelay $0x1  }
0x112: {  	v2 =	vld [tilespmem:s2+$0xFFFFFF60];
	_ =	sdelay $0x2  }
0x113: {  	v1 =	vmul.f32 $1.131370830e+01, v1;
	_ =	sdelay $0x1  }
0x114: {  	v1 =	vadd.f32 v2, v1;
	_ =	sdelay $0x1  }
0x115: {  	[tilespmem:s3+$0xFFFFFFD0] =	vst v1  }
0x116: {  	v1 =	vld [tilespmem:s0+$0xFFFFFFE0];
	_ =	sdelay $0x1  }
0x117: {  	v2 =	vld [tilespmem:s2+$0xFFFFFF70];
	_ =	sdelay $0x2  }
0x118: {  	v1 =	vmul.f32 $1.131370830e+01, v1;
	_ =	sdelay $0x1  }
0x119: {  	v1 =	vadd.f32 v2, v1;
	_ =	sdelay $0x1  }
0x11a: {  	[tilespmem:s3+$0xFFFFFFE0] =	vst v1  }
0x11b: {  	v1 =	vld [tilespmem:s0+$0xFFFFFFF0];
	_ =	sdelay $0x1  }
0x11c: {  	v2 =	vld [tilespmem:s2+$0xFFFFFF80];
	_ =	sdelay $0x2  }
0x11d: {  	v1 =	vmul.f32 $1.131370830e+01, v1;
	_ =	sdelay $0x1  }
0x11e: {  	v1 =	vadd.f32 v2, v1;
	_ =	sdelay $0x1  }
0x11f: {  	[tilespmem:s3+$0xFFFFFFF0] =	vst v1  }
0x120: {  	v1 =	vld [tilespmem:s0+$0x0];
	_ =	sdelay $0x1  }
0x121: {  	v2 =	vld [tilespmem:s2+$0xFFFFFF90];
	_ =	sdelay $0x2  }
0x122: {  	v1 =	vmul.f32 $1.131370830e+01, v1;
	_ =	sdelay $0x1  }
0x123: {  	v1 =	vadd.f32 v2, v1;
	_ =	sdelay $0x1  }
0x124: {  	[tilespmem:s3+$0x0] =	vst v1  }
0x125: {  	v1 =	vld [tilespmem:s0+$0x10];
	_ =	sdelay $0x1  }
0x126: {  	v2 =	vld [tilespmem:s2+$0xFFFFFFA0];
	_ =	sdelay $0x2  }
0x127: {  	v1 =	vmul.f32 $1.131370830e+01, v1;
	_ =	sdelay $0x1  }
0x128: {  	v1 =	vadd.f32 v2, v1;
	_ =	sdelay $0x1  }
0x129: {  	[tilespmem:s3+$0x10] =	vst v1  }
0x12a: {  	v1 =	vld [tilespmem:s0+$0x20];
	_ =	sdelay $0x1  }
0x12b: {  	v2 =	vld [tilespmem:s2+$0xFFFFFFB0];
	_ =	sdelay $0x2  }
0x12c: {  	v1 =	vmul.f32 $1.131370830e+01, v1;
	_ =	sdelay $0x1  }
0x12d: {  	v1 =	vadd.f32 v2, v1;
	_ =	sdelay $0x1  }
0x12e: {  	[tilespmem:s3+$0x20] =	vst v1  }
0x12f: {  	v1 =	vld [tilespmem:s0+$0x30];
	_ =	sdelay $0x1  }
0x130: {  	v2 =	vld [tilespmem:s2+$0xFFFFFFC0];
	_ =	sdelay $0x2  }
0x131: {  	v1 =	vmul.f32 $1.131370830e+01, v1;
	_ =	sdelay $0x1  }
0x132: {  	v1 =	vadd.f32 v2, v1;
	_ =	sdelay $0x1  }
0x133: {  	[tilespmem:s3+$0x30] =	vst v1  }
0x134: {  	v1 =	vld [tilespmem:s0+$0x40];
	_ =	sdelay $0x1  }
0x135: {  	v2 =	vld [tilespmem:s2+$0xFFFFFFD0];
	_ =	sdelay $0x2  }
0x136: {  	v1 =	vmul.f32 $1.131370830e+01, v1;
	_ =	sdelay $0x1  }
0x137: {  	v1 =	vadd.f32 v2, v1;
	_ =	sdelay $0x1  }
0x138: {  	[tilespmem:s3+$0x40] =	vst v1  }
0x139: {  	v1 =	vld [tilespmem:s0+$0x50];
	_ =	sdelay $0x1  }
0x13a: {  	v2 =	vld [tilespmem:s2+$0xFFFFFFE0];
	_ =	sdelay $0x2  }
0x13b: {  	v1 =	vmul.f32 $1.131370830e+01, v1;
	_ =	sdelay $0x1  }
0x13c: {  	v1 =	vadd.f32 v2, v1;
	_ =	sdelay $0x1  }
0x13d: {  	[tilespmem:s3+$0x50] =	vst v1  }
0x13e: {  	v1 =	vld [tilespmem:s0+$0x60];
	_ =	sdelay $0x1  }
0x13f: {  	v2 =	vld [tilespmem:s2+$0xFFFFFFF0];
	_ =	sdelay $0x2  }
0x140: {  	v1 =	vmul.f32 $1.131370830e+01, v1;
	_ =	sdelay $0x1  }
0x141: {  	v1 =	vadd.f32 v2, v1;
	_ =	sdelay $0x1  }
0x142: {  	[tilespmem:s3+$0x60] =	vst v1  }
0x143: {  	v1 =	vld [tilespmem:s0+$0x70];
	_ =	sdelay $0x1  }
0x144: {  	v2 =	vld [tilespmem:s2+$0x0];
	_ =	sdelay $0x2  }
0x145: {  	v1 =	vmul.f32 $1.131370830e+01, v1;
	_ =	sdelay $0x1  }
0x146: {  	v1 =	vadd.f32 v2, v1  }
0x147: {  	s14 =	simm.s32 $0x0;
	s15 =	simm.s32 $0x13A80  }
.LBB2_6:
0x148: {  	s14 =	sadd.s32 $0x2, s14;
	[tilespmem:s3+$0x70] =	vst v1;
	s2 =	sadd.s32 $0x100, s2;
	s0 =	sadd.s32 $0x100, s0  }
0x149: {  	s3 =	smov.u32 s15;
	v1 =	vld [tilespmem:s0+$0xFFFFFF80];
	p0 =	slt.u32 s14, $0x62;
	_ =	sdelay $0x1  }
0x14a: {  	v2 =	vld [tilespmem:s2+$0xFFFFFF10];
	_ =	sdelay $0x2  }
0x14b: {  	v1 =	vmul.f32 $1.131370830e+01, v1;
	_ =	sdelay $0x1  }
0x14c: {  	v1 =	vadd.f32 v2, v1;
	_ =	sdelay $0x1  }
0x14d: {  	[tilespmem:s15+$0xFFFFFF80] =	vst v1  }
0x14e: {  	v1 =	vld [tilespmem:s0+$0xFFFFFF90];
	_ =	sdelay $0x1  }
0x14f: {  	v2 =	vld [tilespmem:s2+$0xFFFFFF20];
	_ =	sdelay $0x2  }
0x150: {  	v1 =	vmul.f32 $1.131370830e+01, v1;
	_ =	sdelay $0x1  }
0x151: {  	v1 =	vadd.f32 v2, v1;
	_ =	sdelay $0x1  }
0x152: {  	[tilespmem:s15+$0xFFFFFF90] =	vst v1  }
0x153: {  	v1 =	vld [tilespmem:s0+$0xFFFFFFA0];
	_ =	sdelay $0x1  }
0x154: {  	v2 =	vld [tilespmem:s2+$0xFFFFFF30];
	_ =	sdelay $0x2  }
0x155: {  	v1 =	vmul.f32 $1.131370830e+01, v1;
	_ =	sdelay $0x1  }
0x156: {  	v1 =	vadd.f32 v2, v1;
	_ =	sdelay $0x1  }
0x157: {  	[tilespmem:s15+$0xFFFFFFA0] =	vst v1  }
0x158: {  	v1 =	vld [tilespmem:s0+$0xFFFFFFB0];
	_ =	sdelay $0x1  }
0x159: {  	v2 =	vld [tilespmem:s2+$0xFFFFFF40];
	_ =	sdelay $0x2  }
0x15a: {  	v1 =	vmul.f32 $1.131370830e+01, v1;
	_ =	sdelay $0x1  }
0x15b: {  	v1 =	vadd.f32 v2, v1;
	_ =	sdelay $0x1  }
0x15c: {  	[tilespmem:s15+$0xFFFFFFB0] =	vst v1  }
0x15d: {  	v1 =	vld [tilespmem:s0+$0xFFFFFFC0];
	_ =	sdelay $0x1  }
0x15e: {  	v2 =	vld [tilespmem:s2+$0xFFFFFF50];
	_ =	sdelay $0x2  }
0x15f: {  	v1 =	vmul.f32 $1.131370830e+01, v1;
	_ =	sdelay $0x1  }
0x160: {  	v1 =	vadd.f32 v2, v1;
	_ =	sdelay $0x1  }
0x161: {  	[tilespmem:s15+$0xFFFFFFC0] =	vst v1  }
0x162: {  	v1 =	vld [tilespmem:s0+$0xFFFFFFD0];
	_ =	sdelay $0x1  }
0x163: {  	v2 =	vld [tilespmem:s2+$0xFFFFFF60];
	_ =	sdelay $0x2  }
0x164: {  	v1 =	vmul.f32 $1.131370830e+01, v1;
	_ =	sdelay $0x1  }
0x165: {  	v1 =	vadd.f32 v2, v1;
	_ =	sdelay $0x1  }
0x166: {  	[tilespmem:s15+$0xFFFFFFD0] =	vst v1  }
0x167: {  	v1 =	vld [tilespmem:s0+$0xFFFFFFE0];
	_ =	sdelay $0x1  }
0x168: {  	v2 =	vld [tilespmem:s2+$0xFFFFFF70];
	_ =	sdelay $0x2  }
0x169: {  	v1 =	vmul.f32 $1.131370830e+01, v1;
	_ =	sdelay $0x1  }
0x16a: {  	v1 =	vadd.f32 v2, v1;
	_ =	sdelay $0x1  }
0x16b: {  	[tilespmem:s15+$0xFFFFFFE0] =	vst v1  }
0x16c: {  	v1 =	vld [tilespmem:s0+$0xFFFFFFF0];
	_ =	sdelay $0x1  }
0x16d: {  	v2 =	vld [tilespmem:s2+$0xFFFFFF80];
	_ =	sdelay $0x2  }
0x16e: {  	v1 =	vmul.f32 $1.131370830e+01, v1;
	_ =	sdelay $0x1  }
0x16f: {  	v1 =	vadd.f32 v2, v1;
	_ =	sdelay $0x1  }
0x170: {  	[tilespmem:s15+$0xFFFFFFF0] =	vst v1  }
0x171: {  	v1 =	vld [tilespmem:s0+$0x0];
	_ =	sdelay $0x1  }
0x172: {  	v2 =	vld [tilespmem:s2+$0xFFFFFF90];
	_ =	sdelay $0x2  }
0x173: {  	v1 =	vmul.f32 $1.131370830e+01, v1;
	_ =	sdelay $0x1  }
0x174: {  	v1 =	vadd.f32 v2, v1;
	_ =	sdelay $0x1  }
0x175: {  	[tilespmem:s15+$0x0] =	vst v1  }
0x176: {  	v1 =	vld [tilespmem:s0+$0x10]  }
0x177: {  	v2 =	vld [tilespmem:s2+$0xFFFFFFA0];
	_ =	sdelay $0x3  }
0x178: {  	v1 =	vmul.f32 $1.131370830e+01, v1;
	_ =	sdelay $0x1  }
0x179: {  	v1 =	vadd.f32 v2, v1;
	_ =	sdelay $0x1  }
0x17a: {  	[tilespmem:s15+$0x10] =	vst v1  }
0x17b: {  	v1 =	vld [tilespmem:s0+$0x20]  }
0x17c: {  	v2 =	vld [tilespmem:s2+$0xFFFFFFB0];
	_ =	sdelay $0x3  }
0x17d: {  	v1 =	vmul.f32 $1.131370830e+01, v1;
	_ =	sdelay $0x1  }
0x17e: {  	v1 =	vadd.f32 v2, v1;
	_ =	sdelay $0x1  }
0x17f: {  	[tilespmem:s15+$0x20] =	vst v1  }
0x180: {  	v1 =	vld [tilespmem:s0+$0x30]  }
0x181: {  	v2 =	vld [tilespmem:s2+$0xFFFFFFC0];
	_ =	sdelay $0x3  }
0x182: {  	v1 =	vmul.f32 $1.131370830e+01, v1;
	_ =	sdelay $0x1  }
0x183: {  	v1 =	vadd.f32 v2, v1;
	_ =	sdelay $0x1  }
0x184: {  	[tilespmem:s15+$0x30] =	vst v1  }
0x185: {  	v1 =	vld [tilespmem:s0+$0x40]  }
0x186: {  	v2 =	vld [tilespmem:s2+$0xFFFFFFD0];
	_ =	sdelay $0x3  }
0x187: {  	v1 =	vmul.f32 $1.131370830e+01, v1;
	_ =	sdelay $0x1  }
0x188: {  	v1 =	vadd.f32 v2, v1;
	_ =	sdelay $0x1  }
0x189: {  	[tilespmem:s15+$0x40] =	vst v1  }
0x18a: {  	v1 =	vld [tilespmem:s0+$0x50]  }
0x18b: {  	v2 =	vld [tilespmem:s2+$0xFFFFFFE0];
	_ =	sdelay $0x3  }
0x18c: {  	v1 =	vmul.f32 $1.131370830e+01, v1;
	_ =	sdelay $0x1  }
0x18d: {  	v1 =	vadd.f32 v2, v1;
	_ =	sdelay $0x1  }
0x18e: {  	[tilespmem:s15+$0x50] =	vst v1  }
0x18f: {  	v1 =	vld [tilespmem:s0+$0x60]  }
0x190: {  	v2 =	vld [tilespmem:s2+$0xFFFFFFF0];
	_ =	sdelay $0x3  }
0x191: {  	v1 =	vmul.f32 $1.131370830e+01, v1;
	_ =	sdelay $0x1  }
0x192: {  	v1 =	vadd.f32 v2, v1;
	_ =	sdelay $0x1  }
0x193: {  	[tilespmem:s15+$0x60] =	vst v1  }
0x194: {  	v1 =	vld [tilespmem:s0+$0x70]  }
0x195: {  	v2 =	vld [tilespmem:s2+$0x0];
	_ =	sdelay $0x2  }
.Ltmp2:
0x196: {  	(pc) =	sbr.rel @p0 .LBB2_6-.Ltmp2, $3  }
0x197: {  	v1 =	vmul.f32 $1.131370830e+01, v1;
	_ =	sdelay $0x1  }
0x198: {  	v1 =	vadd.f32 v2, v1  }
0x199: {  	s15 =	sadd.s32 $0x100, s15  }
0x19a: {  	[tilespmem:s3+$0x70] =	vst v1  }
0x19b: {  	[tilespmem:s19], [sflag:$0x2] =	stream.indirect.gather [hbm4b:s1+s16], $0x80, s25, s16, $0xb8;
	[tilespmem:$0x18600] =	vst v63  }
0x19c: {  	s31 =	simm.s32 $0x1  }
0x19d: {  	[hbm4b:s11+s4] =	stream.linear.scatter [tilespmem:s26], [sflag:$0x4], $0x3200, $0x38;
	[tilespmem:$0x18600] =	vst v63  }
.LBB2_8:
0x19e: {  	_ =	swait.ge [sflag:s21], $0x3200  }
0x19f: {  	[sflag:s21] =	ssyncset.done $0x0  }
0x1a0: {  	[sflag:s21] =	ssyncadd.s32 $0xFFFFCE00  }
0x1a1: {  	_ =	swait.ge [sflag:s28], $0x3200  }
0x1a2: {  	[sflag:s28] =	ssyncset.done $0x0  }
0x1a3: {  	s2 =	simm.s32 $0x9D80;
	[sflag:s28] =	ssyncadd.s32 $0xFFFFCE00  }
0x1a4: {  	v1 =	vld [tilespmem:s2+$0xFFFFFF80]  }
0x1a5: {  	s0 =	simm.s32 $0x3980  }
0x1a6: {  	v2 =	vld [tilespmem:s0+$0xFFFFFF80];
	_ =	sdelay $0x2  }
0x1a7: {  	v1 =	vmul.f32 $1.131370830e+01, v1;
	_ =	sdelay $0x1  }
0x1a8: {  	v1 =	vadd.f32 v2, v1  }
0x1a9: {  	s3 =	simm.s32 $0x10580  }
0x1aa: {  	[tilespmem:s3+$0xFFFFFF80] =	vst v1  }
0x1ab: {  	v1 =	vld [tilespmem:s2+$0xFFFFFF90];
	_ =	sdelay $0x1  }
0x1ac: {  	v2 =	vld [tilespmem:s0+$0xFFFFFF90];
	_ =	sdelay $0x2  }
0x1ad: {  	v1 =	vmul.f32 $1.131370830e+01, v1;
	_ =	sdelay $0x1  }
0x1ae: {  	v1 =	vadd.f32 v2, v1;
	_ =	sdelay $0x1  }
0x1af: {  	[tilespmem:s3+$0xFFFFFF90] =	vst v1  }
0x1b0: {  	v1 =	vld [tilespmem:s2+$0xFFFFFFA0];
	_ =	sdelay $0x1  }
0x1b1: {  	v2 =	vld [tilespmem:s0+$0xFFFFFFA0];
	_ =	sdelay $0x2  }
0x1b2: {  	v1 =	vmul.f32 $1.131370830e+01, v1;
	_ =	sdelay $0x1  }
0x1b3: {  	v1 =	vadd.f32 v2, v1;
	_ =	sdelay $0x1  }
0x1b4: {  	[tilespmem:s3+$0xFFFFFFA0] =	vst v1  }
0x1b5: {  	v1 =	vld [tilespmem:s2+$0xFFFFFFB0];
	_ =	sdelay $0x1  }
0x1b6: {  	v2 =	vld [tilespmem:s0+$0xFFFFFFB0];
	_ =	sdelay $0x2  }
0x1b7: {  	v1 =	vmul.f32 $1.131370830e+01, v1;
	_ =	sdelay $0x1  }
0x1b8: {  	v1 =	vadd.f32 v2, v1;
	_ =	sdelay $0x1  }
0x1b9: {  	[tilespmem:s3+$0xFFFFFFB0] =	vst v1  }
0x1ba: {  	v1 =	vld [tilespmem:s2+$0xFFFFFFC0];
	_ =	sdelay $0x1  }
0x1bb: {  	v2 =	vld [tilespmem:s0+$0xFFFFFFC0];
	_ =	sdelay $0x2  }
0x1bc: {  	v1 =	vmul.f32 $1.131370830e+01, v1;
	_ =	sdelay $0x1  }
0x1bd: {  	v1 =	vadd.f32 v2, v1;
	_ =	sdelay $0x1  }
0x1be: {  	[tilespmem:s3+$0xFFFFFFC0] =	vst v1  }
0x1bf: {  	v1 =	vld [tilespmem:s2+$0xFFFFFFD0];
	_ =	sdelay $0x1  }
0x1c0: {  	v2 =	vld [tilespmem:s0+$0xFFFFFFD0];
	_ =	sdelay $0x2  }
0x1c1: {  	v1 =	vmul.f32 $1.131370830e+01, v1;
	_ =	sdelay $0x1  }
0x1c2: {  	v1 =	vadd.f32 v2, v1;
	_ =	sdelay $0x1  }
0x1c3: {  	[tilespmem:s3+$0xFFFFFFD0] =	vst v1  }
0x1c4: {  	v1 =	vld [tilespmem:s2+$0xFFFFFFE0];
	_ =	sdelay $0x1  }
0x1c5: {  	v2 =	vld [tilespmem:s0+$0xFFFFFFE0];
	_ =	sdelay $0x2  }
0x1c6: {  	v1 =	vmul.f32 $1.131370830e+01, v1;
	_ =	sdelay $0x1  }
0x1c7: {  	v1 =	vadd.f32 v2, v1;
	_ =	sdelay $0x1  }
0x1c8: {  	[tilespmem:s3+$0xFFFFFFE0] =	vst v1  }
0x1c9: {  	v1 =	vld [tilespmem:s2+$0xFFFFFFF0];
	_ =	sdelay $0x1  }
0x1ca: {  	v2 =	vld [tilespmem:s0+$0xFFFFFFF0];
	_ =	sdelay $0x2  }
0x1cb: {  	v1 =	vmul.f32 $1.131370830e+01, v1;
	_ =	sdelay $0x1  }
0x1cc: {  	v1 =	vadd.f32 v2, v1;
	_ =	sdelay $0x1  }
0x1cd: {  	[tilespmem:s3+$0xFFFFFFF0] =	vst v1  }
0x1ce: {  	v1 =	vld [tilespmem:s2+$0x0];
	_ =	sdelay $0x1  }
0x1cf: {  	v2 =	vld [tilespmem:s0+$0x0];
	_ =	sdelay $0x2  }
0x1d0: {  	v1 =	vmul.f32 $1.131370830e+01, v1;
	_ =	sdelay $0x1  }
0x1d1: {  	v1 =	vadd.f32 v2, v1;
	_ =	sdelay $0x1  }
0x1d2: {  	[tilespmem:s3+$0x0] =	vst v1  }
0x1d3: {  	v1 =	vld [tilespmem:s2+$0x10];
	_ =	sdelay $0x1  }
0x1d4: {  	v2 =	vld [tilespmem:s0+$0x10];
	_ =	sdelay $0x2  }
0x1d5: {  	v1 =	vmul.f32 $1.131370830e+01, v1;
	_ =	sdelay $0x1  }
0x1d6: {  	v1 =	vadd.f32 v2, v1;
	_ =	sdelay $0x1  }
0x1d7: {  	[tilespmem:s3+$0x10] =	vst v1  }
0x1d8: {  	v1 =	vld [tilespmem:s2+$0x20];
	_ =	sdelay $0x1  }
0x1d9: {  	v2 =	vld [tilespmem:s0+$0x20];
	_ =	sdelay $0x2  }
0x1da: {  	v1 =	vmul.f32 $1.131370830e+01, v1;
	_ =	sdelay $0x1  }
0x1db: {  	v1 =	vadd.f32 v2, v1;
	_ =	sdelay $0x1  }
0x1dc: {  	[tilespmem:s3+$0x20] =	vst v1  }
0x1dd: {  	v1 =	vld [tilespmem:s2+$0x30];
	_ =	sdelay $0x1  }
0x1de: {  	v2 =	vld [tilespmem:s0+$0x30];
	_ =	sdelay $0x2  }
0x1df: {  	v1 =	vmul.f32 $1.131370830e+01, v1;
	_ =	sdelay $0x1  }
0x1e0: {  	v1 =	vadd.f32 v2, v1;
	_ =	sdelay $0x1  }
0x1e1: {  	[tilespmem:s3+$0x30] =	vst v1  }
0x1e2: {  	v1 =	vld [tilespmem:s2+$0x40];
	_ =	sdelay $0x1  }
0x1e3: {  	v2 =	vld [tilespmem:s0+$0x40];
	_ =	sdelay $0x2  }
0x1e4: {  	v1 =	vmul.f32 $1.131370830e+01, v1;
	_ =	sdelay $0x1  }
0x1e5: {  	v1 =	vadd.f32 v2, v1;
	_ =	sdelay $0x1  }
0x1e6: {  	[tilespmem:s3+$0x40] =	vst v1  }
0x1e7: {  	v1 =	vld [tilespmem:s2+$0x50];
	_ =	sdelay $0x1  }
0x1e8: {  	v2 =	vld [tilespmem:s0+$0x50];
	_ =	sdelay $0x2  }
0x1e9: {  	v1 =	vmul.f32 $1.131370830e+01, v1;
	_ =	sdelay $0x1  }
0x1ea: {  	v1 =	vadd.f32 v2, v1;
	_ =	sdelay $0x1  }
0x1eb: {  	[tilespmem:s3+$0x50] =	vst v1  }
0x1ec: {  	v1 =	vld [tilespmem:s2+$0x60];
	_ =	sdelay $0x1  }
0x1ed: {  	v2 =	vld [tilespmem:s0+$0x60];
	_ =	sdelay $0x2  }
0x1ee: {  	v1 =	vmul.f32 $1.131370830e+01, v1;
	_ =	sdelay $0x1  }
0x1ef: {  	v1 =	vadd.f32 v2, v1;
	_ =	sdelay $0x1  }
0x1f0: {  	[tilespmem:s3+$0x60] =	vst v1  }
0x1f1: {  	v1 =	vld [tilespmem:s2+$0x70];
	_ =	sdelay $0x1  }
0x1f2: {  	v2 =	vld [tilespmem:s0+$0x70];
	_ =	sdelay $0x2  }
0x1f3: {  	v1 =	vmul.f32 $1.131370830e+01, v1;
	_ =	sdelay $0x1  }
0x1f4: {  	v1 =	vadd.f32 v2, v1  }
0x1f5: {  	s14 =	simm.s32 $0x9E80;
	s2 =	simm.s32 $0x0  }
.LBB2_9:
0x1f6: {  	s2 =	sadd.s32 $0x2, s2;
	[tilespmem:s3+$0x70] =	vst v1;
	s3 =	sadd.s32 $0x100, s3;
	s0 =	sadd.s32 $0x100, s0  }
0x1f7: {  	v1 =	vld [tilespmem:s14+$0xFFFFFF80];
	p0 =	slt.u32 s2, $0x62;
	_ =	sdelay $0x1  }
0x1f8: {  	v2 =	vld [tilespmem:s0+$0xFFFFFF80];
	_ =	sdelay $0x2  }
0x1f9: {  	v1 =	vmul.f32 $1.131370830e+01, v1;
	_ =	sdelay $0x1  }
0x1fa: {  	v1 =	vadd.f32 v2, v1;
	_ =	sdelay $0x1  }
0x1fb: {  	[tilespmem:s3+$0xFFFFFF80] =	vst v1  }
0x1fc: {  	v1 =	vld [tilespmem:s14+$0xFFFFFF90];
	_ =	sdelay $0x1  }
0x1fd: {  	v2 =	vld [tilespmem:s0+$0xFFFFFF90];
	_ =	sdelay $0x2  }
0x1fe: {  	v1 =	vmul.f32 $1.131370830e+01, v1;
	_ =	sdelay $0x1  }
0x1ff: {  	v1 =	vadd.f32 v2, v1;
	_ =	sdelay $0x1  }
0x200: {  	[tilespmem:s3+$0xFFFFFF90] =	vst v1  }
0x201: {  	v1 =	vld [tilespmem:s14+$0xFFFFFFA0];
	_ =	sdelay $0x1  }
0x202: {  	v2 =	vld [tilespmem:s0+$0xFFFFFFA0];
	_ =	sdelay $0x2  }
0x203: {  	v1 =	vmul.f32 $1.131370830e+01, v1;
	_ =	sdelay $0x1  }
0x204: {  	v1 =	vadd.f32 v2, v1;
	_ =	sdelay $0x1  }
0x205: {  	[tilespmem:s3+$0xFFFFFFA0] =	vst v1  }
0x206: {  	v1 =	vld [tilespmem:s14+$0xFFFFFFB0];
	_ =	sdelay $0x1  }
0x207: {  	v2 =	vld [tilespmem:s0+$0xFFFFFFB0];
	_ =	sdelay $0x2  }
0x208: {  	v1 =	vmul.f32 $1.131370830e+01, v1;
	_ =	sdelay $0x1  }
0x209: {  	v1 =	vadd.f32 v2, v1;
	_ =	sdelay $0x1  }
0x20a: {  	[tilespmem:s3+$0xFFFFFFB0] =	vst v1  }
0x20b: {  	v1 =	vld [tilespmem:s14+$0xFFFFFFC0];
	_ =	sdelay $0x1  }
0x20c: {  	v2 =	vld [tilespmem:s0+$0xFFFFFFC0];
	_ =	sdelay $0x2  }
0x20d: {  	v1 =	vmul.f32 $1.131370830e+01, v1;
	_ =	sdelay $0x1  }
0x20e: {  	v1 =	vadd.f32 v2, v1;
	_ =	sdelay $0x1  }
0x20f: {  	[tilespmem:s3+$0xFFFFFFC0] =	vst v1  }
0x210: {  	v1 =	vld [tilespmem:s14+$0xFFFFFFD0];
	_ =	sdelay $0x1  }
0x211: {  	v2 =	vld [tilespmem:s0+$0xFFFFFFD0];
	_ =	sdelay $0x2  }
0x212: {  	v1 =	vmul.f32 $1.131370830e+01, v1;
	_ =	sdelay $0x1  }
0x213: {  	v1 =	vadd.f32 v2, v1;
	_ =	sdelay $0x1  }
0x214: {  	[tilespmem:s3+$0xFFFFFFD0] =	vst v1  }
0x215: {  	v1 =	vld [tilespmem:s14+$0xFFFFFFE0];
	_ =	sdelay $0x1  }
0x216: {  	v2 =	vld [tilespmem:s0+$0xFFFFFFE0];
	_ =	sdelay $0x2  }
0x217: {  	v1 =	vmul.f32 $1.131370830e+01, v1;
	_ =	sdelay $0x1  }
0x218: {  	v1 =	vadd.f32 v2, v1;
	_ =	sdelay $0x1  }
0x219: {  	[tilespmem:s3+$0xFFFFFFE0] =	vst v1  }
0x21a: {  	v1 =	vld [tilespmem:s14+$0xFFFFFFF0];
	_ =	sdelay $0x1  }
0x21b: {  	v2 =	vld [tilespmem:s0+$0xFFFFFFF0];
	_ =	sdelay $0x2  }
0x21c: {  	v1 =	vmul.f32 $1.131370830e+01, v1;
	_ =	sdelay $0x1  }
0x21d: {  	v1 =	vadd.f32 v2, v1;
	_ =	sdelay $0x1  }
0x21e: {  	[tilespmem:s3+$0xFFFFFFF0] =	vst v1  }
0x21f: {  	v1 =	vld [tilespmem:s14+$0x0];
	_ =	sdelay $0x1  }
0x220: {  	v2 =	vld [tilespmem:s0+$0x0];
	_ =	sdelay $0x2  }
0x221: {  	v1 =	vmul.f32 $1.131370830e+01, v1;
	_ =	sdelay $0x1  }
0x222: {  	v1 =	vadd.f32 v2, v1;
	_ =	sdelay $0x1  }
0x223: {  	[tilespmem:s3+$0x0] =	vst v1  }
0x224: {  	v1 =	vld [tilespmem:s14+$0x10]  }
0x225: {  	v2 =	vld [tilespmem:s0+$0x10];
	_ =	sdelay $0x3  }
0x226: {  	v1 =	vmul.f32 $1.131370830e+01, v1;
	_ =	sdelay $0x1  }
0x227: {  	v1 =	vadd.f32 v2, v1;
	_ =	sdelay $0x1  }
0x228: {  	[tilespmem:s3+$0x10] =	vst v1  }
0x229: {  	v1 =	vld [tilespmem:s14+$0x20]  }
0x22a: {  	v2 =	vld [tilespmem:s0+$0x20];
	_ =	sdelay $0x3  }
0x22b: {  	v1 =	vmul.f32 $1.131370830e+01, v1;
	_ =	sdelay $0x1  }
0x22c: {  	v1 =	vadd.f32 v2, v1;
	_ =	sdelay $0x1  }
0x22d: {  	[tilespmem:s3+$0x20] =	vst v1  }
0x22e: {  	v1 =	vld [tilespmem:s14+$0x30]  }
0x22f: {  	v2 =	vld [tilespmem:s0+$0x30];
	_ =	sdelay $0x3  }
0x230: {  	v1 =	vmul.f32 $1.131370830e+01, v1;
	_ =	sdelay $0x1  }
0x231: {  	v1 =	vadd.f32 v2, v1;
	_ =	sdelay $0x1  }
0x232: {  	[tilespmem:s3+$0x30] =	vst v1  }
0x233: {  	v1 =	vld [tilespmem:s14+$0x40]  }
0x234: {  	v2 =	vld [tilespmem:s0+$0x40];
	_ =	sdelay $0x3  }
0x235: {  	v1 =	vmul.f32 $1.131370830e+01, v1;
	_ =	sdelay $0x1  }
0x236: {  	v1 =	vadd.f32 v2, v1;
	_ =	sdelay $0x1  }
0x237: {  	[tilespmem:s3+$0x40] =	vst v1  }
0x238: {  	v1 =	vld [tilespmem:s14+$0x50]  }
0x239: {  	v2 =	vld [tilespmem:s0+$0x50];
	_ =	sdelay $0x3  }
0x23a: {  	v1 =	vmul.f32 $1.131370830e+01, v1;
	_ =	sdelay $0x1  }
0x23b: {  	v1 =	vadd.f32 v2, v1;
	_ =	sdelay $0x1  }
0x23c: {  	[tilespmem:s3+$0x50] =	vst v1  }
0x23d: {  	v1 =	vld [tilespmem:s14+$0x60]  }
0x23e: {  	v2 =	vld [tilespmem:s0+$0x60];
	_ =	sdelay $0x3  }
0x23f: {  	v1 =	vmul.f32 $1.131370830e+01, v1;
	_ =	sdelay $0x1  }
0x240: {  	v1 =	vadd.f32 v2, v1;
	_ =	sdelay $0x1  }
0x241: {  	[tilespmem:s3+$0x60] =	vst v1  }
0x242: {  	v1 =	vld [tilespmem:s14+$0x70]  }
0x243: {  	v2 =	vld [tilespmem:s0+$0x70];
	_ =	sdelay $0x2  }
.Ltmp3:
0x244: {  	(pc) =	sbr.rel @p0 .LBB2_9-.Ltmp3, $3  }
0x245: {  	v1 =	vmul.f32 $1.131370830e+01, v1;
	_ =	sdelay $0x1  }
0x246: {  	v1 =	vadd.f32 v2, v1  }
0x247: {  	s14 =	sadd.s32 $0x100, s14  }
0x248: {  	p0 =	seq.s32 s31, $0x1F  }
0x249: {  	s0 =	sshll.u32 s31, $0x1;
	s2 =	sshll.u32 @!p0 s31, $0x8  }
0x24a: {  	[tilespmem:s3+$0x70] =	vst v1;
	s15 =	sadd.s32 s9, s0;
	s3 =	simm.s32 @!p0 $0x64;
	s2 =	sand.u32 @!p0 $0x3FFFFF00, s2  }
0x24b: {  	s18 =	simm.s32 @!p0 $0x9D00;
	s15 =	smul.u32 $0x680, s15;
	s14 =	sadd.s32 @!p0 $0x100, s2  }
0x24c: {  	[tilespmem:s18], [sflag:$0x1] =	stream.indirect.gather @!p0 [hbm4b:s1+s3], $0x80, s14, s3, $0xb8;
	[tilespmem:$0x18600] =	vst v63  }
0x24d: {  	s20 =	sadd.s32 s5, s15  }
0x24e: {  	[hbm4b:s20+s4] =	stream.linear.scatter [tilespmem:s23], [sflag:$0x3], $0x3200, $0x38;
	[tilespmem:$0x18600] =	vst v63  }
0x24f: {  	_ =	swait.ge [sflag:s24], $0x3200  }
0x250: {  	[sflag:s24] =	ssyncset.done $0x0  }
0x251: {  	[sflag:s24] =	ssyncadd.s32 $0xFFFFCE00  }
0x252: {  	_ =	swait.ge [sflag:s29], $0x3200  }
0x253: {  	[sflag:s29] =	ssyncset.done $0x0  }
0x254: {  	s3 =	simm.s32 $0xD180;
	[sflag:s29] =	ssyncadd.s32 $0xFFFFCE00  }
0x255: {  	v1 =	vld [tilespmem:s3+$0xFFFFFF80]  }
0x256: {  	s14 =	simm.s32 $0x6BF0  }
0x257: {  	v2 =	vld [tilespmem:s14+$0xFFFFFF10];
	_ =	sdelay $0x2  }
0x258: {  	v1 =	vmul.f32 $1.131370830e+01, v1;
	_ =	sdelay $0x1  }
0x259: {  	v1 =	vadd.f32 v2, v1  }
0x25a: {  	s15 =	simm.s32 $0x13980  }
0x25b: {  	[tilespmem:s15+$0xFFFFFF80] =	vst v1  }
0x25c: {  	v1 =	vld [tilespmem:s3+$0xFFFFFF90];
	_ =	sdelay $0x1  }
0x25d: {  	v2 =	vld [tilespmem:s14+$0xFFFFFF20];
	_ =	sdelay $0x2  }
0x25e: {  	v1 =	vmul.f32 $1.131370830e+01, v1;
	_ =	sdelay $0x1  }
0x25f: {  	v1 =	vadd.f32 v2, v1;
	_ =	sdelay $0x1  }
0x260: {  	[tilespmem:s15+$0xFFFFFF90] =	vst v1  }
0x261: {  	v1 =	vld [tilespmem:s3+$0xFFFFFFA0];
	_ =	sdelay $0x1  }
0x262: {  	v2 =	vld [tilespmem:s14+$0xFFFFFF30];
	_ =	sdelay $0x2  }
0x263: {  	v1 =	vmul.f32 $1.131370830e+01, v1;
	_ =	sdelay $0x1  }
0x264: {  	v1 =	vadd.f32 v2, v1;
	_ =	sdelay $0x1  }
0x265: {  	[tilespmem:s15+$0xFFFFFFA0] =	vst v1  }
0x266: {  	v1 =	vld [tilespmem:s3+$0xFFFFFFB0];
	_ =	sdelay $0x1  }
0x267: {  	v2 =	vld [tilespmem:s14+$0xFFFFFF40];
	_ =	sdelay $0x2  }
0x268: {  	v1 =	vmul.f32 $1.131370830e+01, v1;
	_ =	sdelay $0x1  }
0x269: {  	v1 =	vadd.f32 v2, v1;
	_ =	sdelay $0x1  }
0x26a: {  	[tilespmem:s15+$0xFFFFFFB0] =	vst v1  }
0x26b: {  	v1 =	vld [tilespmem:s3+$0xFFFFFFC0];
	_ =	sdelay $0x1  }
0x26c: {  	v2 =	vld [tilespmem:s14+$0xFFFFFF50];
	_ =	sdelay $0x2  }
0x26d: {  	v1 =	vmul.f32 $1.131370830e+01, v1;
	_ =	sdelay $0x1  }
0x26e: {  	v1 =	vadd.f32 v2, v1;
	_ =	sdelay $0x1  }
0x26f: {  	[tilespmem:s15+$0xFFFFFFC0] =	vst v1  }
0x270: {  	v1 =	vld [tilespmem:s3+$0xFFFFFFD0];
	_ =	sdelay $0x1  }
0x271: {  	v2 =	vld [tilespmem:s14+$0xFFFFFF60];
	_ =	sdelay $0x2  }
0x272: {  	v1 =	vmul.f32 $1.131370830e+01, v1;
	_ =	sdelay $0x1  }
0x273: {  	v1 =	vadd.f32 v2, v1;
	_ =	sdelay $0x1  }
0x274: {  	[tilespmem:s15+$0xFFFFFFD0] =	vst v1  }
0x275: {  	v1 =	vld [tilespmem:s3+$0xFFFFFFE0];
	_ =	sdelay $0x1  }
0x276: {  	v2 =	vld [tilespmem:s14+$0xFFFFFF70];
	_ =	sdelay $0x2  }
0x277: {  	v1 =	vmul.f32 $1.131370830e+01, v1;
	_ =	sdelay $0x1  }
0x278: {  	v1 =	vadd.f32 v2, v1;
	_ =	sdelay $0x1  }
0x279: {  	[tilespmem:s15+$0xFFFFFFE0] =	vst v1  }
0x27a: {  	v1 =	vld [tilespmem:s3+$0xFFFFFFF0];
	_ =	sdelay $0x1  }
0x27b: {  	v2 =	vld [tilespmem:s14+$0xFFFFFF80];
	_ =	sdelay $0x2  }
0x27c: {  	v1 =	vmul.f32 $1.131370830e+01, v1;
	_ =	sdelay $0x1  }
0x27d: {  	v1 =	vadd.f32 v2, v1;
	_ =	sdelay $0x1  }
0x27e: {  	[tilespmem:s15+$0xFFFFFFF0] =	vst v1  }
0x27f: {  	v1 =	vld [tilespmem:s3+$0x0];
	_ =	sdelay $0x1  }
0x280: {  	v2 =	vld [tilespmem:s14+$0xFFFFFF90];
	_ =	sdelay $0x2  }
0x281: {  	v1 =	vmul.f32 $1.131370830e+01, v1;
	_ =	sdelay $0x1  }
0x282: {  	v1 =	vadd.f32 v2, v1;
	_ =	sdelay $0x1  }
0x283: {  	[tilespmem:s15+$0x0] =	vst v1  }
0x284: {  	v1 =	vld [tilespmem:s3+$0x10];
	_ =	sdelay $0x1  }
0x285: {  	v2 =	vld [tilespmem:s14+$0xFFFFFFA0];
	_ =	sdelay $0x2  }
0x286: {  	v1 =	vmul.f32 $1.131370830e+01, v1;
	_ =	sdelay $0x1  }
0x287: {  	v1 =	vadd.f32 v2, v1;
	_ =	sdelay $0x1  }
0x288: {  	[tilespmem:s15+$0x10] =	vst v1  }
0x289: {  	v1 =	vld [tilespmem:s3+$0x20];
	_ =	sdelay $0x1  }
0x28a: {  	v2 =	vld [tilespmem:s14+$0xFFFFFFB0];
	_ =	sdelay $0x2  }
0x28b: {  	v1 =	vmul.f32 $1.131370830e+01, v1;
	_ =	sdelay $0x1  }
0x28c: {  	v1 =	vadd.f32 v2, v1;
	_ =	sdelay $0x1  }
0x28d: {  	[tilespmem:s15+$0x20] =	vst v1  }
0x28e: {  	v1 =	vld [tilespmem:s3+$0x30];
	_ =	sdelay $0x1  }
0x28f: {  	v2 =	vld [tilespmem:s14+$0xFFFFFFC0];
	_ =	sdelay $0x2  }
0x290: {  	v1 =	vmul.f32 $1.131370830e+01, v1;
	_ =	sdelay $0x1  }
0x291: {  	v1 =	vadd.f32 v2, v1;
	_ =	sdelay $0x1  }
0x292: {  	[tilespmem:s15+$0x30] =	vst v1  }
0x293: {  	v1 =	vld [tilespmem:s3+$0x40];
	_ =	sdelay $0x1  }
0x294: {  	v2 =	vld [tilespmem:s14+$0xFFFFFFD0];
	_ =	sdelay $0x2  }
0x295: {  	v1 =	vmul.f32 $1.131370830e+01, v1;
	_ =	sdelay $0x1  }
0x296: {  	v1 =	vadd.f32 v2, v1;
	_ =	sdelay $0x1  }
0x297: {  	[tilespmem:s15+$0x40] =	vst v1  }
0x298: {  	v1 =	vld [tilespmem:s3+$0x50];
	_ =	sdelay $0x1  }
0x299: {  	v2 =	vld [tilespmem:s14+$0xFFFFFFE0];
	_ =	sdelay $0x2  }
0x29a: {  	v1 =	vmul.f32 $1.131370830e+01, v1;
	_ =	sdelay $0x1  }
0x29b: {  	v1 =	vadd.f32 v2, v1;
	_ =	sdelay $0x1  }
0x29c: {  	[tilespmem:s15+$0x50] =	vst v1  }
0x29d: {  	v1 =	vld [tilespmem:s3+$0x60];
	_ =	sdelay $0x1  }
0x29e: {  	v2 =	vld [tilespmem:s14+$0xFFFFFFF0];
	_ =	sdelay $0x2  }
0x29f: {  	v1 =	vmul.f32 $1.131370830e+01, v1;
	_ =	sdelay $0x1  }
0x2a0: {  	v1 =	vadd.f32 v2, v1;
	_ =	sdelay $0x1  }
0x2a1: {  	[tilespmem:s15+$0x60] =	vst v1  }
0x2a2: {  	v1 =	vld [tilespmem:s3+$0x70];
	_ =	sdelay $0x1  }
0x2a3: {  	v2 =	vld [tilespmem:s14+$0x0];
	_ =	sdelay $0x2  }
0x2a4: {  	v1 =	vmul.f32 $1.131370830e+01, v1;
	_ =	sdelay $0x1  }
0x2a5: {  	v1 =	vadd.f32 v2, v1  }
0x2a6: {  	s18 =	simm.s32 $0x0;
	s20 =	simm.s32 $0x13A80  }
.LBB2_11:
0x2a7: {  	s18 =	sadd.s32 $0x2, s18;
	[tilespmem:s15+$0x70] =	vst v1;
	s14 =	sadd.s32 $0x100, s14;
	s3 =	sadd.s32 $0x100, s3  }
0x2a8: {  	s15 =	smov.u32 s20;
	v1 =	vld [tilespmem:s3+$0xFFFFFF80];
	p1 =	slt.u32 s18, $0x62;
	_ =	sdelay $0x1  }
0x2a9: {  	v2 =	vld [tilespmem:s14+$0xFFFFFF10];
	_ =	sdelay $0x2  }
0x2aa: {  	v1 =	vmul.f32 $1.131370830e+01, v1;
	_ =	sdelay $0x1  }
0x2ab: {  	v1 =	vadd.f32 v2, v1;
	_ =	sdelay $0x1  }
0x2ac: {  	[tilespmem:s20+$0xFFFFFF80] =	vst v1  }
0x2ad: {  	v1 =	vld [tilespmem:s3+$0xFFFFFF90];
	_ =	sdelay $0x1  }
0x2ae: {  	v2 =	vld [tilespmem:s14+$0xFFFFFF20];
	_ =	sdelay $0x2  }
0x2af: {  	v1 =	vmul.f32 $1.131370830e+01, v1;
	_ =	sdelay $0x1  }
0x2b0: {  	v1 =	vadd.f32 v2, v1;
	_ =	sdelay $0x1  }
0x2b1: {  	[tilespmem:s20+$0xFFFFFF90] =	vst v1  }
0x2b2: {  	v1 =	vld [tilespmem:s3+$0xFFFFFFA0];
	_ =	sdelay $0x1  }
0x2b3: {  	v2 =	vld [tilespmem:s14+$0xFFFFFF30];
	_ =	sdelay $0x2  }
0x2b4: {  	v1 =	vmul.f32 $1.131370830e+01, v1;
	_ =	sdelay $0x1  }
0x2b5: {  	v1 =	vadd.f32 v2, v1;
	_ =	sdelay $0x1  }
0x2b6: {  	[tilespmem:s20+$0xFFFFFFA0] =	vst v1  }
0x2b7: {  	v1 =	vld [tilespmem:s3+$0xFFFFFFB0];
	_ =	sdelay $0x1  }
0x2b8: {  	v2 =	vld [tilespmem:s14+$0xFFFFFF40];
	_ =	sdelay $0x2  }
0x2b9: {  	v1 =	vmul.f32 $1.131370830e+01, v1;
	_ =	sdelay $0x1  }
0x2ba: {  	v1 =	vadd.f32 v2, v1;
	_ =	sdelay $0x1  }
0x2bb: {  	[tilespmem:s20+$0xFFFFFFB0] =	vst v1  }
0x2bc: {  	v1 =	vld [tilespmem:s3+$0xFFFFFFC0];
	_ =	sdelay $0x1  }
0x2bd: {  	v2 =	vld [tilespmem:s14+$0xFFFFFF50];
	_ =	sdelay $0x2  }
0x2be: {  	v1 =	vmul.f32 $1.131370830e+01, v1;
	_ =	sdelay $0x1  }
0x2bf: {  	v1 =	vadd.f32 v2, v1;
	_ =	sdelay $0x1  }
0x2c0: {  	[tilespmem:s20+$0xFFFFFFC0] =	vst v1  }
0x2c1: {  	v1 =	vld [tilespmem:s3+$0xFFFFFFD0];
	_ =	sdelay $0x1  }
0x2c2: {  	v2 =	vld [tilespmem:s14+$0xFFFFFF60];
	_ =	sdelay $0x2  }
0x2c3: {  	v1 =	vmul.f32 $1.131370830e+01, v1;
	_ =	sdelay $0x1  }
0x2c4: {  	v1 =	vadd.f32 v2, v1;
	_ =	sdelay $0x1  }
0x2c5: {  	[tilespmem:s20+$0xFFFFFFD0] =	vst v1  }
0x2c6: {  	v1 =	vld [tilespmem:s3+$0xFFFFFFE0];
	_ =	sdelay $0x1  }
0x2c7: {  	v2 =	vld [tilespmem:s14+$0xFFFFFF70];
	_ =	sdelay $0x2  }
0x2c8: {  	v1 =	vmul.f32 $1.131370830e+01, v1;
	_ =	sdelay $0x1  }
0x2c9: {  	v1 =	vadd.f32 v2, v1;
	_ =	sdelay $0x1  }
0x2ca: {  	[tilespmem:s20+$0xFFFFFFE0] =	vst v1  }
0x2cb: {  	v1 =	vld [tilespmem:s3+$0xFFFFFFF0];
	_ =	sdelay $0x1  }
0x2cc: {  	v2 =	vld [tilespmem:s14+$0xFFFFFF80];
	_ =	sdelay $0x2  }
0x2cd: {  	v1 =	vmul.f32 $1.131370830e+01, v1;
	_ =	sdelay $0x1  }
0x2ce: {  	v1 =	vadd.f32 v2, v1;
	_ =	sdelay $0x1  }
0x2cf: {  	[tilespmem:s20+$0xFFFFFFF0] =	vst v1  }
0x2d0: {  	v1 =	vld [tilespmem:s3+$0x0];
	_ =	sdelay $0x1  }
0x2d1: {  	v2 =	vld [tilespmem:s14+$0xFFFFFF90];
	_ =	sdelay $0x2  }
0x2d2: {  	v1 =	vmul.f32 $1.131370830e+01, v1;
	_ =	sdelay $0x1  }
0x2d3: {  	v1 =	vadd.f32 v2, v1;
	_ =	sdelay $0x1  }
0x2d4: {  	[tilespmem:s20+$0x0] =	vst v1  }
0x2d5: {  	v1 =	vld [tilespmem:s3+$0x10]  }
0x2d6: {  	v2 =	vld [tilespmem:s14+$0xFFFFFFA0];
	_ =	sdelay $0x3  }
0x2d7: {  	v1 =	vmul.f32 $1.131370830e+01, v1;
	_ =	sdelay $0x1  }
0x2d8: {  	v1 =	vadd.f32 v2, v1;
	_ =	sdelay $0x1  }
0x2d9: {  	[tilespmem:s20+$0x10] =	vst v1  }
0x2da: {  	v1 =	vld [tilespmem:s3+$0x20]  }
0x2db: {  	v2 =	vld [tilespmem:s14+$0xFFFFFFB0];
	_ =	sdelay $0x3  }
0x2dc: {  	v1 =	vmul.f32 $1.131370830e+01, v1;
	_ =	sdelay $0x1  }
0x2dd: {  	v1 =	vadd.f32 v2, v1;
	_ =	sdelay $0x1  }
0x2de: {  	[tilespmem:s20+$0x20] =	vst v1  }
0x2df: {  	v1 =	vld [tilespmem:s3+$0x30]  }
0x2e0: {  	v2 =	vld [tilespmem:s14+$0xFFFFFFC0];
	_ =	sdelay $0x3  }
0x2e1: {  	v1 =	vmul.f32 $1.131370830e+01, v1;
	_ =	sdelay $0x1  }
0x2e2: {  	v1 =	vadd.f32 v2, v1;
	_ =	sdelay $0x1  }
0x2e3: {  	[tilespmem:s20+$0x30] =	vst v1  }
0x2e4: {  	v1 =	vld [tilespmem:s3+$0x40]  }
0x2e5: {  	v2 =	vld [tilespmem:s14+$0xFFFFFFD0];
	_ =	sdelay $0x3  }
0x2e6: {  	v1 =	vmul.f32 $1.131370830e+01, v1;
	_ =	sdelay $0x1  }
0x2e7: {  	v1 =	vadd.f32 v2, v1;
	_ =	sdelay $0x1  }
0x2e8: {  	[tilespmem:s20+$0x40] =	vst v1  }
0x2e9: {  	v1 =	vld [tilespmem:s3+$0x50]  }
0x2ea: {  	v2 =	vld [tilespmem:s14+$0xFFFFFFE0];
	_ =	sdelay $0x3  }
0x2eb: {  	v1 =	vmul.f32 $1.131370830e+01, v1;
	_ =	sdelay $0x1  }
0x2ec: {  	v1 =	vadd.f32 v2, v1;
	_ =	sdelay $0x1  }
0x2ed: {  	[tilespmem:s20+$0x50] =	vst v1  }
0x2ee: {  	v1 =	vld [tilespmem:s3+$0x60]  }
0x2ef: {  	v2 =	vld [tilespmem:s14+$0xFFFFFFF0];
	_ =	sdelay $0x3  }
0x2f0: {  	v1 =	vmul.f32 $1.131370830e+01, v1;
	_ =	sdelay $0x1  }
0x2f1: {  	v1 =	vadd.f32 v2, v1;
	_ =	sdelay $0x1  }
0x2f2: {  	[tilespmem:s20+$0x60] =	vst v1  }
0x2f3: {  	v1 =	vld [tilespmem:s3+$0x70]  }
0x2f4: {  	v2 =	vld [tilespmem:s14+$0x0];
	_ =	sdelay $0x2  }
.Ltmp4:
0x2f5: {  	(pc) =	sbr.rel @p1 .LBB2_11-.Ltmp4, $3  }
0x2f6: {  	v1 =	vmul.f32 $1.131370830e+01, v1;
	_ =	sdelay $0x1  }
0x2f7: {  	v1 =	vadd.f32 v2, v1  }
0x2f8: {  	s20 =	sadd.s32 $0x100, s20  }
0x2f9: {  	s2 =	sadd.s32 @!p0 $0x180, s2  }
0x2fa: {  	[tilespmem:s15+$0x70] =	vst v1;
	s3 =	simm.s32 @!p0 $0x64;
	s14 =	simm.s32 @!p0 $0xD100;
	s31 =	sadd.s32 $0x1, s31  }
0x2fb: {  	[tilespmem:s14], [sflag:$0x2] =	stream.indirect.gather @!p0 [hbm4b:s1+s3], $0x80, s2, s3, $0xb8;
	[tilespmem:$0x18600] =	vst v63  }
0x2fc: {  	s0 =	sor.u32 $0x1, s0;
	p0 =	sne.s32 s31, $0x20  }
.Ltmp5:
0x2fd: {  	s0 =	sadd.s32 s9, s0;
	(pc) =	sbr.rel @p0 .LBB2_8-.Ltmp5, $3  }
0x2fe: {  	s0 =	smul.u32 $0x680, s0;
	_ =	sdelay $0x1  }
0x2ff: {  	s0 =	sadd.s32 s5, s0  }
0x300: {  	[hbm4b:s0+s4] =	stream.linear.scatter [tilespmem:s26], [sflag:$0x4], $0x3200, $0x38;
	[tilespmem:$0x18600] =	vst v63  }
0x301: {  	s30 =	sadd.s32 $0x1, s30  }
0x302: {  	_ =	swait.ge [sflag:s28], $0x3200;
	p0 =	sne.s32 s30, s12  }
.Ltmp6:
0x303: {  	[sflag:s28] =	ssyncset.done $0x0;
	(pc) =	sbr.rel @p0 .LBB2_1-.Ltmp6, $4  }
0x304: {  	[sflag:s28] =	ssyncadd.s32 $0xFFFFCE00  }
0x305: {  	_ =	swait.ge [sflag:s29], $0x3200  }
0x306: {  	[sflag:s29] =	ssyncset.done $0x0  }
0x307: {  	[sflag:s29] =	ssyncadd.s32 $0xFFFFCE00  }
0x308: {  	_ =	sfence.sel $0x180000  }
0x309: {  	[bflag:$0x0] =	sbarrier.arrive $0xFFFF  }
0x30a: {  	_ =	strace $0x90000047  }
0x30b: {  	s0 =	stileid.u32;
	[bflag:$0x2] =	sbarrier.arrive $0xFFFF  }
0x30c: {  	p0 =	sne.s32 s0, $0x0;
	s0 =	rddreg [dreg:$0x4]  }
0x30d: {  	s0 =	sadd.s32 @!p0 $0x100000, s0  }
0x30e: {  	[sflag:s0] =	ssyncadd.tile.s32 @!p0 $0x1;
	_ =	shalt  }
.Lfunc_end2:
_tile_overlayer_lowered:
.L_overlay_start_2:
0x30f: {  	(tag) =	ssettag $0x2  }
0x310: {  	s0 =	rddreg [dreg:$0x0];
	s2 =	stileid.u32  }
0x311: {  	s1 =	rddreg [dreg:$0x1];
	p0 =	sne.s32 s2, $0x0  }
0x312: {  	s3 =	rddreg [dreg:$0x2];
	[bflag:$0x3] =	sbarrier.arrive $0xFFFF;
	s2 =	simm.s32 @!p0 $0x1C05  }
0x313: {  	[timem:s3], [sflag:s2] =	dma.local @!p0 [hbm:s0], s1  }
0x314: {  	s0 =	simm.s32 @!p0 $0x5  }
0x315: {  	_ =	swait.ge @!p0 [sflag:s0], s1  }
0x316: {  	s1 =	ssub.s32 @!p0 $0x0, s1;
	[sflag:s0] =	ssyncset.done @!p0 $0x0  }
0x317: {  	[sflag:s0] =	ssyncadd.s32 @!p0 s1  }
0x318: {  	[bflag:$0x3] =	sbarrier.arrive $0xFFFF  }
0x319: {  	_ =	shalt  }

</sc_bundles>
